<compile_context>
chip_gen: v7x
topology: tpu7x:2x2x1
jax: 0.10.2.dev20260603
libtpu: 0.0.44.dev20260713+nightly
codegen_flags: <defaults>
</compile_context>

<pallas_src>
import functools
import math

import jax
import jax.numpy as jnp
from jax import lax
from jax.experimental import pallas as pl
from jax.experimental.pallas import tpu as pltpu
from jax.experimental.pallas import tpu_sc as plsc

_LOG2 = math.log(2.0)


def _ssp(t):
    return jnp.where(t > 60.0, t - _LOG2, jnp.log(0.5 * jnp.exp(t) + 0.5))



def _f_body(x_ref, wf_ref, bf_ref, o_ref):
    o_ref[...] = (
        jnp.dot(x_ref[...], wf_ref[...], preferred_element_type=jnp.float32)
        + bf_ref[...]
    )


def _edge_body(dijk_ref, fjj_ref, w1_ref, b1_ref, w2_ref, b2_ref, o_ref):
    h = _ssp(jnp.dot(dijk_ref[...], w1_ref[...],
                     preferred_element_type=jnp.float32) + b1_ref[...])
    w = _ssp(jnp.dot(h, w2_ref[...],
                     preferred_element_type=jnp.float32) + b2_ref[...])
    o_ref[...] = w * fjj_ref[...]


def _out_body(*refs):
    conv_refs = refs[:-7]
    x_ref, wo_ref, bo_ref, wd_ref, bd_ref, y_ref, v_ref = refs[-7:]
    conv = conv_refs[0][0] + conv_refs[0][1]
    for c_ref in conv_refs[1:]:
        conv = conv + c_ref[0] + c_ref[1]
    h2 = _ssp(jnp.dot(conv, wo_ref[...],
                      preferred_element_type=jnp.float32) + bo_ref[...])
    v = jnp.dot(h2, wd_ref[...], preferred_element_type=jnp.float32) + bd_ref[...]
    v_ref[...] = v
    y_ref[...] = x_ref[...] + v



_NC = 2
_NS = 16
_NW = _NC * _NS
_CG = 256
_G = _CG // 128
_CS = 128
_GS = _CS // 128
_S = 2


def _drain(dummy_hbm, dst, sem):
    pltpu.make_async_copy(dummy_hbm, dst, sem).wait()


def _sc_gather(f_hbm, jj_hbm, o_hbm,
               fbuf0, fbuf1, jbuf0, jbuf1, sg0, sg1, so0, so1, co=0):
    nch = o_hbm.shape[0] // _CG
    k_max = (nch + 2 * _NW - 1) // (2 * _NW) * 2
    wid = lax.axis_index("s") * _NC + lax.axis_index("c")
    bufs = ((fbuf0, jbuf0, sg0, so0), (fbuf1, jbuf1, sg1, so1))
    dummy = f_hbm.at[pl.ds(0, _CG)]

    def fire(k, b):
        fbuf, jbuf, sg, _ = bufs[b]
        ci = wid + k * _NW

        @pl.when((ci >= 0) & (ci < nch))
        def _():
            pltpu.sync_copy(jj_hbm.at[pl.ds((co + ci) * _G, _G)], jbuf)
            for g in range(_G):
                pltpu.async_copy(f_hbm.at[jbuf.at[g]],
                                 fbuf.at[pl.ds(g * 128, 128)], sg)

    def finish(k, b):
        fbuf, _, sg, so = bufs[b]
        ci = wid + k * _NW

        @pl.when((ci >= 0) & (ci < nch))
        def _():
            _drain(dummy, fbuf, sg)
            pltpu.async_copy(fbuf, o_hbm.at[pl.ds(ci * _CG, _CG)], so)

    def drain_out(k, b):
        fbuf, _, _, so = bufs[b]
        ci = wid + k * _NW

        @pl.when((ci >= 0) & (ci < nch))
        def _():
            _drain(dummy, fbuf, so)

    fire(0, 0)

    def body(k2, carry):
        for b in range(2):
            k = 2 * k2 + b
            nb = 1 - b
            drain_out(k - 1, nb)
            fire(k + 1, nb)
            finish(k, b)
        return carry

    lax.fori_loop(0, k_max // 2, body, 0)
    drain_out(k_max - 1, (k_max - 1) % 2)
    drain_out(k_max, k_max % 2)


def _sc_scatter(wf_hbm, ii_hbm, z_hbm, o_hbm,
                wbuf0, wbuf1, ibuf0, ibuf1, si0, si1, ss0, ss1, acc, co=0):
    n_pad = o_hbm.shape[1]
    nch = wf_hbm.shape[0] // _CS
    k_max = (nch + 2 * _NW - 1) // (2 * _NW) * 2
    cid = lax.axis_index("c")
    sid = lax.axis_index("s")
    wid = sid * _NC + cid
    rows = n_pad // _NS
    bufs = ((wbuf0, ibuf0, si0, ss0), (wbuf1, ibuf1, si1, ss1))
    dummy = wf_hbm.at[pl.ds(0, _CS)]

    pltpu.sync_copy(z_hbm.at[pl.ds(sid * rows, rows)],
                    acc.at[pl.ds(sid * rows, rows)])
    plsc.subcore_barrier()

    def fire(k, b):
        wbuf, ibuf, si, _ = bufs[b]
        ci = wid + k * _NW

        @pl.when((ci >= 0) & (ci < nch))
        def _():
            pltpu.sync_copy(ii_hbm.at[pl.ds((co + ci) * _GS, _GS)], ibuf)
            pltpu.async_copy(wf_hbm.at[pl.ds(ci * _CS, _CS)], wbuf, si)

    def finish(k, b):
        wbuf, ibuf, si, ss = bufs[b]
        ci = wid + k * _NW

        @pl.when((ci >= 0) & (ci < nch))
        def _():
            _drain(dummy, wbuf, si)
            for g in range(_GS):
                pltpu.async_copy(wbuf.at[pl.ds(g * 128, 128)],
                                 acc.at[ibuf.at[g]], ss, add=True)

    def drain_sc(k, b):
        wbuf, _, _, ss = bufs[b]
        ci = wid + k * _NW

        @pl.when((ci >= 0) & (ci < nch))
        def _():
            _drain(dummy, wbuf, ss)

    fire(0, 0)

    def body(k2, carry):
        for b in range(2):
            k = 2 * k2 + b
            nb = 1 - b
            drain_sc(k - 1, nb)
            fire(k + 1, nb)
            finish(k, b)
        return carry

    lax.fori_loop(0, k_max // 2, body, 0)
    drain_sc(k_max - 1, (k_max - 1) % 2)
    drain_sc(k_max, k_max % 2)
    plsc.subcore_barrier()
    pltpu.sync_copy(acc.at[pl.ds(sid * rows, rows)],
                    o_hbm.at[cid, pl.ds(sid * rows, rows)])



def kernel(x, dijk, idx_j, seg_i, seg_j, W1, b1, W2, b2, Wf, bf, Wo, bo, Wd, bd):
    n_nodes, d = x.shape
    e_rows = dijk.shape[0]

    pair = jnp.stack([idx_j, seg_i], axis=1)
    pp = jnp.take(pair, seg_j, axis=0)
    jj2 = pp[:, 0].reshape(e_rows // 128, 128)
    ii2 = pp[:, 1].reshape(e_rows // 128, 128)
    n_pad = ((n_nodes + (8 * _NS) - 1) // (8 * _NS)) * (8 * _NS)
    zeros = jnp.zeros((n_pad, d), jnp.float32)

    bn = 2000
    f = pl.pallas_call(
        _f_body,
        grid=(n_nodes // bn,),
        in_specs=[
            pl.BlockSpec((bn, d), lambda i: (i, 0)),
            pl.BlockSpec((d, d), lambda i: (0, 0)),
            pl.BlockSpec((1, d), lambda i: (0, 0)),
        ],
        out_specs=pl.BlockSpec((bn, d), lambda i: (i, 0)),
        out_shape=jax.ShapeDtypeStruct((n_nodes, d), jnp.float32),
    )(x, Wf, bf.reshape(1, d))

    mesh = plsc.VectorSubcoreMesh(core_axis_name="c", subcore_axis_name="s")
    es = e_rows // _S
    be = 2000
    gather_scratch = [
        pltpu.VMEM((_CG, d), jnp.float32),
        pltpu.VMEM((_CG, d), jnp.float32),
        pltpu.VMEM((_G, 128), jnp.int32),
        pltpu.VMEM((_G, 128), jnp.int32),
        pltpu.SemaphoreType.DMA,
        pltpu.SemaphoreType.DMA,
        pltpu.SemaphoreType.DMA,
        pltpu.SemaphoreType.DMA,
    ]
    scatter_scratch = [
        pltpu.VMEM((_CS, d), jnp.float32),
        pltpu.VMEM((_CS, d), jnp.float32),
        pltpu.VMEM((_GS, 128), jnp.int32),
        pltpu.VMEM((_GS, 128), jnp.int32),
        pltpu.SemaphoreType.DMA,
        pltpu.SemaphoreType.DMA,
        pltpu.SemaphoreType.DMA,
        pltpu.SemaphoreType.DMA,
        pltpu.VMEM_SHARED((n_pad, d), jnp.float32),
    ]

    fjjs = [
        pl.kernel(
            functools.partial(_sc_gather, co=s * (es // _CG)),
            out_type=jax.ShapeDtypeStruct((es, d), jnp.float32),
            mesh=mesh,
            scratch_types=gather_scratch,
        )(f, jj2)
        for s in range(_S)
    ]

    wfs = [
        pl.pallas_call(
            _edge_body,
            grid=(es // be,),
            in_specs=[
                pl.BlockSpec((be, d), lambda i, ro=s * (es // be): (i + ro, 0)),
                pl.BlockSpec((be, d), lambda i: (i, 0)),
                pl.BlockSpec((d, d), lambda i: (0, 0)),
                pl.BlockSpec((1, d), lambda i: (0, 0)),
                pl.BlockSpec((d, d), lambda i: (0, 0)),
                pl.BlockSpec((1, d), lambda i: (0, 0)),
            ],
            out_specs=pl.BlockSpec((be, d), lambda i: (i, 0)),
            out_shape=jax.ShapeDtypeStruct((es, d), jnp.float32),
        )(dijk, fjjs[s], W1, b1.reshape(1, d), W2, b2.reshape(1, d))
        for s in range(_S)
    ]

    convs = [
        pl.kernel(
            functools.partial(_sc_scatter, co=s * (es // _CS)),
            out_type=jax.ShapeDtypeStruct((_NC, n_pad, d), jnp.float32),
            mesh=mesh,
            scratch_types=scatter_scratch,
        )(wfs[s], ii2, zeros)
        for s in range(_S)
    ]

    y, v = pl.pallas_call(
        _out_body,
        grid=(n_nodes // bn,),
        in_specs=[
            pl.BlockSpec((_NC, bn, d), lambda i: (0, i, 0))
            for _ in range(len(convs))
        ] + [
            pl.BlockSpec((bn, d), lambda i: (i, 0)),
            pl.BlockSpec((d, d), lambda i: (0, 0)),
            pl.BlockSpec((1, d), lambda i: (0, 0)),
            pl.BlockSpec((d, d), lambda i: (0, 0)),
            pl.BlockSpec((1, d), lambda i: (0, 0)),
        ],
        out_specs=[
            pl.BlockSpec((bn, d), lambda i: (i, 0)),
            pl.BlockSpec((bn, d), lambda i: (i, 0)),
        ],
        out_shape=[
            jax.ShapeDtypeStruct((n_nodes, d), jnp.float32),
            jax.ShapeDtypeStruct((n_nodes, d), jnp.float32),
        ],
    )(*convs, x, Wo, bo.reshape(1, d), Wd, bd.reshape(1, d))
    return (y, v)

# --- scband reference (transcript-rebuilt; emitter-appended) ---
"""Pipeline reference for scband-sch-net-interaction-block-45037027066141 (READ-ONLY COPY).

The authoritative reference and input builder live on the scoring server;
editing this copy changes nothing except your own understanding.
"""

import jax, jax.numpy as jnp
import numpy as np

N = 10000
E = 320000
D = 128


def ssp(x):
    # shifted softplus: log(0.5*e^x + 0.5) = softplus(x) - log(2)
    return jax.nn.softplus(x) - jnp.log(2.0)


def setup_inputs(seed: int = 0) -> dict:
    key = jax.random.key(seed)
    ks = jax.random.split(key, 16)
    s = 1.0 / np.sqrt(D)
    x = jax.random.normal(ks[0], (N, D), dtype=jnp.float32)
    dijk = jax.random.uniform(ks[1], (E, D), dtype=jnp.float32)
    idx_j = jax.random.randint(ks[2], (E,), 0, N, dtype=jnp.int32)
    seg_i = jnp.sort(jax.random.randint(ks[3], (E,), 0, N, dtype=jnp.int32))
    seg_j = jnp.sort(jax.random.randint(ks[4], (E,), 0, E, dtype=jnp.int32))
    W1 = jax.random.normal(ks[5], (D, D), dtype=jnp.float32) * s
    b1 = jnp.zeros((D,), dtype=jnp.float32)
    W2 = jax.random.normal(ks[6], (D, D), dtype=jnp.float32) * s
    b2 = jnp.zeros((D,), dtype=jnp.float32)
    Wf = jax.random.normal(ks[7], (D, D), dtype=jnp.float32) * s
    bf = jnp.zeros((D,), dtype=jnp.float32)
    Wo = jax.random.normal(ks[8], (D, D), dtype=jnp.float32) * s
    bo = jnp.zeros((D,), dtype=jnp.float32)
    Wd = jax.random.normal(ks[9], (D, D), dtype=jnp.float32) * s
    bd = jnp.zeros((D,), dtype=jnp.float32)
    return {"x": x, "dijk": dijk, "idx_j": idx_j, "seg_i": seg_i, "seg_j": seg_j,
            "W1": W1, "b1": b1, "W2": W2, "b2": b2,
            "Wf": Wf, "bf": bf, "Wo": Wo, "bo": bo, "Wd": Wd, "bd": bd}


def reference(x, dijk, idx_j, seg_i, seg_j, W1, b1, W2, b2, Wf, bf, Wo, bo, Wd, bd):
    n_nodes = x.shape[0]
    n_pairs = idx_j.shape[0]
    # SchNetFilter: two ssp dense layers on expanded distances, then pool triples->pairs via seg_j
    h = ssp(dijk @ W1 + b1)
    w_ijk = ssp(h @ W2 + b2)
    w_ij = jax.ops.segment_sum(w_ijk, seg_j, num_segments=n_pairs)
    # CFConv: in2f dense, gather neighbor features, elementwise filter, segment-sum to nodes, f2out ssp dense
    f = x @ Wf + bf
    f_j = jnp.take(f, idx_j, axis=0)
    wf = f_j * w_ij
    conv = jax.ops.segment_sum(wf, seg_i, num_segments=n_nodes)
    h2 = ssp(conv @ Wo + bo)
    # output dense + residual
    v = h2 @ Wd + bd
    y = x + v
    return (y, v)

if __name__ == "__main__":
    import jax
    _d = setup_inputs()
    print(jax.jit(kernel)(*tuple(_d.values())))

</pallas_src>

<mosaic_0001>
#map = affine_map<(d0, d1) -> (0, 0)>
#map1 = affine_map<(d0, d1) -> (0, 0, 0)>
module attributes {stable_mosaic.version = 14 : i64} {
  func.func @_sc_scatter(%arg0: i32, %arg1: i32, %arg2: memref<160000x128xf32, #tpu.memory_space<hbm>>, %arg3: memref<2500x128xi32, #tpu.memory_space<hbm>>, %arg4: memref<10112x128xf32, #tpu.memory_space<hbm>>, %arg5: memref<2x10112x128xf32, #tpu.memory_space<hbm>>, %arg6: memref<128x128xf32, #tpu.memory_space<vmem>>, %arg7: memref<128x128xf32, #tpu.memory_space<vmem>>, %arg8: memref<1x128xi32, #tpu.memory_space<vmem>>, %arg9: memref<1x128xi32, #tpu.memory_space<vmem>>, %arg10: memref<!tpu.dma_semaphore, #tpu.memory_space<semaphore_mem>>, %arg11: memref<!tpu.dma_semaphore, #tpu.memory_space<semaphore_mem>>, %arg12: memref<!tpu.dma_semaphore, #tpu.memory_space<semaphore_mem>>, %arg13: memref<!tpu.dma_semaphore, #tpu.memory_space<semaphore_mem>>, %arg14: memref<10112x128xf32, #tpu.memory_space<vmem_shared>>) attributes {dimension_semantics = [#tpu.dimension_semantics<core_parallel>, #tpu.dimension_semantics<subcore_parallel>], iteration_bounds = array<i64: 2, 16>, scalar_prefetch = 0 : i64, scratch_operands = 9 : i64, tpu.core_type = #tpu.core_type<sc_vector_subcore>, window_params = [{transform_indices = #map}, {transform_indices = #map}, {transform_indices = #map}, {transform_indices = #map1}]} {
    %mul3A = arith.constant 2 : i32
    %mul3A_0 = arith.muli %arg1, %mul3A : i32
    %add3A = arith.addi %mul3A_0, %arg0 : i32
    %mul3A_1 = arith.constant 632 : i32
    %mul3A_2 = arith.muli %arg1, %mul3A_1 : i32
    %mul3A_3 = arith.constant 632 : i32
    %mul3A_4 = arith.muli %arg1, %mul3A_3 : i32
    "tpu.region"() ({
      %run_scoped3A = tpu.sem_alloc : memref<!tpu.dma_semaphore, #tpu.memory_space<semaphore_mem>>
      %dma_start3A = arith.constant 0 : i32
      %dma_start3A_40 = tpu.memref_slice %arg14[%mul3A_4, %dma_start3A] : memref<10112x128xf32, #tpu.memory_space<vmem_shared>> -> memref<632x128xf32, #tpu.memory_space<vmem_shared>>
      %dma_start3A_41 = arith.constant 0 : i32
      %dma_start3A_42 = tpu.memref_slice %arg4[%mul3A_2, %dma_start3A_41] : memref<10112x128xf32, #tpu.memory_space<hbm>> -> memref<632x128xf32, #tpu.memory_space<hbm>>
      tpu.enqueue_dma source(%dma_start3A_42 : memref<632x128xf32, #tpu.memory_space<hbm>>) target(%dma_start3A_40 : memref<632x128xf32, #tpu.memory_space<vmem_shared>>) target_semaphore(%run_scoped3A : memref<!tpu.dma_semaphore, #tpu.memory_space<semaphore_mem>>)
      %dma_wait3A = arith.constant 0 : i32
      %dma_wait3A_43 = tpu.memref_slice %arg14[%mul3A_4, %dma_wait3A] : memref<10112x128xf32, #tpu.memory_space<vmem_shared>> -> memref<632x128xf32, #tpu.memory_space<vmem_shared>>
      %dma_wait3A_44 = arith.constant 0 : i32
      %dma_wait3A_45 = tpu.memref_slice %arg4[%mul3A_2, %dma_wait3A_44] : memref<10112x128xf32, #tpu.memory_space<hbm>> -> memref<632x128xf32, #tpu.memory_space<hbm>>
      tpu.wait_dma2 semaphore(%run_scoped3A : memref<!tpu.dma_semaphore, #tpu.memory_space<semaphore_mem>>) src(%dma_wait3A_45 : memref<632x128xf32, #tpu.memory_space<hbm>>) dst(%dma_wait3A_43 : memref<632x128xf32, #tpu.memory_space<vmem_shared>>)
      tpu.yield
    }) : () -> ()
    %barrier3A = arith.constant 0 : index
    tpu.barrier barrier_id(%barrier3A)
    %add3A_5 = arith.constant 0 : i32
    %add3A_6 = arith.addi %add3A, %add3A_5 : i32
    %ge3A = arith.constant 0 : i32
    %ge3A_7 = arith.cmpi sge, %add3A_6, %ge3A : i32
    %lt3A = arith.constant 1250 : i32
    %lt3A_8 = arith.cmpi slt, %add3A_6, %lt3A : i32
    %and3A = arith.andi %ge3A_7, %lt3A_8 : i1
    %convert_element_type3A = arith.extui %and3A : i1 to i32
    %cond3A = arith.constant 0 : i32
    %cond3A_9 = arith.cmpi ne, %convert_element_type3A, %cond3A : i32
    scf.if %cond3A_9 {
      %add3A_40 = arith.constant 1250 : i32
      %add3A_41 = arith.addi %add3A_40, %add3A_6 : i32
      %mul3A_42 = arith.constant 1 : i32
      %mul3A_43 = arith.muli %add3A_41, %mul3A_42 : i32
      "tpu.region"() ({
        %run_scoped3A = tpu.sem_alloc : memref<!tpu.dma_semaphore, #tpu.memory_space<semaphore_mem>>
        %dma_start3A_49 = arith.constant 0 : i32
        %dma_start3A_50 = tpu.memref_slice %arg3[%mul3A_43, %dma_start3A_49] : memref<2500x128xi32, #tpu.memory_space<hbm>> -> memref<1x128xi32, #tpu.memory_space<hbm>>
        %dma_start3A_51 = arith.constant 0 : i32
        %dma_start3A_52 = tpu.memref_slice %arg3[%mul3A_43, %dma_start3A_51] : memref<2500x128xi32, #tpu.memory_space<hbm>> -> memref<1x128xi32, #tpu.memory_space<hbm>>
        tpu.enqueue_dma source(%dma_start3A_52 : memref<1x128xi32, #tpu.memory_space<hbm>>) target(%arg8 : memref<1x128xi32, #tpu.memory_space<vmem>>) target_semaphore(%run_scoped3A : memref<!tpu.dma_semaphore, #tpu.memory_space<semaphore_mem>>)
        %dma_wait3A = arith.constant 0 : i32
        %dma_wait3A_53 = tpu.memref_slice %arg3[%mul3A_43, %dma_wait3A] : memref<2500x128xi32, #tpu.memory_space<hbm>> -> memref<1x128xi32, #tpu.memory_space<hbm>>
        %dma_wait3A_54 = arith.constant 0 : i32
        %dma_wait3A_55 = tpu.memref_slice %arg3[%mul3A_43, %dma_wait3A_54] : memref<2500x128xi32, #tpu.memory_space<hbm>> -> memref<1x128xi32, #tpu.memory_space<hbm>>
        tpu.wait_dma2 semaphore(%run_scoped3A : memref<!tpu.dma_semaphore, #tpu.memory_space<semaphore_mem>>) src(%dma_wait3A_55 : memref<1x128xi32, #tpu.memory_space<hbm>>) dst(%arg8 : memref<1x128xi32, #tpu.memory_space<vmem>>)
        tpu.yield
      }) : () -> ()
      %mul3A_44 = arith.constant 128 : i32
      %mul3A_45 = arith.muli %add3A_6, %mul3A_44 : i32
      %dma_start3A = arith.constant 0 : i32
      %dma_start3A_46 = tpu.memref_slice %arg2[%mul3A_45, %dma_start3A] : memref<160000x128xf32, #tpu.memory_space<hbm>> -> memref<128x128xf32, #tpu.memory_space<hbm>>
      %dma_start3A_47 = arith.constant 0 : i32
      %dma_start3A_48 = tpu.memref_slice %arg2[%mul3A_45, %dma_start3A_47] : memref<160000x128xf32, #tpu.memory_space<hbm>> -> memref<128x128xf32, #tpu.memory_space<hbm>>
      tpu.enqueue_dma source(%dma_start3A_48 : memref<128x128xf32, #tpu.memory_space<hbm>>) target(%arg6 : memref<128x128xf32, #tpu.memory_space<vmem>>) target_semaphore(%arg10 : memref<!tpu.dma_semaphore, #tpu.memory_space<semaphore_mem>>)
    } else {
    }
    %scan3A = arith.constant 0 : i32
    %scan3A_10 = arith.constant 0 : i32
    %scan3A_11 = arith.constant 20 : i32
    %scan3A_12 = arith.addi %scan3A_10, %scan3A_11 : i32
    %scan3A_13 = arith.constant 1 : i32
    scf.for %scan3A_40 = %scan3A_10 to %scan3A_12 step %scan3A_13  : i32 {
      %mul3A_41 = arith.constant 2 : i32
      %mul3A_42 = arith.muli %mul3A_41, %scan3A_40 : i32
      %add3A_43 = arith.constant 0 : i32
      %add3A_44 = arith.addi %mul3A_42, %add3A_43 : i32
      %sub3A = arith.constant 1 : i32
      %sub3A_45 = arith.subi %add3A_44, %sub3A : i32
      %mul3A_46 = arith.constant 32 : i32
      %mul3A_47 = arith.muli %sub3A_45, %mul3A_46 : i32
      %add3A_48 = arith.addi %add3A, %mul3A_47 : i32
      %ge3A_49 = arith.constant 0 : i32
      %ge3A_50 = arith.cmpi sge, %add3A_48, %ge3A_49 : i32
      %lt3A_51 = arith.constant 1250 : i32
      %lt3A_52 = arith.cmpi slt, %add3A_48, %lt3A_51 : i32
      %and3A_53 = arith.andi %ge3A_50, %lt3A_52 : i1
      %convert_element_type3A_54 = arith.extui %and3A_53 : i1 to i32
      %cond3A_55 = arith.constant 0 : i32
      %cond3A_56 = arith.cmpi ne, %convert_element_type3A_54, %cond3A_55 : i32
      scf.if %cond3A_56 {
        %dma_wait3A = arith.constant 0 : i32
        %dma_wait3A_122 = arith.constant 0 : i32
        %dma_wait3A_123 = tpu.memref_slice %arg2[%dma_wait3A, %dma_wait3A_122] : memref<160000x128xf32, #tpu.memory_space<hbm>> -> memref<128x128xf32, #tpu.memory_space<hbm>>
        %dma_wait3A_124 = arith.constant 0 : i32
        %dma_wait3A_125 = arith.constant 0 : i32
        %dma_wait3A_126 = tpu.memref_slice %arg2[%dma_wait3A_124, %dma_wait3A_125] : memref<160000x128xf32, #tpu.memory_space<hbm>> -> memref<128x128xf32, #tpu.memory_space<hbm>>
        tpu.wait_dma2 semaphore(%arg13 : memref<!tpu.dma_semaphore, #tpu.memory_space<semaphore_mem>>) src(%dma_wait3A_126 : memref<128x128xf32, #tpu.memory_space<hbm>>) dst(%arg7 : memref<128x128xf32, #tpu.memory_space<vmem>>)
      } else {
      }
      %add3A_57 = arith.constant 1 : i32
      %add3A_58 = arith.addi %add3A_44, %add3A_57 : i32
      %mul3A_59 = arith.constant 32 : i32
      %mul3A_60 = arith.muli %add3A_58, %mul3A_59 : i32
      %add3A_61 = arith.addi %add3A, %mul3A_60 : i32
      %ge3A_62 = arith.constant 0 : i32
      %ge3A_63 = arith.cmpi sge, %add3A_61, %ge3A_62 : i32
      %lt3A_64 = arith.constant 1250 : i32
      %lt3A_65 = arith.cmpi slt, %add3A_61, %lt3A_64 : i32
      %and3A_66 = arith.andi %ge3A_63, %lt3A_65 : i1
      %convert_element_type3A_67 = arith.extui %and3A_66 : i1 to i32
      %cond3A_68 = arith.constant 0 : i32
      %cond3A_69 = arith.cmpi ne, %convert_element_type3A_67, %cond3A_68 : i32
      scf.if %cond3A_69 {
        %add3A_122 = arith.constant 1250 : i32
        %add3A_123 = arith.addi %add3A_122, %add3A_61 : i32
        %mul3A_124 = arith.constant 1 : i32
        %mul3A_125 = arith.muli %add3A_123, %mul3A_124 : i32
        "tpu.region"() ({
          %run_scoped3A = tpu.sem_alloc : memref<!tpu.dma_semaphore, #tpu.memory_space<semaphore_mem>>
          %dma_start3A_131 = arith.constant 0 : i32
          %dma_start3A_132 = tpu.memref_slice %arg3[%mul3A_125, %dma_start3A_131] : memref<2500x128xi32, #tpu.memory_space<hbm>> -> memref<1x128xi32, #tpu.memory_space<hbm>>
          %dma_start3A_133 = arith.constant 0 : i32
          %dma_start3A_134 = tpu.memref_slice %arg3[%mul3A_125, %dma_start3A_133] : memref<2500x128xi32, #tpu.memory_space<hbm>> -> memref<1x128xi32, #tpu.memory_space<hbm>>
          tpu.enqueue_dma source(%dma_start3A_134 : memref<1x128xi32, #tpu.memory_space<hbm>>) target(%arg9 : memref<1x128xi32, #tpu.memory_space<vmem>>) target_semaphore(%run_scoped3A : memref<!tpu.dma_semaphore, #tpu.memory_space<semaphore_mem>>)
          %dma_wait3A = arith.constant 0 : i32
          %dma_wait3A_135 = tpu.memref_slice %arg3[%mul3A_125, %dma_wait3A] : memref<2500x128xi32, #tpu.memory_space<hbm>> -> memref<1x128xi32, #tpu.memory_space<hbm>>
          %dma_wait3A_136 = arith.constant 0 : i32
          %dma_wait3A_137 = tpu.memref_slice %arg3[%mul3A_125, %dma_wait3A_136] : memref<2500x128xi32, #tpu.memory_space<hbm>> -> memref<1x128xi32, #tpu.memory_space<hbm>>
          tpu.wait_dma2 semaphore(%run_scoped3A : memref<!tpu.dma_semaphore, #tpu.memory_space<semaphore_mem>>) src(%dma_wait3A_137 : memref<1x128xi32, #tpu.memory_space<hbm>>) dst(%arg9 : memref<1x128xi32, #tpu.memory_space<vmem>>)
          tpu.yield
        }) : () -> ()
        %mul3A_126 = arith.constant 128 : i32
        %mul3A_127 = arith.muli %add3A_61, %mul3A_126 : i32
        %dma_start3A = arith.constant 0 : i32
        %dma_start3A_128 = tpu.memref_slice %arg2[%mul3A_127, %dma_start3A] : memref<160000x128xf32, #tpu.memory_space<hbm>> -> memref<128x128xf32, #tpu.memory_space<hbm>>
        %dma_start3A_129 = arith.constant 0 : i32
        %dma_start3A_130 = tpu.memref_slice %arg2[%mul3A_127, %dma_start3A_129] : memref<160000x128xf32, #tpu.memory_space<hbm>> -> memref<128x128xf32, #tpu.memory_space<hbm>>
        tpu.enqueue_dma source(%dma_start3A_130 : memref<128x128xf32, #tpu.memory_space<hbm>>) target(%arg7 : memref<128x128xf32, #tpu.memory_space<vmem>>) target_semaphore(%arg11 : memref<!tpu.dma_semaphore, #tpu.memory_space<semaphore_mem>>)
      } else {
      }
      %mul3A_70 = arith.constant 32 : i32
      %mul3A_71 = arith.muli %add3A_44, %mul3A_70 : i32
      %add3A_72 = arith.addi %add3A, %mul3A_71 : i32
      %ge3A_73 = arith.constant 0 : i32
      %ge3A_74 = arith.cmpi sge, %add3A_72, %ge3A_73 : i32
      %lt3A_75 = arith.constant 1250 : i32
      %lt3A_76 = arith.cmpi slt, %add3A_72, %lt3A_75 : i32
      %and3A_77 = arith.andi %ge3A_74, %lt3A_76 : i1
      %convert_element_type3A_78 = arith.extui %and3A_77 : i1 to i32
      %cond3A_79 = arith.constant 0 : i32
      %cond3A_80 = arith.cmpi ne, %convert_element_type3A_78, %cond3A_79 : i32
      scf.if %cond3A_80 {
        %dma_wait3A = arith.constant 0 : i32
        %dma_wait3A_122 = arith.constant 0 : i32
        %dma_wait3A_123 = tpu.memref_slice %arg2[%dma_wait3A, %dma_wait3A_122] : memref<160000x128xf32, #tpu.memory_space<hbm>> -> memref<128x128xf32, #tpu.memory_space<hbm>>
        %dma_wait3A_124 = arith.constant 0 : i32
        %dma_wait3A_125 = arith.constant 0 : i32
        %dma_wait3A_126 = tpu.memref_slice %arg2[%dma_wait3A_124, %dma_wait3A_125] : memref<160000x128xf32, #tpu.memory_space<hbm>> -> memref<128x128xf32, #tpu.memory_space<hbm>>
        tpu.wait_dma2 semaphore(%arg10 : memref<!tpu.dma_semaphore, #tpu.memory_space<semaphore_mem>>) src(%dma_wait3A_126 : memref<128x128xf32, #tpu.memory_space<hbm>>) dst(%arg6 : memref<128x128xf32, #tpu.memory_space<vmem>>)
        %dma_start3A = arith.constant 0 : i32
        %dma_start3A_127 = arith.constant 0 : i32
        %dma_start3A_128 = arith.constant 0 : i32
        %dma_start3A_129 = tpu.memref_slice %arg6[%dma_start3A_127, %dma_start3A_128] : memref<128x128xf32, #tpu.memory_space<vmem>> -> memref<128x128xf32, #tpu.memory_space<vmem>>
        %dma_start3A_130 = arith.constant 0 : i32
        %dma_start3A_131 = tpu.memref_slice %arg8[%dma_start3A, %dma_start3A_130] : memref<1x128xi32, #tpu.memory_space<vmem>> -> memref<1x128xi32, #tpu.memory_space<vmem>>
        %dma_start3A_132 = tpu.memref_squeeze %dma_start3A_131 : memref<1x128xi32, #tpu.memory_space<vmem>> -> memref<128xi32, #tpu.memory_space<vmem>>
        %dma_start3A_133 = arith.constant 0 : i32
        %dma_start3A_134 = arith.constant 0 : i32
        %dma_start3A_135 = tpu.memref_slice %arg14[%dma_start3A_133, %dma_start3A_134] : memref<10112x128xf32, #tpu.memory_space<vmem_shared>> -> memref<10112x128xf32, #tpu.memory_space<vmem_shared>>
        tpu.enqueue_indirect_dma source(%dma_start3A_129 : memref<128x128xf32, #tpu.memory_space<vmem>>) target(%dma_start3A_135 : memref<10112x128xf32, #tpu.memory_space<vmem_shared>>) offsets(%dma_start3A_132 : memref<128xi32, #tpu.memory_space<vmem>>) semaphore(%arg12 : memref<!tpu.dma_semaphore, #tpu.memory_space<semaphore_mem>>) {add = true}
      } else {
      }
      %mul3A_81 = arith.constant 2 : i32
      %mul3A_82 = arith.muli %mul3A_81, %scan3A_40 : i32
      %add3A_83 = arith.constant 1 : i32
      %add3A_84 = arith.addi %mul3A_82, %add3A_83 : i32
      %sub3A_85 = arith.constant 1 : i32
      %sub3A_86 = arith.subi %add3A_84, %sub3A_85 : i32
      %mul3A_87 = arith.constant 32 : i32
      %mul3A_88 = arith.muli %sub3A_86, %mul3A_87 : i32
      %add3A_89 = arith.addi %add3A, %mul3A_88 : i32
      %ge3A_90 = arith.constant 0 : i32
      %ge3A_91 = arith.cmpi sge, %add3A_89, %ge3A_90 : i32
      %lt3A_92 = arith.constant 1250 : i32
      %lt3A_93 = arith.cmpi slt, %add3A_89, %lt3A_92 : i32
      %and3A_94 = arith.andi %ge3A_91, %lt3A_93 : i1
      %convert_element_type3A_95 = arith.extui %and3A_94 : i1 to i32
      %cond3A_96 = arith.constant 0 : i32
      %cond3A_97 = arith.cmpi ne, %convert_element_type3A_95, %cond3A_96 : i32
      scf.if %cond3A_97 {
        %dma_wait3A = arith.constant 0 : i32
        %dma_wait3A_122 = arith.constant 0 : i32
        %dma_wait3A_123 = tpu.memref_slice %arg2[%dma_wait3A, %dma_wait3A_122] : memref<160000x128xf32, #tpu.memory_space<hbm>> -> memref<128x128xf32, #tpu.memory_space<hbm>>
        %dma_wait3A_124 = arith.constant 0 : i32
        %dma_wait3A_125 = arith.constant 0 : i32
        %dma_wait3A_126 = tpu.memref_slice %arg2[%dma_wait3A_124, %dma_wait3A_125] : memref<160000x128xf32, #tpu.memory_space<hbm>> -> memref<128x128xf32, #tpu.memory_space<hbm>>
        tpu.wait_dma2 semaphore(%arg12 : memref<!tpu.dma_semaphore, #tpu.memory_space<semaphore_mem>>) src(%dma_wait3A_126 : memref<128x128xf32, #tpu.memory_space<hbm>>) dst(%arg6 : memref<128x128xf32, #tpu.memory_space<vmem>>)
      } else {
      }
      %add3A_98 = arith.constant 1 : i32
      %add3A_99 = arith.addi %add3A_84, %add3A_98 : i32
      %mul3A_100 = arith.constant 32 : i32
      %mul3A_101 = arith.muli %add3A_99, %mul3A_100 : i32
      %add3A_102 = arith.addi %add3A, %mul3A_101 : i32
      %ge3A_103 = arith.constant 0 : i32
      %ge3A_104 = arith.cmpi sge, %add3A_102, %ge3A_103 : i32
      %lt3A_105 = arith.constant 1250 : i32
      %lt3A_106 = arith.cmpi slt, %add3A_102, %lt3A_105 : i32
      %and3A_107 = arith.andi %ge3A_104, %lt3A_106 : i1
      %convert_element_type3A_108 = arith.extui %and3A_107 : i1 to i32
      %cond3A_109 = arith.constant 0 : i32
      %cond3A_110 = arith.cmpi ne, %convert_element_type3A_108, %cond3A_109 : i32
      scf.if %cond3A_110 {
        %add3A_122 = arith.constant 1250 : i32
        %add3A_123 = arith.addi %add3A_122, %add3A_102 : i32
        %mul3A_124 = arith.constant 1 : i32
        %mul3A_125 = arith.muli %add3A_123, %mul3A_124 : i32
        "tpu.region"() ({
          %run_scoped3A = tpu.sem_alloc : memref<!tpu.dma_semaphore, #tpu.memory_space<semaphore_mem>>
          %dma_start3A_131 = arith.constant 0 : i32
          %dma_start3A_132 = tpu.memref_slice %arg3[%mul3A_125, %dma_start3A_131] : memref<2500x128xi32, #tpu.memory_space<hbm>> -> memref<1x128xi32, #tpu.memory_space<hbm>>
          %dma_start3A_133 = arith.constant 0 : i32
          %dma_start3A_134 = tpu.memref_slice %arg3[%mul3A_125, %dma_start3A_133] : memref<2500x128xi32, #tpu.memory_space<hbm>> -> memref<1x128xi32, #tpu.memory_space<hbm>>
          tpu.enqueue_dma source(%dma_start3A_134 : memref<1x128xi32, #tpu.memory_space<hbm>>) target(%arg8 : memref<1x128xi32, #tpu.memory_space<vmem>>) target_semaphore(%run_scoped3A : memref<!tpu.dma_semaphore, #tpu.memory_space<semaphore_mem>>)
          %dma_wait3A = arith.constant 0 : i32
          %dma_wait3A_135 = tpu.memref_slice %arg3[%mul3A_125, %dma_wait3A] : memref<2500x128xi32, #tpu.memory_space<hbm>> -> memref<1x128xi32, #tpu.memory_space<hbm>>
          %dma_wait3A_136 = arith.constant 0 : i32
          %dma_wait3A_137 = tpu.memref_slice %arg3[%mul3A_125, %dma_wait3A_136] : memref<2500x128xi32, #tpu.memory_space<hbm>> -> memref<1x128xi32, #tpu.memory_space<hbm>>
          tpu.wait_dma2 semaphore(%run_scoped3A : memref<!tpu.dma_semaphore, #tpu.memory_space<semaphore_mem>>) src(%dma_wait3A_137 : memref<1x128xi32, #tpu.memory_space<hbm>>) dst(%arg8 : memref<1x128xi32, #tpu.memory_space<vmem>>)
          tpu.yield
        }) : () -> ()
        %mul3A_126 = arith.constant 128 : i32
        %mul3A_127 = arith.muli %add3A_102, %mul3A_126 : i32
        %dma_start3A = arith.constant 0 : i32
        %dma_start3A_128 = tpu.memref_slice %arg2[%mul3A_127, %dma_start3A] : memref<160000x128xf32, #tpu.memory_space<hbm>> -> memref<128x128xf32, #tpu.memory_space<hbm>>
        %dma_start3A_129 = arith.constant 0 : i32
        %dma_start3A_130 = tpu.memref_slice %arg2[%mul3A_127, %dma_start3A_129] : memref<160000x128xf32, #tpu.memory_space<hbm>> -> memref<128x128xf32, #tpu.memory_space<hbm>>
        tpu.enqueue_dma source(%dma_start3A_130 : memref<128x128xf32, #tpu.memory_space<hbm>>) target(%arg6 : memref<128x128xf32, #tpu.memory_space<vmem>>) target_semaphore(%arg10 : memref<!tpu.dma_semaphore, #tpu.memory_space<semaphore_mem>>)
      } else {
      }
      %mul3A_111 = arith.constant 32 : i32
      %mul3A_112 = arith.muli %add3A_84, %mul3A_111 : i32
      %add3A_113 = arith.addi %add3A, %mul3A_112 : i32
      %ge3A_114 = arith.constant 0 : i32
      %ge3A_115 = arith.cmpi sge, %add3A_113, %ge3A_114 : i32
      %lt3A_116 = arith.constant 1250 : i32
      %lt3A_117 = arith.cmpi slt, %add3A_113, %lt3A_116 : i32
      %and3A_118 = arith.andi %ge3A_115, %lt3A_117 : i1
      %convert_element_type3A_119 = arith.extui %and3A_118 : i1 to i32
      %cond3A_120 = arith.constant 0 : i32
      %cond3A_121 = arith.cmpi ne, %convert_element_type3A_119, %cond3A_120 : i32
      scf.if %cond3A_121 {
        %dma_wait3A = arith.constant 0 : i32
        %dma_wait3A_122 = arith.constant 0 : i32
        %dma_wait3A_123 = tpu.memref_slice %arg2[%dma_wait3A, %dma_wait3A_122] : memref<160000x128xf32, #tpu.memory_space<hbm>> -> memref<128x128xf32, #tpu.memory_space<hbm>>
        %dma_wait3A_124 = arith.constant 0 : i32
        %dma_wait3A_125 = arith.constant 0 : i32
        %dma_wait3A_126 = tpu.memref_slice %arg2[%dma_wait3A_124, %dma_wait3A_125] : memref<160000x128xf32, #tpu.memory_space<hbm>> -> memref<128x128xf32, #tpu.memory_space<hbm>>
        tpu.wait_dma2 semaphore(%arg11 : memref<!tpu.dma_semaphore, #tpu.memory_space<semaphore_mem>>) src(%dma_wait3A_126 : memref<128x128xf32, #tpu.memory_space<hbm>>) dst(%arg7 : memref<128x128xf32, #tpu.memory_space<vmem>>)
        %dma_start3A = arith.constant 0 : i32
        %dma_start3A_127 = arith.constant 0 : i32
        %dma_start3A_128 = arith.constant 0 : i32
        %dma_start3A_129 = tpu.memref_slice %arg7[%dma_start3A_127, %dma_start3A_128] : memref<128x128xf32, #tpu.memory_space<vmem>> -> memref<128x128xf32, #tpu.memory_space<vmem>>
        %dma_start3A_130 = arith.constant 0 : i32
        %dma_start3A_131 = tpu.memref_slice %arg9[%dma_start3A, %dma_start3A_130] : memref<1x128xi32, #tpu.memory_space<vmem>> -> memref<1x128xi32, #tpu.memory_space<vmem>>
        %dma_start3A_132 = tpu.memref_squeeze %dma_start3A_131 : memref<1x128xi32, #tpu.memory_space<vmem>> -> memref<128xi32, #tpu.memory_space<vmem>>
        %dma_start3A_133 = arith.constant 0 : i32
        %dma_start3A_134 = arith.constant 0 : i32
        %dma_start3A_135 = tpu.memref_slice %arg14[%dma_start3A_133, %dma_start3A_134] : memref<10112x128xf32, #tpu.memory_space<vmem_shared>> -> memref<10112x128xf32, #tpu.memory_space<vmem_shared>>
        tpu.enqueue_indirect_dma source(%dma_start3A_129 : memref<128x128xf32, #tpu.memory_space<vmem>>) target(%dma_start3A_135 : memref<10112x128xf32, #tpu.memory_space<vmem_shared>>) offsets(%dma_start3A_132 : memref<128xi32, #tpu.memory_space<vmem>>) semaphore(%arg13 : memref<!tpu.dma_semaphore, #tpu.memory_space<semaphore_mem>>) {add = true}
      } else {
      }
    }
    %scan3A_14 = arith.constant 20 : i32
    %add3A_15 = arith.constant 1248 : i32
    %add3A_16 = arith.addi %add3A, %add3A_15 : i32
    %ge3A_17 = arith.constant 0 : i32
    %ge3A_18 = arith.cmpi sge, %add3A_16, %ge3A_17 : i32
    %lt3A_19 = arith.constant 1250 : i32
    %lt3A_20 = arith.cmpi slt, %add3A_16, %lt3A_19 : i32
    %and3A_21 = arith.andi %ge3A_18, %lt3A_20 : i1
    %convert_element_type3A_22 = arith.extui %and3A_21 : i1 to i32
    %cond3A_23 = arith.constant 0 : i32
    %cond3A_24 = arith.cmpi ne, %convert_element_type3A_22, %cond3A_23 : i32
    scf.if %cond3A_24 {
      %dma_wait3A = arith.constant 0 : i32
      %dma_wait3A_40 = arith.constant 0 : i32
      %dma_wait3A_41 = tpu.memref_slice %arg2[%dma_wait3A, %dma_wait3A_40] : memref<160000x128xf32, #tpu.memory_space<hbm>> -> memref<128x128xf32, #tpu.memory_space<hbm>>
      %dma_wait3A_42 = arith.constant 0 : i32
      %dma_wait3A_43 = arith.constant 0 : i32
      %dma_wait3A_44 = tpu.memref_slice %arg2[%dma_wait3A_42, %dma_wait3A_43] : memref<160000x128xf32, #tpu.memory_space<hbm>> -> memref<128x128xf32, #tpu.memory_space<hbm>>
      tpu.wait_dma2 semaphore(%arg13 : memref<!tpu.dma_semaphore, #tpu.memory_space<semaphore_mem>>) src(%dma_wait3A_44 : memref<128x128xf32, #tpu.memory_space<hbm>>) dst(%arg7 : memref<128x128xf32, #tpu.memory_space<vmem>>)
    } else {
    }
    %add3A_25 = arith.constant 1280 : i32
    %add3A_26 = arith.addi %add3A, %add3A_25 : i32
    %ge3A_27 = arith.constant 0 : i32
    %ge3A_28 = arith.cmpi sge, %add3A_26, %ge3A_27 : i32
    %lt3A_29 = arith.constant 1250 : i32
    %lt3A_30 = arith.cmpi slt, %add3A_26, %lt3A_29 : i32
    %and3A_31 = arith.andi %ge3A_28, %lt3A_30 : i1
    %convert_element_type3A_32 = arith.extui %and3A_31 : i1 to i32
    %cond3A_33 = arith.constant 0 : i32
    %cond3A_34 = arith.cmpi ne, %convert_element_type3A_32, %cond3A_33 : i32
    scf.if %cond3A_34 {
      %dma_wait3A = arith.constant 0 : i32
      %dma_wait3A_40 = arith.constant 0 : i32
      %dma_wait3A_41 = tpu.memref_slice %arg2[%dma_wait3A, %dma_wait3A_40] : memref<160000x128xf32, #tpu.memory_space<hbm>> -> memref<128x128xf32, #tpu.memory_space<hbm>>
      %dma_wait3A_42 = arith.constant 0 : i32
      %dma_wait3A_43 = arith.constant 0 : i32
      %dma_wait3A_44 = tpu.memref_slice %arg2[%dma_wait3A_42, %dma_wait3A_43] : memref<160000x128xf32, #tpu.memory_space<hbm>> -> memref<128x128xf32, #tpu.memory_space<hbm>>
      tpu.wait_dma2 semaphore(%arg12 : memref<!tpu.dma_semaphore, #tpu.memory_space<semaphore_mem>>) src(%dma_wait3A_44 : memref<128x128xf32, #tpu.memory_space<hbm>>) dst(%arg6 : memref<128x128xf32, #tpu.memory_space<vmem>>)
    } else {
    }
    %barrier3A_35 = arith.constant 0 : index
    tpu.barrier barrier_id(%barrier3A_35)
    %mul3A_36 = arith.constant 632 : i32
    %mul3A_37 = arith.muli %arg1, %mul3A_36 : i32
    %mul3A_38 = arith.constant 632 : i32
    %mul3A_39 = arith.muli %arg1, %mul3A_38 : i32
    "tpu.region"() ({
      %run_scoped3A = tpu.sem_alloc : memref<!tpu.dma_semaphore, #tpu.memory_space<semaphore_mem>>
      %dma_start3A = arith.constant 0 : i32
      %dma_start3A_40 = tpu.memref_slice %arg5[%arg0, %mul3A_39, %dma_start3A] : memref<2x10112x128xf32, #tpu.memory_space<hbm>> -> memref<1x632x128xf32, #tpu.memory_space<hbm>>
      %dma_start3A_41 = tpu.memref_squeeze %dma_start3A_40 : memref<1x632x128xf32, #tpu.memory_space<hbm>> -> memref<632x128xf32, #tpu.memory_space<hbm>>
      %dma_start3A_42 = arith.constant 0 : i32
      %dma_start3A_43 = tpu.memref_slice %arg14[%mul3A_37, %dma_start3A_42] : memref<10112x128xf32, #tpu.memory_space<vmem_shared>> -> memref<632x128xf32, #tpu.memory_space<vmem_shared>>
      tpu.enqueue_dma source(%dma_start3A_43 : memref<632x128xf32, #tpu.memory_space<vmem_shared>>) target(%dma_start3A_41 : memref<632x128xf32, #tpu.memory_space<hbm>>) target_semaphore(%run_scoped3A : memref<!tpu.dma_semaphore, #tpu.memory_space<semaphore_mem>>)
      %dma_wait3A = arith.constant 0 : i32
      %dma_wait3A_44 = tpu.memref_slice %arg5[%arg0, %mul3A_39, %dma_wait3A] : memref<2x10112x128xf32, #tpu.memory_space<hbm>> -> memref<1x632x128xf32, #tpu.memory_space<hbm>>
      %dma_wait3A_45 = tpu.memref_squeeze %dma_wait3A_44 : memref<1x632x128xf32, #tpu.memory_space<hbm>> -> memref<632x128xf32, #tpu.memory_space<hbm>>
      %dma_wait3A_46 = arith.constant 0 : i32
      %dma_wait3A_47 = tpu.memref_slice %arg14[%mul3A_37, %dma_wait3A_46] : memref<10112x128xf32, #tpu.memory_space<vmem_shared>> -> memref<632x128xf32, #tpu.memory_space<vmem_shared>>
      tpu.wait_dma2 semaphore(%run_scoped3A : memref<!tpu.dma_semaphore, #tpu.memory_space<semaphore_mem>>) src(%dma_wait3A_47 : memref<632x128xf32, #tpu.memory_space<vmem_shared>>) dst(%dma_wait3A_45 : memref<632x128xf32, #tpu.memory_space<hbm>>)
      tpu.yield
    }) : () -> ()
    return
  }
}

#map = affine_map<(d0, d1) -> (0, 0)>
module attributes {stable_mosaic.version = 14 : i64} {
  func.func @_sc_gather(%arg0: i32, %arg1: i32, %arg2: memref<10000x128xf32, #tpu.memory_space<hbm>>, %arg3: memref<2500x128xi32, #tpu.memory_space<hbm>>, %arg4: memref<160000x128xf32, #tpu.memory_space<hbm>>, %arg5: memref<256x128xf32, #tpu.memory_space<vmem>>, %arg6: memref<256x128xf32, #tpu.memory_space<vmem>>, %arg7: memref<2x128xi32, #tpu.memory_space<vmem>>, %arg8: memref<2x128xi32, #tpu.memory_space<vmem>>, %arg9: memref<!tpu.dma_semaphore, #tpu.memory_space<semaphore_mem>>, %arg10: memref<!tpu.dma_semaphore, #tpu.memory_space<semaphore_mem>>, %arg11: memref<!tpu.dma_semaphore, #tpu.memory_space<semaphore_mem>>, %arg12: memref<!tpu.dma_semaphore, #tpu.memory_space<semaphore_mem>>) attributes {dimension_semantics = [#tpu.dimension_semantics<core_parallel>, #tpu.dimension_semantics<subcore_parallel>], iteration_bounds = array<i64: 2, 16>, scalar_prefetch = 0 : i64, scratch_operands = 8 : i64, tpu.core_type = #tpu.core_type<sc_vector_subcore>, window_params = [{transform_indices = #map}, {transform_indices = #map}, {transform_indices = #map}]} {
    %mul3A = arith.constant 2 : i32
    %mul3A_0 = arith.muli %arg1, %mul3A : i32
    %add3A = arith.addi %mul3A_0, %arg0 : i32
    %add3A_1 = arith.constant 0 : i32
    %add3A_2 = arith.addi %add3A, %add3A_1 : i32
    %ge3A = arith.constant 0 : i32
    %ge3A_3 = arith.cmpi sge, %add3A_2, %ge3A : i32
    %lt3A = arith.constant 625 : i32
    %lt3A_4 = arith.cmpi slt, %add3A_2, %lt3A : i32
    %and3A = arith.andi %ge3A_3, %lt3A_4 : i1
    %convert_element_type3A = arith.extui %and3A : i1 to i32
    %cond3A = arith.constant 0 : i32
    %cond3A_5 = arith.cmpi ne, %convert_element_type3A, %cond3A : i32
    scf.if %cond3A_5 {
      %add3A_31 = arith.constant 625 : i32
      %add3A_32 = arith.addi %add3A_31, %add3A_2 : i32
      %mul3A_33 = arith.constant 2 : i32
      %mul3A_34 = arith.muli %add3A_32, %mul3A_33 : i32
      "tpu.region"() ({
        %run_scoped3A = tpu.sem_alloc : memref<!tpu.dma_semaphore, #tpu.memory_space<semaphore_mem>>
        %dma_start3A_54 = arith.constant 0 : i32
        %dma_start3A_55 = tpu.memref_slice %arg3[%mul3A_34, %dma_start3A_54] : memref<2500x128xi32, #tpu.memory_space<hbm>> -> memref<2x128xi32, #tpu.memory_space<hbm>>
        %dma_start3A_56 = arith.constant 0 : i32
        %dma_start3A_57 = tpu.memref_slice %arg3[%mul3A_34, %dma_start3A_56] : memref<2500x128xi32, #tpu.memory_space<hbm>> -> memref<2x128xi32, #tpu.memory_space<hbm>>
        tpu.enqueue_dma source(%dma_start3A_57 : memref<2x128xi32, #tpu.memory_space<hbm>>) target(%arg7 : memref<2x128xi32, #tpu.memory_space<vmem>>) target_semaphore(%run_scoped3A : memref<!tpu.dma_semaphore, #tpu.memory_space<semaphore_mem>>)
        %dma_wait3A = arith.constant 0 : i32
        %dma_wait3A_58 = tpu.memref_slice %arg3[%mul3A_34, %dma_wait3A] : memref<2500x128xi32, #tpu.memory_space<hbm>> -> memref<2x128xi32, #tpu.memory_space<hbm>>
        %dma_wait3A_59 = arith.constant 0 : i32
        %dma_wait3A_60 = tpu.memref_slice %arg3[%mul3A_34, %dma_wait3A_59] : memref<2500x128xi32, #tpu.memory_space<hbm>> -> memref<2x128xi32, #tpu.memory_space<hbm>>
        tpu.wait_dma2 semaphore(%run_scoped3A : memref<!tpu.dma_semaphore, #tpu.memory_space<semaphore_mem>>) src(%dma_wait3A_60 : memref<2x128xi32, #tpu.memory_space<hbm>>) dst(%arg7 : memref<2x128xi32, #tpu.memory_space<vmem>>)
        tpu.yield
      }) : () -> ()
      %dma_start3A = arith.constant 0 : i32
      %dma_start3A_35 = arith.constant 0 : i32
      %dma_start3A_36 = arith.constant 0 : i32
      %dma_start3A_37 = tpu.memref_slice %arg5[%dma_start3A_35, %dma_start3A_36] : memref<256x128xf32, #tpu.memory_space<vmem>> -> memref<128x128xf32, #tpu.memory_space<vmem>>
      %dma_start3A_38 = arith.constant 0 : i32
      %dma_start3A_39 = tpu.memref_slice %arg7[%dma_start3A, %dma_start3A_38] : memref<2x128xi32, #tpu.memory_space<vmem>> -> memref<1x128xi32, #tpu.memory_space<vmem>>
      %dma_start3A_40 = tpu.memref_squeeze %dma_start3A_39 : memref<1x128xi32, #tpu.memory_space<vmem>> -> memref<128xi32, #tpu.memory_space<vmem>>
      %dma_start3A_41 = arith.constant 0 : i32
      %dma_start3A_42 = arith.constant 0 : i32
      %dma_start3A_43 = tpu.memref_slice %arg2[%dma_start3A_41, %dma_start3A_42] : memref<10000x128xf32, #tpu.memory_space<hbm>> -> memref<10000x128xf32, #tpu.memory_space<hbm>>
      tpu.enqueue_indirect_dma source(%dma_start3A_43 : memref<10000x128xf32, #tpu.memory_space<hbm>>) target(%dma_start3A_37 : memref<128x128xf32, #tpu.memory_space<vmem>>) offsets(%dma_start3A_40 : memref<128xi32, #tpu.memory_space<vmem>>) semaphore(%arg9 : memref<!tpu.dma_semaphore, #tpu.memory_space<semaphore_mem>>)
      %dma_start3A_44 = arith.constant 1 : i32
      %dma_start3A_45 = arith.constant 128 : i32
      %dma_start3A_46 = arith.constant 0 : i32
      %dma_start3A_47 = tpu.memref_slice %arg5[%dma_start3A_45, %dma_start3A_46] : memref<256x128xf32, #tpu.memory_space<vmem>> -> memref<128x128xf32, #tpu.memory_space<vmem>>
      %dma_start3A_48 = arith.constant 0 : i32
      %dma_start3A_49 = tpu.memref_slice %arg7[%dma_start3A_44, %dma_start3A_48] : memref<2x128xi32, #tpu.memory_space<vmem>> -> memref<1x128xi32, #tpu.memory_space<vmem>>
      %dma_start3A_50 = tpu.memref_squeeze %dma_start3A_49 : memref<1x128xi32, #tpu.memory_space<vmem>> -> memref<128xi32, #tpu.memory_space<vmem>>
      %dma_start3A_51 = arith.constant 0 : i32
      %dma_start3A_52 = arith.constant 0 : i32
      %dma_start3A_53 = tpu.memref_slice %arg2[%dma_start3A_51, %dma_start3A_52] : memref<10000x128xf32, #tpu.memory_space<hbm>> -> memref<10000x128xf32, #tpu.memory_space<hbm>>
      tpu.enqueue_indirect_dma source(%dma_start3A_53 : memref<10000x128xf32, #tpu.memory_space<hbm>>) target(%dma_start3A_47 : memref<128x128xf32, #tpu.memory_space<vmem>>) offsets(%dma_start3A_50 : memref<128xi32, #tpu.memory_space<vmem>>) semaphore(%arg9 : memref<!tpu.dma_semaphore, #tpu.memory_space<semaphore_mem>>)
    } else {
    }
    %scan3A = arith.constant 0 : i32
    %scan3A_6 = arith.constant 0 : i32
    %scan3A_7 = arith.constant 10 : i32
    %scan3A_8 = arith.addi %scan3A_6, %scan3A_7 : i32
    %scan3A_9 = arith.constant 1 : i32
    scf.for %scan3A_31 = %scan3A_6 to %scan3A_8 step %scan3A_9  : i32 {
      %mul3A_32 = arith.constant 2 : i32
      %mul3A_33 = arith.muli %mul3A_32, %scan3A_31 : i32
      %add3A_34 = arith.constant 0 : i32
      %add3A_35 = arith.addi %mul3A_33, %add3A_34 : i32
      %sub3A = arith.constant 1 : i32
      %sub3A_36 = arith.subi %add3A_35, %sub3A : i32
      %mul3A_37 = arith.constant 32 : i32
      %mul3A_38 = arith.muli %sub3A_36, %mul3A_37 : i32
      %add3A_39 = arith.addi %add3A, %mul3A_38 : i32
      %ge3A_40 = arith.constant 0 : i32
      %ge3A_41 = arith.cmpi sge, %add3A_39, %ge3A_40 : i32
      %lt3A_42 = arith.constant 625 : i32
      %lt3A_43 = arith.cmpi slt, %add3A_39, %lt3A_42 : i32
      %and3A_44 = arith.andi %ge3A_41, %lt3A_43 : i1
      %convert_element_type3A_45 = arith.extui %and3A_44 : i1 to i32
      %cond3A_46 = arith.constant 0 : i32
      %cond3A_47 = arith.cmpi ne, %convert_element_type3A_45, %cond3A_46 : i32
      scf.if %cond3A_47 {
        %dma_wait3A = arith.constant 0 : i32
        %dma_wait3A_113 = arith.constant 0 : i32
        %dma_wait3A_114 = tpu.memref_slice %arg2[%dma_wait3A, %dma_wait3A_113] : memref<10000x128xf32, #tpu.memory_space<hbm>> -> memref<256x128xf32, #tpu.memory_space<hbm>>
        %dma_wait3A_115 = arith.constant 0 : i32
        %dma_wait3A_116 = arith.constant 0 : i32
        %dma_wait3A_117 = tpu.memref_slice %arg2[%dma_wait3A_115, %dma_wait3A_116] : memref<10000x128xf32, #tpu.memory_space<hbm>> -> memref<256x128xf32, #tpu.memory_space<hbm>>
        tpu.wait_dma2 semaphore(%arg12 : memref<!tpu.dma_semaphore, #tpu.memory_space<semaphore_mem>>) src(%dma_wait3A_117 : memref<256x128xf32, #tpu.memory_space<hbm>>) dst(%arg6 : memref<256x128xf32, #tpu.memory_space<vmem>>)
      } else {
      }
      %add3A_48 = arith.constant 1 : i32
      %add3A_49 = arith.addi %add3A_35, %add3A_48 : i32
      %mul3A_50 = arith.constant 32 : i32
      %mul3A_51 = arith.muli %add3A_49, %mul3A_50 : i32
      %add3A_52 = arith.addi %add3A, %mul3A_51 : i32
      %ge3A_53 = arith.constant 0 : i32
      %ge3A_54 = arith.cmpi sge, %add3A_52, %ge3A_53 : i32
      %lt3A_55 = arith.constant 625 : i32
      %lt3A_56 = arith.cmpi slt, %add3A_52, %lt3A_55 : i32
      %and3A_57 = arith.andi %ge3A_54, %lt3A_56 : i1
      %convert_element_type3A_58 = arith.extui %and3A_57 : i1 to i32
      %cond3A_59 = arith.constant 0 : i32
      %cond3A_60 = arith.cmpi ne, %convert_element_type3A_58, %cond3A_59 : i32
      scf.if %cond3A_60 {
        %add3A_113 = arith.constant 625 : i32
        %add3A_114 = arith.addi %add3A_113, %add3A_52 : i32
        %mul3A_115 = arith.constant 2 : i32
        %mul3A_116 = arith.muli %add3A_114, %mul3A_115 : i32
        "tpu.region"() ({
          %run_scoped3A = tpu.sem_alloc : memref<!tpu.dma_semaphore, #tpu.memory_space<semaphore_mem>>
          %dma_start3A_136 = arith.constant 0 : i32
          %dma_start3A_137 = tpu.memref_slice %arg3[%mul3A_116, %dma_start3A_136] : memref<2500x128xi32, #tpu.memory_space<hbm>> -> memref<2x128xi32, #tpu.memory_space<hbm>>
          %dma_start3A_138 = arith.constant 0 : i32
          %dma_start3A_139 = tpu.memref_slice %arg3[%mul3A_116, %dma_start3A_138] : memref<2500x128xi32, #tpu.memory_space<hbm>> -> memref<2x128xi32, #tpu.memory_space<hbm>>
          tpu.enqueue_dma source(%dma_start3A_139 : memref<2x128xi32, #tpu.memory_space<hbm>>) target(%arg8 : memref<2x128xi32, #tpu.memory_space<vmem>>) target_semaphore(%run_scoped3A : memref<!tpu.dma_semaphore, #tpu.memory_space<semaphore_mem>>)
          %dma_wait3A = arith.constant 0 : i32
          %dma_wait3A_140 = tpu.memref_slice %arg3[%mul3A_116, %dma_wait3A] : memref<2500x128xi32, #tpu.memory_space<hbm>> -> memref<2x128xi32, #tpu.memory_space<hbm>>
          %dma_wait3A_141 = arith.constant 0 : i32
          %dma_wait3A_142 = tpu.memref_slice %arg3[%mul3A_116, %dma_wait3A_141] : memref<2500x128xi32, #tpu.memory_space<hbm>> -> memref<2x128xi32, #tpu.memory_space<hbm>>
          tpu.wait_dma2 semaphore(%run_scoped3A : memref<!tpu.dma_semaphore, #tpu.memory_space<semaphore_mem>>) src(%dma_wait3A_142 : memref<2x128xi32, #tpu.memory_space<hbm>>) dst(%arg8 : memref<2x128xi32, #tpu.memory_space<vmem>>)
          tpu.yield
        }) : () -> ()
        %dma_start3A = arith.constant 0 : i32
        %dma_start3A_117 = arith.constant 0 : i32
        %dma_start3A_118 = arith.constant 0 : i32
        %dma_start3A_119 = tpu.memref_slice %arg6[%dma_start3A_117, %dma_start3A_118] : memref<256x128xf32, #tpu.memory_space<vmem>> -> memref<128x128xf32, #tpu.memory_space<vmem>>
        %dma_start3A_120 = arith.constant 0 : i32
        %dma_start3A_121 = tpu.memref_slice %arg8[%dma_start3A, %dma_start3A_120] : memref<2x128xi32, #tpu.memory_space<vmem>> -> memref<1x128xi32, #tpu.memory_space<vmem>>
        %dma_start3A_122 = tpu.memref_squeeze %dma_start3A_121 : memref<1x128xi32, #tpu.memory_space<vmem>> -> memref<128xi32, #tpu.memory_space<vmem>>
        %dma_start3A_123 = arith.constant 0 : i32
        %dma_start3A_124 = arith.constant 0 : i32
        %dma_start3A_125 = tpu.memref_slice %arg2[%dma_start3A_123, %dma_start3A_124] : memref<10000x128xf32, #tpu.memory_space<hbm>> -> memref<10000x128xf32, #tpu.memory_space<hbm>>
        tpu.enqueue_indirect_dma source(%dma_start3A_125 : memref<10000x128xf32, #tpu.memory_space<hbm>>) target(%dma_start3A_119 : memref<128x128xf32, #tpu.memory_space<vmem>>) offsets(%dma_start3A_122 : memref<128xi32, #tpu.memory_space<vmem>>) semaphore(%arg10 : memref<!tpu.dma_semaphore, #tpu.memory_space<semaphore_mem>>)
        %dma_start3A_126 = arith.constant 1 : i32
        %dma_start3A_127 = arith.constant 128 : i32
        %dma_start3A_128 = arith.constant 0 : i32
        %dma_start3A_129 = tpu.memref_slice %arg6[%dma_start3A_127, %dma_start3A_128] : memref<256x128xf32, #tpu.memory_space<vmem>> -> memref<128x128xf32, #tpu.memory_space<vmem>>
        %dma_start3A_130 = arith.constant 0 : i32
        %dma_start3A_131 = tpu.memref_slice %arg8[%dma_start3A_126, %dma_start3A_130] : memref<2x128xi32, #tpu.memory_space<vmem>> -> memref<1x128xi32, #tpu.memory_space<vmem>>
        %dma_start3A_132 = tpu.memref_squeeze %dma_start3A_131 : memref<1x128xi32, #tpu.memory_space<vmem>> -> memref<128xi32, #tpu.memory_space<vmem>>
        %dma_start3A_133 = arith.constant 0 : i32
        %dma_start3A_134 = arith.constant 0 : i32
        %dma_start3A_135 = tpu.memref_slice %arg2[%dma_start3A_133, %dma_start3A_134] : memref<10000x128xf32, #tpu.memory_space<hbm>> -> memref<10000x128xf32, #tpu.memory_space<hbm>>
        tpu.enqueue_indirect_dma source(%dma_start3A_135 : memref<10000x128xf32, #tpu.memory_space<hbm>>) target(%dma_start3A_129 : memref<128x128xf32, #tpu.memory_space<vmem>>) offsets(%dma_start3A_132 : memref<128xi32, #tpu.memory_space<vmem>>) semaphore(%arg10 : memref<!tpu.dma_semaphore, #tpu.memory_space<semaphore_mem>>)
      } else {
      }
      %mul3A_61 = arith.constant 32 : i32
      %mul3A_62 = arith.muli %add3A_35, %mul3A_61 : i32
      %add3A_63 = arith.addi %add3A, %mul3A_62 : i32
      %ge3A_64 = arith.constant 0 : i32
      %ge3A_65 = arith.cmpi sge, %add3A_63, %ge3A_64 : i32
      %lt3A_66 = arith.constant 625 : i32
      %lt3A_67 = arith.cmpi slt, %add3A_63, %lt3A_66 : i32
      %and3A_68 = arith.andi %ge3A_65, %lt3A_67 : i1
      %convert_element_type3A_69 = arith.extui %and3A_68 : i1 to i32
      %cond3A_70 = arith.constant 0 : i32
      %cond3A_71 = arith.cmpi ne, %convert_element_type3A_69, %cond3A_70 : i32
      scf.if %cond3A_71 {
        %dma_wait3A = arith.constant 0 : i32
        %dma_wait3A_113 = arith.constant 0 : i32
        %dma_wait3A_114 = tpu.memref_slice %arg2[%dma_wait3A, %dma_wait3A_113] : memref<10000x128xf32, #tpu.memory_space<hbm>> -> memref<256x128xf32, #tpu.memory_space<hbm>>
        %dma_wait3A_115 = arith.constant 0 : i32
        %dma_wait3A_116 = arith.constant 0 : i32
        %dma_wait3A_117 = tpu.memref_slice %arg2[%dma_wait3A_115, %dma_wait3A_116] : memref<10000x128xf32, #tpu.memory_space<hbm>> -> memref<256x128xf32, #tpu.memory_space<hbm>>
        tpu.wait_dma2 semaphore(%arg9 : memref<!tpu.dma_semaphore, #tpu.memory_space<semaphore_mem>>) src(%dma_wait3A_117 : memref<256x128xf32, #tpu.memory_space<hbm>>) dst(%arg5 : memref<256x128xf32, #tpu.memory_space<vmem>>)
        %mul3A_118 = arith.constant 256 : i32
        %mul3A_119 = arith.muli %add3A_63, %mul3A_118 : i32
        %dma_start3A = arith.constant 0 : i32
        %dma_start3A_120 = tpu.memref_slice %arg4[%mul3A_119, %dma_start3A] : memref<160000x128xf32, #tpu.memory_space<hbm>> -> memref<256x128xf32, #tpu.memory_space<hbm>>
        %dma_start3A_121 = arith.constant 0 : i32
        %dma_start3A_122 = tpu.memref_slice %arg4[%mul3A_119, %dma_start3A_121] : memref<160000x128xf32, #tpu.memory_space<hbm>> -> memref<256x128xf32, #tpu.memory_space<hbm>>
        tpu.enqueue_dma source(%arg5 : memref<256x128xf32, #tpu.memory_space<vmem>>) target(%dma_start3A_122 : memref<256x128xf32, #tpu.memory_space<hbm>>) target_semaphore(%arg11 : memref<!tpu.dma_semaphore, #tpu.memory_space<semaphore_mem>>)
      } else {
      }
      %mul3A_72 = arith.constant 2 : i32
      %mul3A_73 = arith.muli %mul3A_72, %scan3A_31 : i32
      %add3A_74 = arith.constant 1 : i32
      %add3A_75 = arith.addi %mul3A_73, %add3A_74 : i32
      %sub3A_76 = arith.constant 1 : i32
      %sub3A_77 = arith.subi %add3A_75, %sub3A_76 : i32
      %mul3A_78 = arith.constant 32 : i32
      %mul3A_79 = arith.muli %sub3A_77, %mul3A_78 : i32
      %add3A_80 = arith.addi %add3A, %mul3A_79 : i32
      %ge3A_81 = arith.constant 0 : i32
      %ge3A_82 = arith.cmpi sge, %add3A_80, %ge3A_81 : i32
      %lt3A_83 = arith.constant 625 : i32
      %lt3A_84 = arith.cmpi slt, %add3A_80, %lt3A_83 : i32
      %and3A_85 = arith.andi %ge3A_82, %lt3A_84 : i1
      %convert_element_type3A_86 = arith.extui %and3A_85 : i1 to i32
      %cond3A_87 = arith.constant 0 : i32
      %cond3A_88 = arith.cmpi ne, %convert_element_type3A_86, %cond3A_87 : i32
      scf.if %cond3A_88 {
        %dma_wait3A = arith.constant 0 : i32
        %dma_wait3A_113 = arith.constant 0 : i32
        %dma_wait3A_114 = tpu.memref_slice %arg2[%dma_wait3A, %dma_wait3A_113] : memref<10000x128xf32, #tpu.memory_space<hbm>> -> memref<256x128xf32, #tpu.memory_space<hbm>>
        %dma_wait3A_115 = arith.constant 0 : i32
        %dma_wait3A_116 = arith.constant 0 : i32
        %dma_wait3A_117 = tpu.memref_slice %arg2[%dma_wait3A_115, %dma_wait3A_116] : memref<10000x128xf32, #tpu.memory_space<hbm>> -> memref<256x128xf32, #tpu.memory_space<hbm>>
        tpu.wait_dma2 semaphore(%arg11 : memref<!tpu.dma_semaphore, #tpu.memory_space<semaphore_mem>>) src(%dma_wait3A_117 : memref<256x128xf32, #tpu.memory_space<hbm>>) dst(%arg5 : memref<256x128xf32, #tpu.memory_space<vmem>>)
      } else {
      }
      %add3A_89 = arith.constant 1 : i32
      %add3A_90 = arith.addi %add3A_75, %add3A_89 : i32
      %mul3A_91 = arith.constant 32 : i32
      %mul3A_92 = arith.muli %add3A_90, %mul3A_91 : i32
      %add3A_93 = arith.addi %add3A, %mul3A_92 : i32
      %ge3A_94 = arith.constant 0 : i32
      %ge3A_95 = arith.cmpi sge, %add3A_93, %ge3A_94 : i32
      %lt3A_96 = arith.constant 625 : i32
      %lt3A_97 = arith.cmpi slt, %add3A_93, %lt3A_96 : i32
      %and3A_98 = arith.andi %ge3A_95, %lt3A_97 : i1
      %convert_element_type3A_99 = arith.extui %and3A_98 : i1 to i32
      %cond3A_100 = arith.constant 0 : i32
      %cond3A_101 = arith.cmpi ne, %convert_element_type3A_99, %cond3A_100 : i32
      scf.if %cond3A_101 {
        %add3A_113 = arith.constant 625 : i32
        %add3A_114 = arith.addi %add3A_113, %add3A_93 : i32
        %mul3A_115 = arith.constant 2 : i32
        %mul3A_116 = arith.muli %add3A_114, %mul3A_115 : i32
        "tpu.region"() ({
          %run_scoped3A = tpu.sem_alloc : memref<!tpu.dma_semaphore, #tpu.memory_space<semaphore_mem>>
          %dma_start3A_136 = arith.constant 0 : i32
          %dma_start3A_137 = tpu.memref_slice %arg3[%mul3A_116, %dma_start3A_136] : memref<2500x128xi32, #tpu.memory_space<hbm>> -> memref<2x128xi32, #tpu.memory_space<hbm>>
          %dma_start3A_138 = arith.constant 0 : i32
          %dma_start3A_139 = tpu.memref_slice %arg3[%mul3A_116, %dma_start3A_138] : memref<2500x128xi32, #tpu.memory_space<hbm>> -> memref<2x128xi32, #tpu.memory_space<hbm>>
          tpu.enqueue_dma source(%dma_start3A_139 : memref<2x128xi32, #tpu.memory_space<hbm>>) target(%arg7 : memref<2x128xi32, #tpu.memory_space<vmem>>) target_semaphore(%run_scoped3A : memref<!tpu.dma_semaphore, #tpu.memory_space<semaphore_mem>>)
          %dma_wait3A = arith.constant 0 : i32
          %dma_wait3A_140 = tpu.memref_slice %arg3[%mul3A_116, %dma_wait3A] : memref<2500x128xi32, #tpu.memory_space<hbm>> -> memref<2x128xi32, #tpu.memory_space<hbm>>
          %dma_wait3A_141 = arith.constant 0 : i32
          %dma_wait3A_142 = tpu.memref_slice %arg3[%mul3A_116, %dma_wait3A_141] : memref<2500x128xi32, #tpu.memory_space<hbm>> -> memref<2x128xi32, #tpu.memory_space<hbm>>
          tpu.wait_dma2 semaphore(%run_scoped3A : memref<!tpu.dma_semaphore, #tpu.memory_space<semaphore_mem>>) src(%dma_wait3A_142 : memref<2x128xi32, #tpu.memory_space<hbm>>) dst(%arg7 : memref<2x128xi32, #tpu.memory_space<vmem>>)
          tpu.yield
        }) : () -> ()
        %dma_start3A = arith.constant 0 : i32
        %dma_start3A_117 = arith.constant 0 : i32
        %dma_start3A_118 = arith.constant 0 : i32
        %dma_start3A_119 = tpu.memref_slice %arg5[%dma_start3A_117, %dma_start3A_118] : memref<256x128xf32, #tpu.memory_space<vmem>> -> memref<128x128xf32, #tpu.memory_space<vmem>>
        %dma_start3A_120 = arith.constant 0 : i32
        %dma_start3A_121 = tpu.memref_slice %arg7[%dma_start3A, %dma_start3A_120] : memref<2x128xi32, #tpu.memory_space<vmem>> -> memref<1x128xi32, #tpu.memory_space<vmem>>
        %dma_start3A_122 = tpu.memref_squeeze %dma_start3A_121 : memref<1x128xi32, #tpu.memory_space<vmem>> -> memref<128xi32, #tpu.memory_space<vmem>>
        %dma_start3A_123 = arith.constant 0 : i32
        %dma_start3A_124 = arith.constant 0 : i32
        %dma_start3A_125 = tpu.memref_slice %arg2[%dma_start3A_123, %dma_start3A_124] : memref<10000x128xf32, #tpu.memory_space<hbm>> -> memref<10000x128xf32, #tpu.memory_space<hbm>>
        tpu.enqueue_indirect_dma source(%dma_start3A_125 : memref<10000x128xf32, #tpu.memory_space<hbm>>) target(%dma_start3A_119 : memref<128x128xf32, #tpu.memory_space<vmem>>) offsets(%dma_start3A_122 : memref<128xi32, #tpu.memory_space<vmem>>) semaphore(%arg9 : memref<!tpu.dma_semaphore, #tpu.memory_space<semaphore_mem>>)
        %dma_start3A_126 = arith.constant 1 : i32
        %dma_start3A_127 = arith.constant 128 : i32
        %dma_start3A_128 = arith.constant 0 : i32
        %dma_start3A_129 = tpu.memref_slice %arg5[%dma_start3A_127, %dma_start3A_128] : memref<256x128xf32, #tpu.memory_space<vmem>> -> memref<128x128xf32, #tpu.memory_space<vmem>>
        %dma_start3A_130 = arith.constant 0 : i32
        %dma_start3A_131 = tpu.memref_slice %arg7[%dma_start3A_126, %dma_start3A_130] : memref<2x128xi32, #tpu.memory_space<vmem>> -> memref<1x128xi32, #tpu.memory_space<vmem>>
        %dma_start3A_132 = tpu.memref_squeeze %dma_start3A_131 : memref<1x128xi32, #tpu.memory_space<vmem>> -> memref<128xi32, #tpu.memory_space<vmem>>
        %dma_start3A_133 = arith.constant 0 : i32
        %dma_start3A_134 = arith.constant 0 : i32
        %dma_start3A_135 = tpu.memref_slice %arg2[%dma_start3A_133, %dma_start3A_134] : memref<10000x128xf32, #tpu.memory_space<hbm>> -> memref<10000x128xf32, #tpu.memory_space<hbm>>
        tpu.enqueue_indirect_dma source(%dma_start3A_135 : memref<10000x128xf32, #tpu.memory_space<hbm>>) target(%dma_start3A_129 : memref<128x128xf32, #tpu.memory_space<vmem>>) offsets(%dma_start3A_132 : memref<128xi32, #tpu.memory_space<vmem>>) semaphore(%arg9 : memref<!tpu.dma_semaphore, #tpu.memory_space<semaphore_mem>>)
      } else {
      }
      %mul3A_102 = arith.constant 32 : i32
      %mul3A_103 = arith.muli %add3A_75, %mul3A_102 : i32
      %add3A_104 = arith.addi %add3A, %mul3A_103 : i32
      %ge3A_105 = arith.constant 0 : i32
      %ge3A_106 = arith.cmpi sge, %add3A_104, %ge3A_105 : i32
      %lt3A_107 = arith.constant 625 : i32
      %lt3A_108 = arith.cmpi slt, %add3A_104, %lt3A_107 : i32
      %and3A_109 = arith.andi %ge3A_106, %lt3A_108 : i1
      %convert_element_type3A_110 = arith.extui %and3A_109 : i1 to i32
      %cond3A_111 = arith.constant 0 : i32
      %cond3A_112 = arith.cmpi ne, %convert_element_type3A_110, %cond3A_111 : i32
      scf.if %cond3A_112 {
        %dma_wait3A = arith.constant 0 : i32
        %dma_wait3A_113 = arith.constant 0 : i32
        %dma_wait3A_114 = tpu.memref_slice %arg2[%dma_wait3A, %dma_wait3A_113] : memref<10000x128xf32, #tpu.memory_space<hbm>> -> memref<256x128xf32, #tpu.memory_space<hbm>>
        %dma_wait3A_115 = arith.constant 0 : i32
        %dma_wait3A_116 = arith.constant 0 : i32
        %dma_wait3A_117 = tpu.memref_slice %arg2[%dma_wait3A_115, %dma_wait3A_116] : memref<10000x128xf32, #tpu.memory_space<hbm>> -> memref<256x128xf32, #tpu.memory_space<hbm>>
        tpu.wait_dma2 semaphore(%arg10 : memref<!tpu.dma_semaphore, #tpu.memory_space<semaphore_mem>>) src(%dma_wait3A_117 : memref<256x128xf32, #tpu.memory_space<hbm>>) dst(%arg6 : memref<256x128xf32, #tpu.memory_space<vmem>>)
        %mul3A_118 = arith.constant 256 : i32
        %mul3A_119 = arith.muli %add3A_104, %mul3A_118 : i32
        %dma_start3A = arith.constant 0 : i32
        %dma_start3A_120 = tpu.memref_slice %arg4[%mul3A_119, %dma_start3A] : memref<160000x128xf32, #tpu.memory_space<hbm>> -> memref<256x128xf32, #tpu.memory_space<hbm>>
        %dma_start3A_121 = arith.constant 0 : i32
        %dma_start3A_122 = tpu.memref_slice %arg4[%mul3A_119, %dma_start3A_121] : memref<160000x128xf32, #tpu.memory_space<hbm>> -> memref<256x128xf32, #tpu.memory_space<hbm>>
        tpu.enqueue_dma source(%arg6 : memref<256x128xf32, #tpu.memory_space<vmem>>) target(%dma_start3A_122 : memref<256x128xf32, #tpu.memory_space<hbm>>) target_semaphore(%arg12 : memref<!tpu.dma_semaphore, #tpu.memory_space<semaphore_mem>>)
      } else {
      }
    }
    %scan3A_10 = arith.constant 10 : i32
    %add3A_11 = arith.constant 608 : i32
    %add3A_12 = arith.addi %add3A, %add3A_11 : i32
    %ge3A_13 = arith.constant 0 : i32
    %ge3A_14 = arith.cmpi sge, %add3A_12, %ge3A_13 : i32
    %lt3A_15 = arith.constant 625 : i32
    %lt3A_16 = arith.cmpi slt, %add3A_12, %lt3A_15 : i32
    %and3A_17 = arith.andi %ge3A_14, %lt3A_16 : i1
    %convert_element_type3A_18 = arith.extui %and3A_17 : i1 to i32
    %cond3A_19 = arith.constant 0 : i32
    %cond3A_20 = arith.cmpi ne, %convert_element_type3A_18, %cond3A_19 : i32
    scf.if %cond3A_20 {
      %dma_wait3A = arith.constant 0 : i32
      %dma_wait3A_31 = arith.constant 0 : i32
      %dma_wait3A_32 = tpu.memref_slice %arg2[%dma_wait3A, %dma_wait3A_31] : memref<10000x128xf32, #tpu.memory_space<hbm>> -> memref<256x128xf32, #tpu.memory_space<hbm>>
      %dma_wait3A_33 = arith.constant 0 : i32
      %dma_wait3A_34 = arith.constant 0 : i32
      %dma_wait3A_35 = tpu.memref_slice %arg2[%dma_wait3A_33, %dma_wait3A_34] : memref<10000x128xf32, #tpu.memory_space<hbm>> -> memref<256x128xf32, #tpu.memory_space<hbm>>
      tpu.wait_dma2 semaphore(%arg12 : memref<!tpu.dma_semaphore, #tpu.memory_space<semaphore_mem>>) src(%dma_wait3A_35 : memref<256x128xf32, #tpu.memory_space<hbm>>) dst(%arg6 : memref<256x128xf32, #tpu.memory_space<vmem>>)
    } else {
    }
    %add3A_21 = arith.constant 640 : i32
    %add3A_22 = arith.addi %add3A, %add3A_21 : i32
    %ge3A_23 = arith.constant 0 : i32
    %ge3A_24 = arith.cmpi sge, %add3A_22, %ge3A_23 : i32
    %lt3A_25 = arith.constant 625 : i32
    %lt3A_26 = arith.cmpi slt, %add3A_22, %lt3A_25 : i32
    %and3A_27 = arith.andi %ge3A_24, %lt3A_26 : i1
    %convert_element_type3A_28 = arith.extui %and3A_27 : i1 to i32
    %cond3A_29 = arith.constant 0 : i32
    %cond3A_30 = arith.cmpi ne, %convert_element_type3A_28, %cond3A_29 : i32
    scf.if %cond3A_30 {
      %dma_wait3A = arith.constant 0 : i32
      %dma_wait3A_31 = arith.constant 0 : i32
      %dma_wait3A_32 = tpu.memref_slice %arg2[%dma_wait3A, %dma_wait3A_31] : memref<10000x128xf32, #tpu.memory_space<hbm>> -> memref<256x128xf32, #tpu.memory_space<hbm>>
      %dma_wait3A_33 = arith.constant 0 : i32
      %dma_wait3A_34 = arith.constant 0 : i32
      %dma_wait3A_35 = tpu.memref_slice %arg2[%dma_wait3A_33, %dma_wait3A_34] : memref<10000x128xf32, #tpu.memory_space<hbm>> -> memref<256x128xf32, #tpu.memory_space<hbm>>
      tpu.wait_dma2 semaphore(%arg11 : memref<!tpu.dma_semaphore, #tpu.memory_space<semaphore_mem>>) src(%dma_wait3A_35 : memref<256x128xf32, #tpu.memory_space<hbm>>) dst(%arg5 : memref<256x128xf32, #tpu.memory_space<vmem>>)
    } else {
    }
    return
  }
}

#map = affine_map<(d0, d1) -> (0, 0)>
module attributes {stable_mosaic.version = 14 : i64} {
  func.func @_sc_gather(%arg0: i32, %arg1: i32, %arg2: memref<10000x128xf32, #tpu.memory_space<hbm>>, %arg3: memref<2500x128xi32, #tpu.memory_space<hbm>>, %arg4: memref<160000x128xf32, #tpu.memory_space<hbm>>, %arg5: memref<256x128xf32, #tpu.memory_space<vmem>>, %arg6: memref<256x128xf32, #tpu.memory_space<vmem>>, %arg7: memref<2x128xi32, #tpu.memory_space<vmem>>, %arg8: memref<2x128xi32, #tpu.memory_space<vmem>>, %arg9: memref<!tpu.dma_semaphore, #tpu.memory_space<semaphore_mem>>, %arg10: memref<!tpu.dma_semaphore, #tpu.memory_space<semaphore_mem>>, %arg11: memref<!tpu.dma_semaphore, #tpu.memory_space<semaphore_mem>>, %arg12: memref<!tpu.dma_semaphore, #tpu.memory_space<semaphore_mem>>) attributes {dimension_semantics = [#tpu.dimension_semantics<core_parallel>, #tpu.dimension_semantics<subcore_parallel>], iteration_bounds = array<i64: 2, 16>, scalar_prefetch = 0 : i64, scratch_operands = 8 : i64, tpu.core_type = #tpu.core_type<sc_vector_subcore>, window_params = [{transform_indices = #map}, {transform_indices = #map}, {transform_indices = #map}]} {
    %mul3A = arith.constant 2 : i32
    %mul3A_0 = arith.muli %arg1, %mul3A : i32
    %add3A = arith.addi %mul3A_0, %arg0 : i32
    %add3A_1 = arith.constant 0 : i32
    %add3A_2 = arith.addi %add3A, %add3A_1 : i32
    %ge3A = arith.constant 0 : i32
    %ge3A_3 = arith.cmpi sge, %add3A_2, %ge3A : i32
    %lt3A = arith.constant 625 : i32
    %lt3A_4 = arith.cmpi slt, %add3A_2, %lt3A : i32
    %and3A = arith.andi %ge3A_3, %lt3A_4 : i1
    %convert_element_type3A = arith.extui %and3A : i1 to i32
    %cond3A = arith.constant 0 : i32
    %cond3A_5 = arith.cmpi ne, %convert_element_type3A, %cond3A : i32
    scf.if %cond3A_5 {
      %add3A_31 = arith.constant 0 : i32
      %add3A_32 = arith.addi %add3A_31, %add3A_2 : i32
      %mul3A_33 = arith.constant 2 : i32
      %mul3A_34 = arith.muli %add3A_32, %mul3A_33 : i32
      "tpu.region"() ({
        %run_scoped3A = tpu.sem_alloc : memref<!tpu.dma_semaphore, #tpu.memory_space<semaphore_mem>>
        %dma_start3A_54 = arith.constant 0 : i32
        %dma_start3A_55 = tpu.memref_slice %arg3[%mul3A_34, %dma_start3A_54] : memref<2500x128xi32, #tpu.memory_space<hbm>> -> memref<2x128xi32, #tpu.memory_space<hbm>>
        %dma_start3A_56 = arith.constant 0 : i32
        %dma_start3A_57 = tpu.memref_slice %arg3[%mul3A_34, %dma_start3A_56] : memref<2500x128xi32, #tpu.memory_space<hbm>> -> memref<2x128xi32, #tpu.memory_space<hbm>>
        tpu.enqueue_dma source(%dma_start3A_57 : memref<2x128xi32, #tpu.memory_space<hbm>>) target(%arg7 : memref<2x128xi32, #tpu.memory_space<vmem>>) target_semaphore(%run_scoped3A : memref<!tpu.dma_semaphore, #tpu.memory_space<semaphore_mem>>)
        %dma_wait3A = arith.constant 0 : i32
        %dma_wait3A_58 = tpu.memref_slice %arg3[%mul3A_34, %dma_wait3A] : memref<2500x128xi32, #tpu.memory_space<hbm>> -> memref<2x128xi32, #tpu.memory_space<hbm>>
        %dma_wait3A_59 = arith.constant 0 : i32
        %dma_wait3A_60 = tpu.memref_slice %arg3[%mul3A_34, %dma_wait3A_59] : memref<2500x128xi32, #tpu.memory_space<hbm>> -> memref<2x128xi32, #tpu.memory_space<hbm>>
        tpu.wait_dma2 semaphore(%run_scoped3A : memref<!tpu.dma_semaphore, #tpu.memory_space<semaphore_mem>>) src(%dma_wait3A_60 : memref<2x128xi32, #tpu.memory_space<hbm>>) dst(%arg7 : memref<2x128xi32, #tpu.memory_space<vmem>>)
        tpu.yield
      }) : () -> ()
      %dma_start3A = arith.constant 0 : i32
      %dma_start3A_35 = arith.constant 0 : i32
      %dma_start3A_36 = arith.constant 0 : i32
      %dma_start3A_37 = tpu.memref_slice %arg5[%dma_start3A_35, %dma_start3A_36] : memref<256x128xf32, #tpu.memory_space<vmem>> -> memref<128x128xf32, #tpu.memory_space<vmem>>
      %dma_start3A_38 = arith.constant 0 : i32
      %dma_start3A_39 = tpu.memref_slice %arg7[%dma_start3A, %dma_start3A_38] : memref<2x128xi32, #tpu.memory_space<vmem>> -> memref<1x128xi32, #tpu.memory_space<vmem>>
      %dma_start3A_40 = tpu.memref_squeeze %dma_start3A_39 : memref<1x128xi32, #tpu.memory_space<vmem>> -> memref<128xi32, #tpu.memory_space<vmem>>
      %dma_start3A_41 = arith.constant 0 : i32
      %dma_start3A_42 = arith.constant 0 : i32
      %dma_start3A_43 = tpu.memref_slice %arg2[%dma_start3A_41, %dma_start3A_42] : memref<10000x128xf32, #tpu.memory_space<hbm>> -> memref<10000x128xf32, #tpu.memory_space<hbm>>
      tpu.enqueue_indirect_dma source(%dma_start3A_43 : memref<10000x128xf32, #tpu.memory_space<hbm>>) target(%dma_start3A_37 : memref<128x128xf32, #tpu.memory_space<vmem>>) offsets(%dma_start3A_40 : memref<128xi32, #tpu.memory_space<vmem>>) semaphore(%arg9 : memref<!tpu.dma_semaphore, #tpu.memory_space<semaphore_mem>>)
      %dma_start3A_44 = arith.constant 1 : i32
      %dma_start3A_45 = arith.constant 128 : i32
      %dma_start3A_46 = arith.constant 0 : i32
      %dma_start3A_47 = tpu.memref_slice %arg5[%dma_start3A_45, %dma_start3A_46] : memref<256x128xf32, #tpu.memory_space<vmem>> -> memref<128x128xf32, #tpu.memory_space<vmem>>
      %dma_start3A_48 = arith.constant 0 : i32
      %dma_start3A_49 = tpu.memref_slice %arg7[%dma_start3A_44, %dma_start3A_48] : memref<2x128xi32, #tpu.memory_space<vmem>> -> memref<1x128xi32, #tpu.memory_space<vmem>>
      %dma_start3A_50 = tpu.memref_squeeze %dma_start3A_49 : memref<1x128xi32, #tpu.memory_space<vmem>> -> memref<128xi32, #tpu.memory_space<vmem>>
      %dma_start3A_51 = arith.constant 0 : i32
      %dma_start3A_52 = arith.constant 0 : i32
      %dma_start3A_53 = tpu.memref_slice %arg2[%dma_start3A_51, %dma_start3A_52] : memref<10000x128xf32, #tpu.memory_space<hbm>> -> memref<10000x128xf32, #tpu.memory_space<hbm>>
      tpu.enqueue_indirect_dma source(%dma_start3A_53 : memref<10000x128xf32, #tpu.memory_space<hbm>>) target(%dma_start3A_47 : memref<128x128xf32, #tpu.memory_space<vmem>>) offsets(%dma_start3A_50 : memref<128xi32, #tpu.memory_space<vmem>>) semaphore(%arg9 : memref<!tpu.dma_semaphore, #tpu.memory_space<semaphore_mem>>)
    } else {
    }
    %scan3A = arith.constant 0 : i32
    %scan3A_6 = arith.constant 0 : i32
    %scan3A_7 = arith.constant 10 : i32
    %scan3A_8 = arith.addi %scan3A_6, %scan3A_7 : i32
    %scan3A_9 = arith.constant 1 : i32
    scf.for %scan3A_31 = %scan3A_6 to %scan3A_8 step %scan3A_9  : i32 {
      %mul3A_32 = arith.constant 2 : i32
      %mul3A_33 = arith.muli %mul3A_32, %scan3A_31 : i32
      %add3A_34 = arith.constant 0 : i32
      %add3A_35 = arith.addi %mul3A_33, %add3A_34 : i32
      %sub3A = arith.constant 1 : i32
      %sub3A_36 = arith.subi %add3A_35, %sub3A : i32
      %mul3A_37 = arith.constant 32 : i32
      %mul3A_38 = arith.muli %sub3A_36, %mul3A_37 : i32
      %add3A_39 = arith.addi %add3A, %mul3A_38 : i32
      %ge3A_40 = arith.constant 0 : i32
      %ge3A_41 = arith.cmpi sge, %add3A_39, %ge3A_40 : i32
      %lt3A_42 = arith.constant 625 : i32
      %lt3A_43 = arith.cmpi slt, %add3A_39, %lt3A_42 : i32
      %and3A_44 = arith.andi %ge3A_41, %lt3A_43 : i1
      %convert_element_type3A_45 = arith.extui %and3A_44 : i1 to i32
      %cond3A_46 = arith.constant 0 : i32
      %cond3A_47 = arith.cmpi ne, %convert_element_type3A_45, %cond3A_46 : i32
      scf.if %cond3A_47 {
        %dma_wait3A = arith.constant 0 : i32
        %dma_wait3A_113 = arith.constant 0 : i32
        %dma_wait3A_114 = tpu.memref_slice %arg2[%dma_wait3A, %dma_wait3A_113] : memref<10000x128xf32, #tpu.memory_space<hbm>> -> memref<256x128xf32, #tpu.memory_space<hbm>>
        %dma_wait3A_115 = arith.constant 0 : i32
        %dma_wait3A_116 = arith.constant 0 : i32
        %dma_wait3A_117 = tpu.memref_slice %arg2[%dma_wait3A_115, %dma_wait3A_116] : memref<10000x128xf32, #tpu.memory_space<hbm>> -> memref<256x128xf32, #tpu.memory_space<hbm>>
        tpu.wait_dma2 semaphore(%arg12 : memref<!tpu.dma_semaphore, #tpu.memory_space<semaphore_mem>>) src(%dma_wait3A_117 : memref<256x128xf32, #tpu.memory_space<hbm>>) dst(%arg6 : memref<256x128xf32, #tpu.memory_space<vmem>>)
      } else {
      }
      %add3A_48 = arith.constant 1 : i32
      %add3A_49 = arith.addi %add3A_35, %add3A_48 : i32
      %mul3A_50 = arith.constant 32 : i32
      %mul3A_51 = arith.muli %add3A_49, %mul3A_50 : i32
      %add3A_52 = arith.addi %add3A, %mul3A_51 : i32
      %ge3A_53 = arith.constant 0 : i32
      %ge3A_54 = arith.cmpi sge, %add3A_52, %ge3A_53 : i32
      %lt3A_55 = arith.constant 625 : i32
      %lt3A_56 = arith.cmpi slt, %add3A_52, %lt3A_55 : i32
      %and3A_57 = arith.andi %ge3A_54, %lt3A_56 : i1
      %convert_element_type3A_58 = arith.extui %and3A_57 : i1 to i32
      %cond3A_59 = arith.constant 0 : i32
      %cond3A_60 = arith.cmpi ne, %convert_element_type3A_58, %cond3A_59 : i32
      scf.if %cond3A_60 {
        %add3A_113 = arith.constant 0 : i32
        %add3A_114 = arith.addi %add3A_113, %add3A_52 : i32
        %mul3A_115 = arith.constant 2 : i32
        %mul3A_116 = arith.muli %add3A_114, %mul3A_115 : i32
        "tpu.region"() ({
          %run_scoped3A = tpu.sem_alloc : memref<!tpu.dma_semaphore, #tpu.memory_space<semaphore_mem>>
          %dma_start3A_136 = arith.constant 0 : i32
          %dma_start3A_137 = tpu.memref_slice %arg3[%mul3A_116, %dma_start3A_136] : memref<2500x128xi32, #tpu.memory_space<hbm>> -> memref<2x128xi32, #tpu.memory_space<hbm>>
          %dma_start3A_138 = arith.constant 0 : i32
          %dma_start3A_139 = tpu.memref_slice %arg3[%mul3A_116, %dma_start3A_138] : memref<2500x128xi32, #tpu.memory_space<hbm>> -> memref<2x128xi32, #tpu.memory_space<hbm>>
          tpu.enqueue_dma source(%dma_start3A_139 : memref<2x128xi32, #tpu.memory_space<hbm>>) target(%arg8 : memref<2x128xi32, #tpu.memory_space<vmem>>) target_semaphore(%run_scoped3A : memref<!tpu.dma_semaphore, #tpu.memory_space<semaphore_mem>>)
          %dma_wait3A = arith.constant 0 : i32
          %dma_wait3A_140 = tpu.memref_slice %arg3[%mul3A_116, %dma_wait3A] : memref<2500x128xi32, #tpu.memory_space<hbm>> -> memref<2x128xi32, #tpu.memory_space<hbm>>
          %dma_wait3A_141 = arith.constant 0 : i32
          %dma_wait3A_142 = tpu.memref_slice %arg3[%mul3A_116, %dma_wait3A_141] : memref<2500x128xi32, #tpu.memory_space<hbm>> -> memref<2x128xi32, #tpu.memory_space<hbm>>
          tpu.wait_dma2 semaphore(%run_scoped3A : memref<!tpu.dma_semaphore, #tpu.memory_space<semaphore_mem>>) src(%dma_wait3A_142 : memref<2x128xi32, #tpu.memory_space<hbm>>) dst(%arg8 : memref<2x128xi32, #tpu.memory_space<vmem>>)
          tpu.yield
        }) : () -> ()
        %dma_start3A = arith.constant 0 : i32
        %dma_start3A_117 = arith.constant 0 : i32
        %dma_start3A_118 = arith.constant 0 : i32
        %dma_start3A_119 = tpu.memref_slice %arg6[%dma_start3A_117, %dma_start3A_118] : memref<256x128xf32, #tpu.memory_space<vmem>> -> memref<128x128xf32, #tpu.memory_space<vmem>>
        %dma_start3A_120 = arith.constant 0 : i32
        %dma_start3A_121 = tpu.memref_slice %arg8[%dma_start3A, %dma_start3A_120] : memref<2x128xi32, #tpu.memory_space<vmem>> -> memref<1x128xi32, #tpu.memory_space<vmem>>
        %dma_start3A_122 = tpu.memref_squeeze %dma_start3A_121 : memref<1x128xi32, #tpu.memory_space<vmem>> -> memref<128xi32, #tpu.memory_space<vmem>>
        %dma_start3A_123 = arith.constant 0 : i32
        %dma_start3A_124 = arith.constant 0 : i32
        %dma_start3A_125 = tpu.memref_slice %arg2[%dma_start3A_123, %dma_start3A_124] : memref<10000x128xf32, #tpu.memory_space<hbm>> -> memref<10000x128xf32, #tpu.memory_space<hbm>>
        tpu.enqueue_indirect_dma source(%dma_start3A_125 : memref<10000x128xf32, #tpu.memory_space<hbm>>) target(%dma_start3A_119 : memref<128x128xf32, #tpu.memory_space<vmem>>) offsets(%dma_start3A_122 : memref<128xi32, #tpu.memory_space<vmem>>) semaphore(%arg10 : memref<!tpu.dma_semaphore, #tpu.memory_space<semaphore_mem>>)
        %dma_start3A_126 = arith.constant 1 : i32
        %dma_start3A_127 = arith.constant 128 : i32
        %dma_start3A_128 = arith.constant 0 : i32
        %dma_start3A_129 = tpu.memref_slice %arg6[%dma_start3A_127, %dma_start3A_128] : memref<256x128xf32, #tpu.memory_space<vmem>> -> memref<128x128xf32, #tpu.memory_space<vmem>>
        %dma_start3A_130 = arith.constant 0 : i32
        %dma_start3A_131 = tpu.memref_slice %arg8[%dma_start3A_126, %dma_start3A_130] : memref<2x128xi32, #tpu.memory_space<vmem>> -> memref<1x128xi32, #tpu.memory_space<vmem>>
        %dma_start3A_132 = tpu.memref_squeeze %dma_start3A_131 : memref<1x128xi32, #tpu.memory_space<vmem>> -> memref<128xi32, #tpu.memory_space<vmem>>
        %dma_start3A_133 = arith.constant 0 : i32
        %dma_start3A_134 = arith.constant 0 : i32
        %dma_start3A_135 = tpu.memref_slice %arg2[%dma_start3A_133, %dma_start3A_134] : memref<10000x128xf32, #tpu.memory_space<hbm>> -> memref<10000x128xf32, #tpu.memory_space<hbm>>
        tpu.enqueue_indirect_dma source(%dma_start3A_135 : memref<10000x128xf32, #tpu.memory_space<hbm>>) target(%dma_start3A_129 : memref<128x128xf32, #tpu.memory_space<vmem>>) offsets(%dma_start3A_132 : memref<128xi32, #tpu.memory_space<vmem>>) semaphore(%arg10 : memref<!tpu.dma_semaphore, #tpu.memory_space<semaphore_mem>>)
      } else {
      }
      %mul3A_61 = arith.constant 32 : i32
      %mul3A_62 = arith.muli %add3A_35, %mul3A_61 : i32
      %add3A_63 = arith.addi %add3A, %mul3A_62 : i32
      %ge3A_64 = arith.constant 0 : i32
      %ge3A_65 = arith.cmpi sge, %add3A_63, %ge3A_64 : i32
      %lt3A_66 = arith.constant 625 : i32
      %lt3A_67 = arith.cmpi slt, %add3A_63, %lt3A_66 : i32
      %and3A_68 = arith.andi %ge3A_65, %lt3A_67 : i1
      %convert_element_type3A_69 = arith.extui %and3A_68 : i1 to i32
      %cond3A_70 = arith.constant 0 : i32
      %cond3A_71 = arith.cmpi ne, %convert_element_type3A_69, %cond3A_70 : i32
      scf.if %cond3A_71 {
        %dma_wait3A = arith.constant 0 : i32
        %dma_wait3A_113 = arith.constant 0 : i32
        %dma_wait3A_114 = tpu.memref_slice %arg2[%dma_wait3A, %dma_wait3A_113] : memref<10000x128xf32, #tpu.memory_space<hbm>> -> memref<256x128xf32, #tpu.memory_space<hbm>>
        %dma_wait3A_115 = arith.constant 0 : i32
        %dma_wait3A_116 = arith.constant 0 : i32
        %dma_wait3A_117 = tpu.memref_slice %arg2[%dma_wait3A_115, %dma_wait3A_116] : memref<10000x128xf32, #tpu.memory_space<hbm>> -> memref<256x128xf32, #tpu.memory_space<hbm>>
        tpu.wait_dma2 semaphore(%arg9 : memref<!tpu.dma_semaphore, #tpu.memory_space<semaphore_mem>>) src(%dma_wait3A_117 : memref<256x128xf32, #tpu.memory_space<hbm>>) dst(%arg5 : memref<256x128xf32, #tpu.memory_space<vmem>>)
        %mul3A_118 = arith.constant 256 : i32
        %mul3A_119 = arith.muli %add3A_63, %mul3A_118 : i32
        %dma_start3A = arith.constant 0 : i32
        %dma_start3A_120 = tpu.memref_slice %arg4[%mul3A_119, %dma_start3A] : memref<160000x128xf32, #tpu.memory_space<hbm>> -> memref<256x128xf32, #tpu.memory_space<hbm>>
        %dma_start3A_121 = arith.constant 0 : i32
        %dma_start3A_122 = tpu.memref_slice %arg4[%mul3A_119, %dma_start3A_121] : memref<160000x128xf32, #tpu.memory_space<hbm>> -> memref<256x128xf32, #tpu.memory_space<hbm>>
        tpu.enqueue_dma source(%arg5 : memref<256x128xf32, #tpu.memory_space<vmem>>) target(%dma_start3A_122 : memref<256x128xf32, #tpu.memory_space<hbm>>) target_semaphore(%arg11 : memref<!tpu.dma_semaphore, #tpu.memory_space<semaphore_mem>>)
      } else {
      }
      %mul3A_72 = arith.constant 2 : i32
      %mul3A_73 = arith.muli %mul3A_72, %scan3A_31 : i32
      %add3A_74 = arith.constant 1 : i32
      %add3A_75 = arith.addi %mul3A_73, %add3A_74 : i32
      %sub3A_76 = arith.constant 1 : i32
      %sub3A_77 = arith.subi %add3A_75, %sub3A_76 : i32
      %mul3A_78 = arith.constant 32 : i32
      %mul3A_79 = arith.muli %sub3A_77, %mul3A_78 : i32
      %add3A_80 = arith.addi %add3A, %mul3A_79 : i32
      %ge3A_81 = arith.constant 0 : i32
      %ge3A_82 = arith.cmpi sge, %add3A_80, %ge3A_81 : i32
      %lt3A_83 = arith.constant 625 : i32
      %lt3A_84 = arith.cmpi slt, %add3A_80, %lt3A_83 : i32
      %and3A_85 = arith.andi %ge3A_82, %lt3A_84 : i1
      %convert_element_type3A_86 = arith.extui %and3A_85 : i1 to i32
      %cond3A_87 = arith.constant 0 : i32
      %cond3A_88 = arith.cmpi ne, %convert_element_type3A_86, %cond3A_87 : i32
      scf.if %cond3A_88 {
        %dma_wait3A = arith.constant 0 : i32
        %dma_wait3A_113 = arith.constant 0 : i32
        %dma_wait3A_114 = tpu.memref_slice %arg2[%dma_wait3A, %dma_wait3A_113] : memref<10000x128xf32, #tpu.memory_space<hbm>> -> memref<256x128xf32, #tpu.memory_space<hbm>>
        %dma_wait3A_115 = arith.constant 0 : i32
        %dma_wait3A_116 = arith.constant 0 : i32
        %dma_wait3A_117 = tpu.memref_slice %arg2[%dma_wait3A_115, %dma_wait3A_116] : memref<10000x128xf32, #tpu.memory_space<hbm>> -> memref<256x128xf32, #tpu.memory_space<hbm>>
        tpu.wait_dma2 semaphore(%arg11 : memref<!tpu.dma_semaphore, #tpu.memory_space<semaphore_mem>>) src(%dma_wait3A_117 : memref<256x128xf32, #tpu.memory_space<hbm>>) dst(%arg5 : memref<256x128xf32, #tpu.memory_space<vmem>>)
      } else {
      }
      %add3A_89 = arith.constant 1 : i32
      %add3A_90 = arith.addi %add3A_75, %add3A_89 : i32
      %mul3A_91 = arith.constant 32 : i32
      %mul3A_92 = arith.muli %add3A_90, %mul3A_91 : i32
      %add3A_93 = arith.addi %add3A, %mul3A_92 : i32
      %ge3A_94 = arith.constant 0 : i32
      %ge3A_95 = arith.cmpi sge, %add3A_93, %ge3A_94 : i32
      %lt3A_96 = arith.constant 625 : i32
      %lt3A_97 = arith.cmpi slt, %add3A_93, %lt3A_96 : i32
      %and3A_98 = arith.andi %ge3A_95, %lt3A_97 : i1
      %convert_element_type3A_99 = arith.extui %and3A_98 : i1 to i32
      %cond3A_100 = arith.constant 0 : i32
      %cond3A_101 = arith.cmpi ne, %convert_element_type3A_99, %cond3A_100 : i32
      scf.if %cond3A_101 {
        %add3A_113 = arith.constant 0 : i32
        %add3A_114 = arith.addi %add3A_113, %add3A_93 : i32
        %mul3A_115 = arith.constant 2 : i32
        %mul3A_116 = arith.muli %add3A_114, %mul3A_115 : i32
        "tpu.region"() ({
          %run_scoped3A = tpu.sem_alloc : memref<!tpu.dma_semaphore, #tpu.memory_space<semaphore_mem>>
          %dma_start3A_136 = arith.constant 0 : i32
          %dma_start3A_137 = tpu.memref_slice %arg3[%mul3A_116, %dma_start3A_136] : memref<2500x128xi32, #tpu.memory_space<hbm>> -> memref<2x128xi32, #tpu.memory_space<hbm>>
          %dma_start3A_138 = arith.constant 0 : i32
          %dma_start3A_139 = tpu.memref_slice %arg3[%mul3A_116, %dma_start3A_138] : memref<2500x128xi32, #tpu.memory_space<hbm>> -> memref<2x128xi32, #tpu.memory_space<hbm>>
          tpu.enqueue_dma source(%dma_start3A_139 : memref<2x128xi32, #tpu.memory_space<hbm>>) target(%arg7 : memref<2x128xi32, #tpu.memory_space<vmem>>) target_semaphore(%run_scoped3A : memref<!tpu.dma_semaphore, #tpu.memory_space<semaphore_mem>>)
          %dma_wait3A = arith.constant 0 : i32
          %dma_wait3A_140 = tpu.memref_slice %arg3[%mul3A_116, %dma_wait3A] : memref<2500x128xi32, #tpu.memory_space<hbm>> -> memref<2x128xi32, #tpu.memory_space<hbm>>
          %dma_wait3A_141 = arith.constant 0 : i32
          %dma_wait3A_142 = tpu.memref_slice %arg3[%mul3A_116, %dma_wait3A_141] : memref<2500x128xi32, #tpu.memory_space<hbm>> -> memref<2x128xi32, #tpu.memory_space<hbm>>
          tpu.wait_dma2 semaphore(%run_scoped3A : memref<!tpu.dma_semaphore, #tpu.memory_space<semaphore_mem>>) src(%dma_wait3A_142 : memref<2x128xi32, #tpu.memory_space<hbm>>) dst(%arg7 : memref<2x128xi32, #tpu.memory_space<vmem>>)
          tpu.yield
        }) : () -> ()
        %dma_start3A = arith.constant 0 : i32
        %dma_start3A_117 = arith.constant 0 : i32
        %dma_start3A_118 = arith.constant 0 : i32
        %dma_start3A_119 = tpu.memref_slice %arg5[%dma_start3A_117, %dma_start3A_118] : memref<256x128xf32, #tpu.memory_space<vmem>> -> memref<128x128xf32, #tpu.memory_space<vmem>>
        %dma_start3A_120 = arith.constant 0 : i32
        %dma_start3A_121 = tpu.memref_slice %arg7[%dma_start3A, %dma_start3A_120] : memref<2x128xi32, #tpu.memory_space<vmem>> -> memref<1x128xi32, #tpu.memory_space<vmem>>
        %dma_start3A_122 = tpu.memref_squeeze %dma_start3A_121 : memref<1x128xi32, #tpu.memory_space<vmem>> -> memref<128xi32, #tpu.memory_space<vmem>>
        %dma_start3A_123 = arith.constant 0 : i32
        %dma_start3A_124 = arith.constant 0 : i32
        %dma_start3A_125 = tpu.memref_slice %arg2[%dma_start3A_123, %dma_start3A_124] : memref<10000x128xf32, #tpu.memory_space<hbm>> -> memref<10000x128xf32, #tpu.memory_space<hbm>>
        tpu.enqueue_indirect_dma source(%dma_start3A_125 : memref<10000x128xf32, #tpu.memory_space<hbm>>) target(%dma_start3A_119 : memref<128x128xf32, #tpu.memory_space<vmem>>) offsets(%dma_start3A_122 : memref<128xi32, #tpu.memory_space<vmem>>) semaphore(%arg9 : memref<!tpu.dma_semaphore, #tpu.memory_space<semaphore_mem>>)
        %dma_start3A_126 = arith.constant 1 : i32
        %dma_start3A_127 = arith.constant 128 : i32
        %dma_start3A_128 = arith.constant 0 : i32
        %dma_start3A_129 = tpu.memref_slice %arg5[%dma_start3A_127, %dma_start3A_128] : memref<256x128xf32, #tpu.memory_space<vmem>> -> memref<128x128xf32, #tpu.memory_space<vmem>>
        %dma_start3A_130 = arith.constant 0 : i32
        %dma_start3A_131 = tpu.memref_slice %arg7[%dma_start3A_126, %dma_start3A_130] : memref<2x128xi32, #tpu.memory_space<vmem>> -> memref<1x128xi32, #tpu.memory_space<vmem>>
        %dma_start3A_132 = tpu.memref_squeeze %dma_start3A_131 : memref<1x128xi32, #tpu.memory_space<vmem>> -> memref<128xi32, #tpu.memory_space<vmem>>
        %dma_start3A_133 = arith.constant 0 : i32
        %dma_start3A_134 = arith.constant 0 : i32
        %dma_start3A_135 = tpu.memref_slice %arg2[%dma_start3A_133, %dma_start3A_134] : memref<10000x128xf32, #tpu.memory_space<hbm>> -> memref<10000x128xf32, #tpu.memory_space<hbm>>
        tpu.enqueue_indirect_dma source(%dma_start3A_135 : memref<10000x128xf32, #tpu.memory_space<hbm>>) target(%dma_start3A_129 : memref<128x128xf32, #tpu.memory_space<vmem>>) offsets(%dma_start3A_132 : memref<128xi32, #tpu.memory_space<vmem>>) semaphore(%arg9 : memref<!tpu.dma_semaphore, #tpu.memory_space<semaphore_mem>>)
      } else {
      }
      %mul3A_102 = arith.constant 32 : i32
      %mul3A_103 = arith.muli %add3A_75, %mul3A_102 : i32
      %add3A_104 = arith.addi %add3A, %mul3A_103 : i32
      %ge3A_105 = arith.constant 0 : i32
      %ge3A_106 = arith.cmpi sge, %add3A_104, %ge3A_105 : i32
      %lt3A_107 = arith.constant 625 : i32
      %lt3A_108 = arith.cmpi slt, %add3A_104, %lt3A_107 : i32
      %and3A_109 = arith.andi %ge3A_106, %lt3A_108 : i1
      %convert_element_type3A_110 = arith.extui %and3A_109 : i1 to i32
      %cond3A_111 = arith.constant 0 : i32
      %cond3A_112 = arith.cmpi ne, %convert_element_type3A_110, %cond3A_111 : i32
      scf.if %cond3A_112 {
        %dma_wait3A = arith.constant 0 : i32
        %dma_wait3A_113 = arith.constant 0 : i32
        %dma_wait3A_114 = tpu.memref_slice %arg2[%dma_wait3A, %dma_wait3A_113] : memref<10000x128xf32, #tpu.memory_space<hbm>> -> memref<256x128xf32, #tpu.memory_space<hbm>>
        %dma_wait3A_115 = arith.constant 0 : i32
        %dma_wait3A_116 = arith.constant 0 : i32
        %dma_wait3A_117 = tpu.memref_slice %arg2[%dma_wait3A_115, %dma_wait3A_116] : memref<10000x128xf32, #tpu.memory_space<hbm>> -> memref<256x128xf32, #tpu.memory_space<hbm>>
        tpu.wait_dma2 semaphore(%arg10 : memref<!tpu.dma_semaphore, #tpu.memory_space<semaphore_mem>>) src(%dma_wait3A_117 : memref<256x128xf32, #tpu.memory_space<hbm>>) dst(%arg6 : memref<256x128xf32, #tpu.memory_space<vmem>>)
        %mul3A_118 = arith.constant 256 : i32
        %mul3A_119 = arith.muli %add3A_104, %mul3A_118 : i32
        %dma_start3A = arith.constant 0 : i32
        %dma_start3A_120 = tpu.memref_slice %arg4[%mul3A_119, %dma_start3A] : memref<160000x128xf32, #tpu.memory_space<hbm>> -> memref<256x128xf32, #tpu.memory_space<hbm>>
        %dma_start3A_121 = arith.constant 0 : i32
        %dma_start3A_122 = tpu.memref_slice %arg4[%mul3A_119, %dma_start3A_121] : memref<160000x128xf32, #tpu.memory_space<hbm>> -> memref<256x128xf32, #tpu.memory_space<hbm>>
        tpu.enqueue_dma source(%arg6 : memref<256x128xf32, #tpu.memory_space<vmem>>) target(%dma_start3A_122 : memref<256x128xf32, #tpu.memory_space<hbm>>) target_semaphore(%arg12 : memref<!tpu.dma_semaphore, #tpu.memory_space<semaphore_mem>>)
      } else {
      }
    }
    %scan3A_10 = arith.constant 10 : i32
    %add3A_11 = arith.constant 608 : i32
    %add3A_12 = arith.addi %add3A, %add3A_11 : i32
    %ge3A_13 = arith.constant 0 : i32
    %ge3A_14 = arith.cmpi sge, %add3A_12, %ge3A_13 : i32
    %lt3A_15 = arith.constant 625 : i32
    %lt3A_16 = arith.cmpi slt, %add3A_12, %lt3A_15 : i32
    %and3A_17 = arith.andi %ge3A_14, %lt3A_16 : i1
    %convert_element_type3A_18 = arith.extui %and3A_17 : i1 to i32
    %cond3A_19 = arith.constant 0 : i32
    %cond3A_20 = arith.cmpi ne, %convert_element_type3A_18, %cond3A_19 : i32
    scf.if %cond3A_20 {
      %dma_wait3A = arith.constant 0 : i32
      %dma_wait3A_31 = arith.constant 0 : i32
      %dma_wait3A_32 = tpu.memref_slice %arg2[%dma_wait3A, %dma_wait3A_31] : memref<10000x128xf32, #tpu.memory_space<hbm>> -> memref<256x128xf32, #tpu.memory_space<hbm>>
      %dma_wait3A_33 = arith.constant 0 : i32
      %dma_wait3A_34 = arith.constant 0 : i32
      %dma_wait3A_35 = tpu.memref_slice %arg2[%dma_wait3A_33, %dma_wait3A_34] : memref<10000x128xf32, #tpu.memory_space<hbm>> -> memref<256x128xf32, #tpu.memory_space<hbm>>
      tpu.wait_dma2 semaphore(%arg12 : memref<!tpu.dma_semaphore, #tpu.memory_space<semaphore_mem>>) src(%dma_wait3A_35 : memref<256x128xf32, #tpu.memory_space<hbm>>) dst(%arg6 : memref<256x128xf32, #tpu.memory_space<vmem>>)
    } else {
    }
    %add3A_21 = arith.constant 640 : i32
    %add3A_22 = arith.addi %add3A, %add3A_21 : i32
    %ge3A_23 = arith.constant 0 : i32
    %ge3A_24 = arith.cmpi sge, %add3A_22, %ge3A_23 : i32
    %lt3A_25 = arith.constant 625 : i32
    %lt3A_26 = arith.cmpi slt, %add3A_22, %lt3A_25 : i32
    %and3A_27 = arith.andi %ge3A_24, %lt3A_26 : i1
    %convert_element_type3A_28 = arith.extui %and3A_27 : i1 to i32
    %cond3A_29 = arith.constant 0 : i32
    %cond3A_30 = arith.cmpi ne, %convert_element_type3A_28, %cond3A_29 : i32
    scf.if %cond3A_30 {
      %dma_wait3A = arith.constant 0 : i32
      %dma_wait3A_31 = arith.constant 0 : i32
      %dma_wait3A_32 = tpu.memref_slice %arg2[%dma_wait3A, %dma_wait3A_31] : memref<10000x128xf32, #tpu.memory_space<hbm>> -> memref<256x128xf32, #tpu.memory_space<hbm>>
      %dma_wait3A_33 = arith.constant 0 : i32
      %dma_wait3A_34 = arith.constant 0 : i32
      %dma_wait3A_35 = tpu.memref_slice %arg2[%dma_wait3A_33, %dma_wait3A_34] : memref<10000x128xf32, #tpu.memory_space<hbm>> -> memref<256x128xf32, #tpu.memory_space<hbm>>
      tpu.wait_dma2 semaphore(%arg11 : memref<!tpu.dma_semaphore, #tpu.memory_space<semaphore_mem>>) src(%dma_wait3A_35 : memref<256x128xf32, #tpu.memory_space<hbm>>) dst(%arg5 : memref<256x128xf32, #tpu.memory_space<vmem>>)
    } else {
    }
    return
  }
}

#map = affine_map<(d0, d1) -> (0, 0)>
#map1 = affine_map<(d0, d1) -> (0, 0, 0)>
module attributes {stable_mosaic.version = 14 : i64} {
  func.func @_sc_scatter(%arg0: i32, %arg1: i32, %arg2: memref<160000x128xf32, #tpu.memory_space<hbm>>, %arg3: memref<2500x128xi32, #tpu.memory_space<hbm>>, %arg4: memref<10112x128xf32, #tpu.memory_space<hbm>>, %arg5: memref<2x10112x128xf32, #tpu.memory_space<hbm>>, %arg6: memref<128x128xf32, #tpu.memory_space<vmem>>, %arg7: memref<128x128xf32, #tpu.memory_space<vmem>>, %arg8: memref<1x128xi32, #tpu.memory_space<vmem>>, %arg9: memref<1x128xi32, #tpu.memory_space<vmem>>, %arg10: memref<!tpu.dma_semaphore, #tpu.memory_space<semaphore_mem>>, %arg11: memref<!tpu.dma_semaphore, #tpu.memory_space<semaphore_mem>>, %arg12: memref<!tpu.dma_semaphore, #tpu.memory_space<semaphore_mem>>, %arg13: memref<!tpu.dma_semaphore, #tpu.memory_space<semaphore_mem>>, %arg14: memref<10112x128xf32, #tpu.memory_space<vmem_shared>>) attributes {dimension_semantics = [#tpu.dimension_semantics<core_parallel>, #tpu.dimension_semantics<subcore_parallel>], iteration_bounds = array<i64: 2, 16>, scalar_prefetch = 0 : i64, scratch_operands = 9 : i64, tpu.core_type = #tpu.core_type<sc_vector_subcore>, window_params = [{transform_indices = #map}, {transform_indices = #map}, {transform_indices = #map}, {transform_indices = #map1}]} {
    %mul3A = arith.constant 2 : i32
    %mul3A_0 = arith.muli %arg1, %mul3A : i32
    %add3A = arith.addi %mul3A_0, %arg0 : i32
    %mul3A_1 = arith.constant 632 : i32
    %mul3A_2 = arith.muli %arg1, %mul3A_1 : i32
    %mul3A_3 = arith.constant 632 : i32
    %mul3A_4 = arith.muli %arg1, %mul3A_3 : i32
    "tpu.region"() ({
      %run_scoped3A = tpu.sem_alloc : memref<!tpu.dma_semaphore, #tpu.memory_space<semaphore_mem>>
      %dma_start3A = arith.constant 0 : i32
      %dma_start3A_40 = tpu.memref_slice %arg14[%mul3A_4, %dma_start3A] : memref<10112x128xf32, #tpu.memory_space<vmem_shared>> -> memref<632x128xf32, #tpu.memory_space<vmem_shared>>
      %dma_start3A_41 = arith.constant 0 : i32
      %dma_start3A_42 = tpu.memref_slice %arg4[%mul3A_2, %dma_start3A_41] : memref<10112x128xf32, #tpu.memory_space<hbm>> -> memref<632x128xf32, #tpu.memory_space<hbm>>
      tpu.enqueue_dma source(%dma_start3A_42 : memref<632x128xf32, #tpu.memory_space<hbm>>) target(%dma_start3A_40 : memref<632x128xf32, #tpu.memory_space<vmem_shared>>) target_semaphore(%run_scoped3A : memref<!tpu.dma_semaphore, #tpu.memory_space<semaphore_mem>>)
      %dma_wait3A = arith.constant 0 : i32
      %dma_wait3A_43 = tpu.memref_slice %arg14[%mul3A_4, %dma_wait3A] : memref<10112x128xf32, #tpu.memory_space<vmem_shared>> -> memref<632x128xf32, #tpu.memory_space<vmem_shared>>
      %dma_wait3A_44 = arith.constant 0 : i32
      %dma_wait3A_45 = tpu.memref_slice %arg4[%mul3A_2, %dma_wait3A_44] : memref<10112x128xf32, #tpu.memory_space<hbm>> -> memref<632x128xf32, #tpu.memory_space<hbm>>
      tpu.wait_dma2 semaphore(%run_scoped3A : memref<!tpu.dma_semaphore, #tpu.memory_space<semaphore_mem>>) src(%dma_wait3A_45 : memref<632x128xf32, #tpu.memory_space<hbm>>) dst(%dma_wait3A_43 : memref<632x128xf32, #tpu.memory_space<vmem_shared>>)
      tpu.yield
    }) : () -> ()
    %barrier3A = arith.constant 0 : index
    tpu.barrier barrier_id(%barrier3A)
    %add3A_5 = arith.constant 0 : i32
    %add3A_6 = arith.addi %add3A, %add3A_5 : i32
    %ge3A = arith.constant 0 : i32
    %ge3A_7 = arith.cmpi sge, %add3A_6, %ge3A : i32
    %lt3A = arith.constant 1250 : i32
    %lt3A_8 = arith.cmpi slt, %add3A_6, %lt3A : i32
    %and3A = arith.andi %ge3A_7, %lt3A_8 : i1
    %convert_element_type3A = arith.extui %and3A : i1 to i32
    %cond3A = arith.constant 0 : i32
    %cond3A_9 = arith.cmpi ne, %convert_element_type3A, %cond3A : i32
    scf.if %cond3A_9 {
      %add3A_40 = arith.constant 0 : i32
      %add3A_41 = arith.addi %add3A_40, %add3A_6 : i32
      %mul3A_42 = arith.constant 1 : i32
      %mul3A_43 = arith.muli %add3A_41, %mul3A_42 : i32
      "tpu.region"() ({
        %run_scoped3A = tpu.sem_alloc : memref<!tpu.dma_semaphore, #tpu.memory_space<semaphore_mem>>
        %dma_start3A_49 = arith.constant 0 : i32
        %dma_start3A_50 = tpu.memref_slice %arg3[%mul3A_43, %dma_start3A_49] : memref<2500x128xi32, #tpu.memory_space<hbm>> -> memref<1x128xi32, #tpu.memory_space<hbm>>
        %dma_start3A_51 = arith.constant 0 : i32
        %dma_start3A_52 = tpu.memref_slice %arg3[%mul3A_43, %dma_start3A_51] : memref<2500x128xi32, #tpu.memory_space<hbm>> -> memref<1x128xi32, #tpu.memory_space<hbm>>
        tpu.enqueue_dma source(%dma_start3A_52 : memref<1x128xi32, #tpu.memory_space<hbm>>) target(%arg8 : memref<1x128xi32, #tpu.memory_space<vmem>>) target_semaphore(%run_scoped3A : memref<!tpu.dma_semaphore, #tpu.memory_space<semaphore_mem>>)
        %dma_wait3A = arith.constant 0 : i32
        %dma_wait3A_53 = tpu.memref_slice %arg3[%mul3A_43, %dma_wait3A] : memref<2500x128xi32, #tpu.memory_space<hbm>> -> memref<1x128xi32, #tpu.memory_space<hbm>>
        %dma_wait3A_54 = arith.constant 0 : i32
        %dma_wait3A_55 = tpu.memref_slice %arg3[%mul3A_43, %dma_wait3A_54] : memref<2500x128xi32, #tpu.memory_space<hbm>> -> memref<1x128xi32, #tpu.memory_space<hbm>>
        tpu.wait_dma2 semaphore(%run_scoped3A : memref<!tpu.dma_semaphore, #tpu.memory_space<semaphore_mem>>) src(%dma_wait3A_55 : memref<1x128xi32, #tpu.memory_space<hbm>>) dst(%arg8 : memref<1x128xi32, #tpu.memory_space<vmem>>)
        tpu.yield
      }) : () -> ()
      %mul3A_44 = arith.constant 128 : i32
      %mul3A_45 = arith.muli %add3A_6, %mul3A_44 : i32
      %dma_start3A = arith.constant 0 : i32
      %dma_start3A_46 = tpu.memref_slice %arg2[%mul3A_45, %dma_start3A] : memref<160000x128xf32, #tpu.memory_space<hbm>> -> memref<128x128xf32, #tpu.memory_space<hbm>>
      %dma_start3A_47 = arith.constant 0 : i32
      %dma_start3A_48 = tpu.memref_slice %arg2[%mul3A_45, %dma_start3A_47] : memref<160000x128xf32, #tpu.memory_space<hbm>> -> memref<128x128xf32, #tpu.memory_space<hbm>>
      tpu.enqueue_dma source(%dma_start3A_48 : memref<128x128xf32, #tpu.memory_space<hbm>>) target(%arg6 : memref<128x128xf32, #tpu.memory_space<vmem>>) target_semaphore(%arg10 : memref<!tpu.dma_semaphore, #tpu.memory_space<semaphore_mem>>)
    } else {
    }
    %scan3A = arith.constant 0 : i32
    %scan3A_10 = arith.constant 0 : i32
    %scan3A_11 = arith.constant 20 : i32
    %scan3A_12 = arith.addi %scan3A_10, %scan3A_11 : i32
    %scan3A_13 = arith.constant 1 : i32
    scf.for %scan3A_40 = %scan3A_10 to %scan3A_12 step %scan3A_13  : i32 {
      %mul3A_41 = arith.constant 2 : i32
      %mul3A_42 = arith.muli %mul3A_41, %scan3A_40 : i32
      %add3A_43 = arith.constant 0 : i32
      %add3A_44 = arith.addi %mul3A_42, %add3A_43 : i32
      %sub3A = arith.constant 1 : i32
      %sub3A_45 = arith.subi %add3A_44, %sub3A : i32
      %mul3A_46 = arith.constant 32 : i32
      %mul3A_47 = arith.muli %sub3A_45, %mul3A_46 : i32
      %add3A_48 = arith.addi %add3A, %mul3A_47 : i32
      %ge3A_49 = arith.constant 0 : i32
      %ge3A_50 = arith.cmpi sge, %add3A_48, %ge3A_49 : i32
      %lt3A_51 = arith.constant 1250 : i32
      %lt3A_52 = arith.cmpi slt, %add3A_48, %lt3A_51 : i32
      %and3A_53 = arith.andi %ge3A_50, %lt3A_52 : i1
      %convert_element_type3A_54 = arith.extui %and3A_53 : i1 to i32
      %cond3A_55 = arith.constant 0 : i32
      %cond3A_56 = arith.cmpi ne, %convert_element_type3A_54, %cond3A_55 : i32
      scf.if %cond3A_56 {
        %dma_wait3A = arith.constant 0 : i32
        %dma_wait3A_122 = arith.constant 0 : i32
        %dma_wait3A_123 = tpu.memref_slice %arg2[%dma_wait3A, %dma_wait3A_122] : memref<160000x128xf32, #tpu.memory_space<hbm>> -> memref<128x128xf32, #tpu.memory_space<hbm>>
        %dma_wait3A_124 = arith.constant 0 : i32
        %dma_wait3A_125 = arith.constant 0 : i32
        %dma_wait3A_126 = tpu.memref_slice %arg2[%dma_wait3A_124, %dma_wait3A_125] : memref<160000x128xf32, #tpu.memory_space<hbm>> -> memref<128x128xf32, #tpu.memory_space<hbm>>
        tpu.wait_dma2 semaphore(%arg13 : memref<!tpu.dma_semaphore, #tpu.memory_space<semaphore_mem>>) src(%dma_wait3A_126 : memref<128x128xf32, #tpu.memory_space<hbm>>) dst(%arg7 : memref<128x128xf32, #tpu.memory_space<vmem>>)
      } else {
      }
      %add3A_57 = arith.constant 1 : i32
      %add3A_58 = arith.addi %add3A_44, %add3A_57 : i32
      %mul3A_59 = arith.constant 32 : i32
      %mul3A_60 = arith.muli %add3A_58, %mul3A_59 : i32
      %add3A_61 = arith.addi %add3A, %mul3A_60 : i32
      %ge3A_62 = arith.constant 0 : i32
      %ge3A_63 = arith.cmpi sge, %add3A_61, %ge3A_62 : i32
      %lt3A_64 = arith.constant 1250 : i32
      %lt3A_65 = arith.cmpi slt, %add3A_61, %lt3A_64 : i32
      %and3A_66 = arith.andi %ge3A_63, %lt3A_65 : i1
      %convert_element_type3A_67 = arith.extui %and3A_66 : i1 to i32
      %cond3A_68 = arith.constant 0 : i32
      %cond3A_69 = arith.cmpi ne, %convert_element_type3A_67, %cond3A_68 : i32
      scf.if %cond3A_69 {
        %add3A_122 = arith.constant 0 : i32
        %add3A_123 = arith.addi %add3A_122, %add3A_61 : i32
        %mul3A_124 = arith.constant 1 : i32
        %mul3A_125 = arith.muli %add3A_123, %mul3A_124 : i32
        "tpu.region"() ({
          %run_scoped3A = tpu.sem_alloc : memref<!tpu.dma_semaphore, #tpu.memory_space<semaphore_mem>>
          %dma_start3A_131 = arith.constant 0 : i32
          %dma_start3A_132 = tpu.memref_slice %arg3[%mul3A_125, %dma_start3A_131] : memref<2500x128xi32, #tpu.memory_space<hbm>> -> memref<1x128xi32, #tpu.memory_space<hbm>>
          %dma_start3A_133 = arith.constant 0 : i32
          %dma_start3A_134 = tpu.memref_slice %arg3[%mul3A_125, %dma_start3A_133] : memref<2500x128xi32, #tpu.memory_space<hbm>> -> memref<1x128xi32, #tpu.memory_space<hbm>>
          tpu.enqueue_dma source(%dma_start3A_134 : memref<1x128xi32, #tpu.memory_space<hbm>>) target(%arg9 : memref<1x128xi32, #tpu.memory_space<vmem>>) target_semaphore(%run_scoped3A : memref<!tpu.dma_semaphore, #tpu.memory_space<semaphore_mem>>)
          %dma_wait3A = arith.constant 0 : i32
          %dma_wait3A_135 = tpu.memref_slice %arg3[%mul3A_125, %dma_wait3A] : memref<2500x128xi32, #tpu.memory_space<hbm>> -> memref<1x128xi32, #tpu.memory_space<hbm>>
          %dma_wait3A_136 = arith.constant 0 : i32
          %dma_wait3A_137 = tpu.memref_slice %arg3[%mul3A_125, %dma_wait3A_136] : memref<2500x128xi32, #tpu.memory_space<hbm>> -> memref<1x128xi32, #tpu.memory_space<hbm>>
          tpu.wait_dma2 semaphore(%run_scoped3A : memref<!tpu.dma_semaphore, #tpu.memory_space<semaphore_mem>>) src(%dma_wait3A_137 : memref<1x128xi32, #tpu.memory_space<hbm>>) dst(%arg9 : memref<1x128xi32, #tpu.memory_space<vmem>>)
          tpu.yield
        }) : () -> ()
        %mul3A_126 = arith.constant 128 : i32
        %mul3A_127 = arith.muli %add3A_61, %mul3A_126 : i32
        %dma_start3A = arith.constant 0 : i32
        %dma_start3A_128 = tpu.memref_slice %arg2[%mul3A_127, %dma_start3A] : memref<160000x128xf32, #tpu.memory_space<hbm>> -> memref<128x128xf32, #tpu.memory_space<hbm>>
        %dma_start3A_129 = arith.constant 0 : i32
        %dma_start3A_130 = tpu.memref_slice %arg2[%mul3A_127, %dma_start3A_129] : memref<160000x128xf32, #tpu.memory_space<hbm>> -> memref<128x128xf32, #tpu.memory_space<hbm>>
        tpu.enqueue_dma source(%dma_start3A_130 : memref<128x128xf32, #tpu.memory_space<hbm>>) target(%arg7 : memref<128x128xf32, #tpu.memory_space<vmem>>) target_semaphore(%arg11 : memref<!tpu.dma_semaphore, #tpu.memory_space<semaphore_mem>>)
      } else {
      }
      %mul3A_70 = arith.constant 32 : i32
      %mul3A_71 = arith.muli %add3A_44, %mul3A_70 : i32
      %add3A_72 = arith.addi %add3A, %mul3A_71 : i32
      %ge3A_73 = arith.constant 0 : i32
      %ge3A_74 = arith.cmpi sge, %add3A_72, %ge3A_73 : i32
      %lt3A_75 = arith.constant 1250 : i32
      %lt3A_76 = arith.cmpi slt, %add3A_72, %lt3A_75 : i32
      %and3A_77 = arith.andi %ge3A_74, %lt3A_76 : i1
      %convert_element_type3A_78 = arith.extui %and3A_77 : i1 to i32
      %cond3A_79 = arith.constant 0 : i32
      %cond3A_80 = arith.cmpi ne, %convert_element_type3A_78, %cond3A_79 : i32
      scf.if %cond3A_80 {
        %dma_wait3A = arith.constant 0 : i32
        %dma_wait3A_122 = arith.constant 0 : i32
        %dma_wait3A_123 = tpu.memref_slice %arg2[%dma_wait3A, %dma_wait3A_122] : memref<160000x128xf32, #tpu.memory_space<hbm>> -> memref<128x128xf32, #tpu.memory_space<hbm>>
        %dma_wait3A_124 = arith.constant 0 : i32
        %dma_wait3A_125 = arith.constant 0 : i32
        %dma_wait3A_126 = tpu.memref_slice %arg2[%dma_wait3A_124, %dma_wait3A_125] : memref<160000x128xf32, #tpu.memory_space<hbm>> -> memref<128x128xf32, #tpu.memory_space<hbm>>
        tpu.wait_dma2 semaphore(%arg10 : memref<!tpu.dma_semaphore, #tpu.memory_space<semaphore_mem>>) src(%dma_wait3A_126 : memref<128x128xf32, #tpu.memory_space<hbm>>) dst(%arg6 : memref<128x128xf32, #tpu.memory_space<vmem>>)
        %dma_start3A = arith.constant 0 : i32
        %dma_start3A_127 = arith.constant 0 : i32
        %dma_start3A_128 = arith.constant 0 : i32
        %dma_start3A_129 = tpu.memref_slice %arg6[%dma_start3A_127, %dma_start3A_128] : memref<128x128xf32, #tpu.memory_space<vmem>> -> memref<128x128xf32, #tpu.memory_space<vmem>>
        %dma_start3A_130 = arith.constant 0 : i32
        %dma_start3A_131 = tpu.memref_slice %arg8[%dma_start3A, %dma_start3A_130] : memref<1x128xi32, #tpu.memory_space<vmem>> -> memref<1x128xi32, #tpu.memory_space<vmem>>
        %dma_start3A_132 = tpu.memref_squeeze %dma_start3A_131 : memref<1x128xi32, #tpu.memory_space<vmem>> -> memref<128xi32, #tpu.memory_space<vmem>>
        %dma_start3A_133 = arith.constant 0 : i32
        %dma_start3A_134 = arith.constant 0 : i32
        %dma_start3A_135 = tpu.memref_slice %arg14[%dma_start3A_133, %dma_start3A_134] : memref<10112x128xf32, #tpu.memory_space<vmem_shared>> -> memref<10112x128xf32, #tpu.memory_space<vmem_shared>>
        tpu.enqueue_indirect_dma source(%dma_start3A_129 : memref<128x128xf32, #tpu.memory_space<vmem>>) target(%dma_start3A_135 : memref<10112x128xf32, #tpu.memory_space<vmem_shared>>) offsets(%dma_start3A_132 : memref<128xi32, #tpu.memory_space<vmem>>) semaphore(%arg12 : memref<!tpu.dma_semaphore, #tpu.memory_space<semaphore_mem>>) {add = true}
      } else {
      }
      %mul3A_81 = arith.constant 2 : i32
      %mul3A_82 = arith.muli %mul3A_81, %scan3A_40 : i32
      %add3A_83 = arith.constant 1 : i32
      %add3A_84 = arith.addi %mul3A_82, %add3A_83 : i32
      %sub3A_85 = arith.constant 1 : i32
      %sub3A_86 = arith.subi %add3A_84, %sub3A_85 : i32
      %mul3A_87 = arith.constant 32 : i32
      %mul3A_88 = arith.muli %sub3A_86, %mul3A_87 : i32
      %add3A_89 = arith.addi %add3A, %mul3A_88 : i32
      %ge3A_90 = arith.constant 0 : i32
      %ge3A_91 = arith.cmpi sge, %add3A_89, %ge3A_90 : i32
      %lt3A_92 = arith.constant 1250 : i32
      %lt3A_93 = arith.cmpi slt, %add3A_89, %lt3A_92 : i32
      %and3A_94 = arith.andi %ge3A_91, %lt3A_93 : i1
      %convert_element_type3A_95 = arith.extui %and3A_94 : i1 to i32
      %cond3A_96 = arith.constant 0 : i32
      %cond3A_97 = arith.cmpi ne, %convert_element_type3A_95, %cond3A_96 : i32
      scf.if %cond3A_97 {
        %dma_wait3A = arith.constant 0 : i32
        %dma_wait3A_122 = arith.constant 0 : i32
        %dma_wait3A_123 = tpu.memref_slice %arg2[%dma_wait3A, %dma_wait3A_122] : memref<160000x128xf32, #tpu.memory_space<hbm>> -> memref<128x128xf32, #tpu.memory_space<hbm>>
        %dma_wait3A_124 = arith.constant 0 : i32
        %dma_wait3A_125 = arith.constant 0 : i32
        %dma_wait3A_126 = tpu.memref_slice %arg2[%dma_wait3A_124, %dma_wait3A_125] : memref<160000x128xf32, #tpu.memory_space<hbm>> -> memref<128x128xf32, #tpu.memory_space<hbm>>
        tpu.wait_dma2 semaphore(%arg12 : memref<!tpu.dma_semaphore, #tpu.memory_space<semaphore_mem>>) src(%dma_wait3A_126 : memref<128x128xf32, #tpu.memory_space<hbm>>) dst(%arg6 : memref<128x128xf32, #tpu.memory_space<vmem>>)
      } else {
      }
      %add3A_98 = arith.constant 1 : i32
      %add3A_99 = arith.addi %add3A_84, %add3A_98 : i32
      %mul3A_100 = arith.constant 32 : i32
      %mul3A_101 = arith.muli %add3A_99, %mul3A_100 : i32
      %add3A_102 = arith.addi %add3A, %mul3A_101 : i32
      %ge3A_103 = arith.constant 0 : i32
      %ge3A_104 = arith.cmpi sge, %add3A_102, %ge3A_103 : i32
      %lt3A_105 = arith.constant 1250 : i32
      %lt3A_106 = arith.cmpi slt, %add3A_102, %lt3A_105 : i32
      %and3A_107 = arith.andi %ge3A_104, %lt3A_106 : i1
      %convert_element_type3A_108 = arith.extui %and3A_107 : i1 to i32
      %cond3A_109 = arith.constant 0 : i32
      %cond3A_110 = arith.cmpi ne, %convert_element_type3A_108, %cond3A_109 : i32
      scf.if %cond3A_110 {
        %add3A_122 = arith.constant 0 : i32
        %add3A_123 = arith.addi %add3A_122, %add3A_102 : i32
        %mul3A_124 = arith.constant 1 : i32
        %mul3A_125 = arith.muli %add3A_123, %mul3A_124 : i32
        "tpu.region"() ({
          %run_scoped3A = tpu.sem_alloc : memref<!tpu.dma_semaphore, #tpu.memory_space<semaphore_mem>>
          %dma_start3A_131 = arith.constant 0 : i32
          %dma_start3A_132 = tpu.memref_slice %arg3[%mul3A_125, %dma_start3A_131] : memref<2500x128xi32, #tpu.memory_space<hbm>> -> memref<1x128xi32, #tpu.memory_space<hbm>>
          %dma_start3A_133 = arith.constant 0 : i32
          %dma_start3A_134 = tpu.memref_slice %arg3[%mul3A_125, %dma_start3A_133] : memref<2500x128xi32, #tpu.memory_space<hbm>> -> memref<1x128xi32, #tpu.memory_space<hbm>>
          tpu.enqueue_dma source(%dma_start3A_134 : memref<1x128xi32, #tpu.memory_space<hbm>>) target(%arg8 : memref<1x128xi32, #tpu.memory_space<vmem>>) target_semaphore(%run_scoped3A : memref<!tpu.dma_semaphore, #tpu.memory_space<semaphore_mem>>)
          %dma_wait3A = arith.constant 0 : i32
          %dma_wait3A_135 = tpu.memref_slice %arg3[%mul3A_125, %dma_wait3A] : memref<2500x128xi32, #tpu.memory_space<hbm>> -> memref<1x128xi32, #tpu.memory_space<hbm>>
          %dma_wait3A_136 = arith.constant 0 : i32
          %dma_wait3A_137 = tpu.memref_slice %arg3[%mul3A_125, %dma_wait3A_136] : memref<2500x128xi32, #tpu.memory_space<hbm>> -> memref<1x128xi32, #tpu.memory_space<hbm>>
          tpu.wait_dma2 semaphore(%run_scoped3A : memref<!tpu.dma_semaphore, #tpu.memory_space<semaphore_mem>>) src(%dma_wait3A_137 : memref<1x128xi32, #tpu.memory_space<hbm>>) dst(%arg8 : memref<1x128xi32, #tpu.memory_space<vmem>>)
          tpu.yield
        }) : () -> ()
        %mul3A_126 = arith.constant 128 : i32
        %mul3A_127 = arith.muli %add3A_102, %mul3A_126 : i32
        %dma_start3A = arith.constant 0 : i32
        %dma_start3A_128 = tpu.memref_slice %arg2[%mul3A_127, %dma_start3A] : memref<160000x128xf32, #tpu.memory_space<hbm>> -> memref<128x128xf32, #tpu.memory_space<hbm>>
        %dma_start3A_129 = arith.constant 0 : i32
        %dma_start3A_130 = tpu.memref_slice %arg2[%mul3A_127, %dma_start3A_129] : memref<160000x128xf32, #tpu.memory_space<hbm>> -> memref<128x128xf32, #tpu.memory_space<hbm>>
        tpu.enqueue_dma source(%dma_start3A_130 : memref<128x128xf32, #tpu.memory_space<hbm>>) target(%arg6 : memref<128x128xf32, #tpu.memory_space<vmem>>) target_semaphore(%arg10 : memref<!tpu.dma_semaphore, #tpu.memory_space<semaphore_mem>>)
      } else {
      }
      %mul3A_111 = arith.constant 32 : i32
      %mul3A_112 = arith.muli %add3A_84, %mul3A_111 : i32
      %add3A_113 = arith.addi %add3A, %mul3A_112 : i32
      %ge3A_114 = arith.constant 0 : i32
      %ge3A_115 = arith.cmpi sge, %add3A_113, %ge3A_114 : i32
      %lt3A_116 = arith.constant 1250 : i32
      %lt3A_117 = arith.cmpi slt, %add3A_113, %lt3A_116 : i32
      %and3A_118 = arith.andi %ge3A_115, %lt3A_117 : i1
      %convert_element_type3A_119 = arith.extui %and3A_118 : i1 to i32
      %cond3A_120 = arith.constant 0 : i32
      %cond3A_121 = arith.cmpi ne, %convert_element_type3A_119, %cond3A_120 : i32
      scf.if %cond3A_121 {
        %dma_wait3A = arith.constant 0 : i32
        %dma_wait3A_122 = arith.constant 0 : i32
        %dma_wait3A_123 = tpu.memref_slice %arg2[%dma_wait3A, %dma_wait3A_122] : memref<160000x128xf32, #tpu.memory_space<hbm>> -> memref<128x128xf32, #tpu.memory_space<hbm>>
        %dma_wait3A_124 = arith.constant 0 : i32
        %dma_wait3A_125 = arith.constant 0 : i32
        %dma_wait3A_126 = tpu.memref_slice %arg2[%dma_wait3A_124, %dma_wait3A_125] : memref<160000x128xf32, #tpu.memory_space<hbm>> -> memref<128x128xf32, #tpu.memory_space<hbm>>
        tpu.wait_dma2 semaphore(%arg11 : memref<!tpu.dma_semaphore, #tpu.memory_space<semaphore_mem>>) src(%dma_wait3A_126 : memref<128x128xf32, #tpu.memory_space<hbm>>) dst(%arg7 : memref<128x128xf32, #tpu.memory_space<vmem>>)
        %dma_start3A = arith.constant 0 : i32
        %dma_start3A_127 = arith.constant 0 : i32
        %dma_start3A_128 = arith.constant 0 : i32
        %dma_start3A_129 = tpu.memref_slice %arg7[%dma_start3A_127, %dma_start3A_128] : memref<128x128xf32, #tpu.memory_space<vmem>> -> memref<128x128xf32, #tpu.memory_space<vmem>>
        %dma_start3A_130 = arith.constant 0 : i32
        %dma_start3A_131 = tpu.memref_slice %arg9[%dma_start3A, %dma_start3A_130] : memref<1x128xi32, #tpu.memory_space<vmem>> -> memref<1x128xi32, #tpu.memory_space<vmem>>
        %dma_start3A_132 = tpu.memref_squeeze %dma_start3A_131 : memref<1x128xi32, #tpu.memory_space<vmem>> -> memref<128xi32, #tpu.memory_space<vmem>>
        %dma_start3A_133 = arith.constant 0 : i32
        %dma_start3A_134 = arith.constant 0 : i32
        %dma_start3A_135 = tpu.memref_slice %arg14[%dma_start3A_133, %dma_start3A_134] : memref<10112x128xf32, #tpu.memory_space<vmem_shared>> -> memref<10112x128xf32, #tpu.memory_space<vmem_shared>>
        tpu.enqueue_indirect_dma source(%dma_start3A_129 : memref<128x128xf32, #tpu.memory_space<vmem>>) target(%dma_start3A_135 : memref<10112x128xf32, #tpu.memory_space<vmem_shared>>) offsets(%dma_start3A_132 : memref<128xi32, #tpu.memory_space<vmem>>) semaphore(%arg13 : memref<!tpu.dma_semaphore, #tpu.memory_space<semaphore_mem>>) {add = true}
      } else {
      }
    }
    %scan3A_14 = arith.constant 20 : i32
    %add3A_15 = arith.constant 1248 : i32
    %add3A_16 = arith.addi %add3A, %add3A_15 : i32
    %ge3A_17 = arith.constant 0 : i32
    %ge3A_18 = arith.cmpi sge, %add3A_16, %ge3A_17 : i32
    %lt3A_19 = arith.constant 1250 : i32
    %lt3A_20 = arith.cmpi slt, %add3A_16, %lt3A_19 : i32
    %and3A_21 = arith.andi %ge3A_18, %lt3A_20 : i1
    %convert_element_type3A_22 = arith.extui %and3A_21 : i1 to i32
    %cond3A_23 = arith.constant 0 : i32
    %cond3A_24 = arith.cmpi ne, %convert_element_type3A_22, %cond3A_23 : i32
    scf.if %cond3A_24 {
      %dma_wait3A = arith.constant 0 : i32
      %dma_wait3A_40 = arith.constant 0 : i32
      %dma_wait3A_41 = tpu.memref_slice %arg2[%dma_wait3A, %dma_wait3A_40] : memref<160000x128xf32, #tpu.memory_space<hbm>> -> memref<128x128xf32, #tpu.memory_space<hbm>>
      %dma_wait3A_42 = arith.constant 0 : i32
      %dma_wait3A_43 = arith.constant 0 : i32
      %dma_wait3A_44 = tpu.memref_slice %arg2[%dma_wait3A_42, %dma_wait3A_43] : memref<160000x128xf32, #tpu.memory_space<hbm>> -> memref<128x128xf32, #tpu.memory_space<hbm>>
      tpu.wait_dma2 semaphore(%arg13 : memref<!tpu.dma_semaphore, #tpu.memory_space<semaphore_mem>>) src(%dma_wait3A_44 : memref<128x128xf32, #tpu.memory_space<hbm>>) dst(%arg7 : memref<128x128xf32, #tpu.memory_space<vmem>>)
    } else {
    }
    %add3A_25 = arith.constant 1280 : i32
    %add3A_26 = arith.addi %add3A, %add3A_25 : i32
    %ge3A_27 = arith.constant 0 : i32
    %ge3A_28 = arith.cmpi sge, %add3A_26, %ge3A_27 : i32
    %lt3A_29 = arith.constant 1250 : i32
    %lt3A_30 = arith.cmpi slt, %add3A_26, %lt3A_29 : i32
    %and3A_31 = arith.andi %ge3A_28, %lt3A_30 : i1
    %convert_element_type3A_32 = arith.extui %and3A_31 : i1 to i32
    %cond3A_33 = arith.constant 0 : i32
    %cond3A_34 = arith.cmpi ne, %convert_element_type3A_32, %cond3A_33 : i32
    scf.if %cond3A_34 {
      %dma_wait3A = arith.constant 0 : i32
      %dma_wait3A_40 = arith.constant 0 : i32
      %dma_wait3A_41 = tpu.memref_slice %arg2[%dma_wait3A, %dma_wait3A_40] : memref<160000x128xf32, #tpu.memory_space<hbm>> -> memref<128x128xf32, #tpu.memory_space<hbm>>
      %dma_wait3A_42 = arith.constant 0 : i32
      %dma_wait3A_43 = arith.constant 0 : i32
      %dma_wait3A_44 = tpu.memref_slice %arg2[%dma_wait3A_42, %dma_wait3A_43] : memref<160000x128xf32, #tpu.memory_space<hbm>> -> memref<128x128xf32, #tpu.memory_space<hbm>>
      tpu.wait_dma2 semaphore(%arg12 : memref<!tpu.dma_semaphore, #tpu.memory_space<semaphore_mem>>) src(%dma_wait3A_44 : memref<128x128xf32, #tpu.memory_space<hbm>>) dst(%arg6 : memref<128x128xf32, #tpu.memory_space<vmem>>)
    } else {
    }
    %barrier3A_35 = arith.constant 0 : index
    tpu.barrier barrier_id(%barrier3A_35)
    %mul3A_36 = arith.constant 632 : i32
    %mul3A_37 = arith.muli %arg1, %mul3A_36 : i32
    %mul3A_38 = arith.constant 632 : i32
    %mul3A_39 = arith.muli %arg1, %mul3A_38 : i32
    "tpu.region"() ({
      %run_scoped3A = tpu.sem_alloc : memref<!tpu.dma_semaphore, #tpu.memory_space<semaphore_mem>>
      %dma_start3A = arith.constant 0 : i32
      %dma_start3A_40 = tpu.memref_slice %arg5[%arg0, %mul3A_39, %dma_start3A] : memref<2x10112x128xf32, #tpu.memory_space<hbm>> -> memref<1x632x128xf32, #tpu.memory_space<hbm>>
      %dma_start3A_41 = tpu.memref_squeeze %dma_start3A_40 : memref<1x632x128xf32, #tpu.memory_space<hbm>> -> memref<632x128xf32, #tpu.memory_space<hbm>>
      %dma_start3A_42 = arith.constant 0 : i32
      %dma_start3A_43 = tpu.memref_slice %arg14[%mul3A_37, %dma_start3A_42] : memref<10112x128xf32, #tpu.memory_space<vmem_shared>> -> memref<632x128xf32, #tpu.memory_space<vmem_shared>>
      tpu.enqueue_dma source(%dma_start3A_43 : memref<632x128xf32, #tpu.memory_space<vmem_shared>>) target(%dma_start3A_41 : memref<632x128xf32, #tpu.memory_space<hbm>>) target_semaphore(%run_scoped3A : memref<!tpu.dma_semaphore, #tpu.memory_space<semaphore_mem>>)
      %dma_wait3A = arith.constant 0 : i32
      %dma_wait3A_44 = tpu.memref_slice %arg5[%arg0, %mul3A_39, %dma_wait3A] : memref<2x10112x128xf32, #tpu.memory_space<hbm>> -> memref<1x632x128xf32, #tpu.memory_space<hbm>>
      %dma_wait3A_45 = tpu.memref_squeeze %dma_wait3A_44 : memref<1x632x128xf32, #tpu.memory_space<hbm>> -> memref<632x128xf32, #tpu.memory_space<hbm>>
      %dma_wait3A_46 = arith.constant 0 : i32
      %dma_wait3A_47 = tpu.memref_slice %arg14[%mul3A_37, %dma_wait3A_46] : memref<10112x128xf32, #tpu.memory_space<vmem_shared>> -> memref<632x128xf32, #tpu.memory_space<vmem_shared>>
      tpu.wait_dma2 semaphore(%run_scoped3A : memref<!tpu.dma_semaphore, #tpu.memory_space<semaphore_mem>>) src(%dma_wait3A_47 : memref<632x128xf32, #tpu.memory_space<vmem_shared>>) dst(%dma_wait3A_45 : memref<632x128xf32, #tpu.memory_space<hbm>>)
      tpu.yield
    }) : () -> ()
    return
  }
}

module attributes {stable_mosaic.version = 14 : i64} {
  func.func @_f_body(%arg0: i32, %arg1: memref<2000x128xf32, #tpu.memory_space<vmem>>, %arg2: memref<128x128xf32, #tpu.memory_space<vmem>>, %arg3: memref<1x128xf32, #tpu.memory_space<vmem>>, %arg4: memref<2000x128xf32, #tpu.memory_space<vmem>>) attributes {dimension_semantics = [#tpu.dimension_semantics<arbitrary>], iteration_bounds = array<i64: 5>, scalar_prefetch = 0 : i64, scratch_operands = 0 : i64, tpu.core_type = #tpu.core_type<tc>, window_params = [{transform_indices = @transform_0, window_bounds = array<i64: 2000, 128>}, {pipeline_mode = #tpu.pipeline_mode<synchronous>, transform_indices = @transform_1, window_bounds = array<i64: 128, 128>}, {pipeline_mode = #tpu.pipeline_mode<synchronous>, transform_indices = @transform_2, window_bounds = array<i64: 1, 128>}, {transform_indices = @transform_3, window_bounds = array<i64: 2000, 128>}]} {
    %get3A = arith.constant 0 : index
    %get3A_0 = arith.constant 0 : index
    %get3A_1 = vector.load %arg1[%get3A, %get3A_0] : memref<2000x128xf32, #tpu.memory_space<vmem>>, vector<2000x128xf32>
    %get3A_2 = arith.constant 0 : index
    %get3A_3 = arith.constant 0 : index
    %get3A_4 = vector.load %arg2[%get3A_2, %get3A_3] : memref<128x128xf32, #tpu.memory_space<vmem>>, vector<128x128xf32>
    %dot_general3A = arith.constant dense<0.000000e+00> : vector<2000x128xf32>
    %dot_general3A_5 = tpu.matmul %get3A_1, %get3A_4, %dot_general3A {dimension_numbers = #tpu.dot_dimension_numbers<[1], [0], [0], [1], [0, 0, 1, 1], [], []>, transpose_lhs_hint = false} : vector<2000x128xf32>, vector<128x128xf32>, vector<2000x128xf32> -> vector<2000x128xf32>
    %get3A_6 = arith.constant 0 : index
    %get3A_7 = arith.constant 0 : index
    %get3A_8 = vector.load %arg3[%get3A_6, %get3A_7] : memref<1x128xf32, #tpu.memory_space<vmem>>, vector<1x128xf32>
    %add3A = vector.broadcast %get3A_8 : vector<1x128xf32> to vector<2000x128xf32>
    %add3A_9 = arith.addf %dot_general3A_5, %add3A : vector<2000x128xf32>
    %swap3A = arith.constant 0 : index
    %swap3A_10 = arith.constant 0 : index
    %swap3A_11 = vector.load %arg4[%swap3A, %swap3A_10] : memref<2000x128xf32, #tpu.memory_space<vmem>>, vector<2000x128xf32>
    tpu.vector_store %arg4[%swap3A, %swap3A_10], %add3A_9 {strides = array<i32>} : memref<2000x128xf32, #tpu.memory_space<vmem>>, vector<2000x128xf32>,
    return
  }
  func.func @transform_0(%arg0: i32) -> (i32, i32) {
    %c0_i32 = arith.constant 0 : i32
    %c0_i32_0 = arith.constant 0 : i32
    return %arg0, %c0_i32 : i32, i32
  }
  func.func @transform_1(%arg0: i32) -> (i32, i32) {
    %c0_i32 = arith.constant 0 : i32
    %c0_i32_0 = arith.constant 0 : i32
    %c0_i32_1 = arith.constant 0 : i32
    return %c0_i32, %c0_i32_0 : i32, i32
  }
  func.func @transform_2(%arg0: i32) -> (i32, i32) {
    %c0_i32 = arith.constant 0 : i32
    %c0_i32_0 = arith.constant 0 : i32
    %c0_i32_1 = arith.constant 0 : i32
    return %c0_i32, %c0_i32_0 : i32, i32
  }
  func.func @transform_3(%arg0: i32) -> (i32, i32) {
    %c0_i32 = arith.constant 0 : i32
    %c0_i32_0 = arith.constant 0 : i32
    return %arg0, %c0_i32 : i32, i32
  }
}

module attributes {stable_mosaic.version = 14 : i64} {
  func.func @_edge_body(%arg0: i32, %arg1: memref<2000x128xf32, #tpu.memory_space<vmem>>, %arg2: memref<2000x128xf32, #tpu.memory_space<vmem>>, %arg3: memref<128x128xf32, #tpu.memory_space<vmem>>, %arg4: memref<1x128xf32, #tpu.memory_space<vmem>>, %arg5: memref<128x128xf32, #tpu.memory_space<vmem>>, %arg6: memref<1x128xf32, #tpu.memory_space<vmem>>, %arg7: memref<2000x128xf32, #tpu.memory_space<vmem>>) attributes {dimension_semantics = [#tpu.dimension_semantics<arbitrary>], iteration_bounds = array<i64: 80>, scalar_prefetch = 0 : i64, scratch_operands = 0 : i64, tpu.core_type = #tpu.core_type<tc>, window_params = [{transform_indices = @transform_0, window_bounds = array<i64: 2000, 128>}, {transform_indices = @transform_1, window_bounds = array<i64: 2000, 128>}, {pipeline_mode = #tpu.pipeline_mode<synchronous>, transform_indices = @transform_2, window_bounds = array<i64: 128, 128>}, {pipeline_mode = #tpu.pipeline_mode<synchronous>, transform_indices = @transform_3, window_bounds = array<i64: 1, 128>}, {pipeline_mode = #tpu.pipeline_mode<synchronous>, transform_indices = @transform_4, window_bounds = array<i64: 128, 128>}, {pipeline_mode = #tpu.pipeline_mode<synchronous>, transform_indices = @transform_5, window_bounds = array<i64: 1, 128>}, {transform_indices = @transform_6, window_bounds = array<i64: 2000, 128>}]} {
    %get3A = arith.constant 0 : index
    %get3A_0 = arith.constant 0 : index
    %get3A_1 = vector.load %arg1[%get3A, %get3A_0] : memref<2000x128xf32, #tpu.memory_space<vmem>>, vector<2000x128xf32>
    %get3A_2 = arith.constant 0 : index
    %get3A_3 = arith.constant 0 : index
    %get3A_4 = vector.load %arg3[%get3A_2, %get3A_3] : memref<128x128xf32, #tpu.memory_space<vmem>>, vector<128x128xf32>
    %dot_general3A = arith.constant dense<0.000000e+00> : vector<2000x128xf32>
    %dot_general3A_5 = tpu.matmul %get3A_1, %get3A_4, %dot_general3A {dimension_numbers = #tpu.dot_dimension_numbers<[1], [0], [0], [1], [0, 0, 1, 1], [], []>, transpose_lhs_hint = false} : vector<2000x128xf32>, vector<128x128xf32>, vector<2000x128xf32> -> vector<2000x128xf32>
    %get3A_6 = arith.constant 0 : index
    %get3A_7 = arith.constant 0 : index
    %get3A_8 = vector.load %arg4[%get3A_6, %get3A_7] : memref<1x128xf32, #tpu.memory_space<vmem>>, vector<1x128xf32>
    %add3A = vector.broadcast %get3A_8 : vector<1x128xf32> to vector<2000x128xf32>
    %add3A_9 = arith.addf %dot_general3A_5, %add3A : vector<2000x128xf32>
    %gt3A = arith.constant 6.000000e+01 : f32
    %gt3A_10 = vector.broadcast %gt3A : f32 to vector<2000x128xf32>
    %gt3A_11 = arith.cmpf ogt, %add3A_9, %gt3A_10 : vector<2000x128xf32>
    %sub3A = arith.constant 0.693147182 : f32
    %sub3A_12 = vector.broadcast %sub3A : f32 to vector<2000x128xf32>
    %sub3A_13 = arith.subf %add3A_9, %sub3A_12 : vector<2000x128xf32>
    %exp3A = math.exp %add3A_9 : vector<2000x128xf32>
    %mul3A = arith.constant 5.000000e-01 : f32
    %mul3A_14 = vector.broadcast %mul3A : f32 to vector<2000x128xf32>
    %mul3A_15 = arith.mulf %mul3A_14, %exp3A : vector<2000x128xf32>
    %add3A_16 = arith.constant 5.000000e-01 : f32
    %add3A_17 = vector.broadcast %add3A_16 : f32 to vector<2000x128xf32>
    %add3A_18 = arith.addf %mul3A_15, %add3A_17 : vector<2000x128xf32>
    %log3A = math.log %add3A_18 : vector<2000x128xf32>
    %select_n3A = arith.select %gt3A_11, %sub3A_13, %log3A : vector<2000x128xi1>, vector<2000x128xf32>
    %get3A_19 = arith.constant 0 : index
    %get3A_20 = arith.constant 0 : index
    %get3A_21 = vector.load %arg5[%get3A_19, %get3A_20] : memref<128x128xf32, #tpu.memory_space<vmem>>, vector<128x128xf32>
    %dot_general3A_22 = arith.constant dense<0.000000e+00> : vector<2000x128xf32>
    %dot_general3A_23 = tpu.matmul %select_n3A, %get3A_21, %dot_general3A_22 {dimension_numbers = #tpu.dot_dimension_numbers<[1], [0], [0], [1], [0, 0, 1, 1], [], []>, transpose_lhs_hint = false} : vector<2000x128xf32>, vector<128x128xf32>, vector<2000x128xf32> -> vector<2000x128xf32>
    %get3A_24 = arith.constant 0 : index
    %get3A_25 = arith.constant 0 : index
    %get3A_26 = vector.load %arg6[%get3A_24, %get3A_25] : memref<1x128xf32, #tpu.memory_space<vmem>>, vector<1x128xf32>
    %add3A_27 = vector.broadcast %get3A_26 : vector<1x128xf32> to vector<2000x128xf32>
    %add3A_28 = arith.addf %dot_general3A_23, %add3A_27 : vector<2000x128xf32>
    %gt3A_29 = arith.constant 6.000000e+01 : f32
    %gt3A_30 = vector.broadcast %gt3A_29 : f32 to vector<2000x128xf32>
    %gt3A_31 = arith.cmpf ogt, %add3A_28, %gt3A_30 : vector<2000x128xf32>
    %sub3A_32 = arith.constant 0.693147182 : f32
    %sub3A_33 = vector.broadcast %sub3A_32 : f32 to vector<2000x128xf32>
    %sub3A_34 = arith.subf %add3A_28, %sub3A_33 : vector<2000x128xf32>
    %exp3A_35 = math.exp %add3A_28 : vector<2000x128xf32>
    %mul3A_36 = arith.constant 5.000000e-01 : f32
    %mul3A_37 = vector.broadcast %mul3A_36 : f32 to vector<2000x128xf32>
    %mul3A_38 = arith.mulf %mul3A_37, %exp3A_35 : vector<2000x128xf32>
    %add3A_39 = arith.constant 5.000000e-01 : f32
    %add3A_40 = vector.broadcast %add3A_39 : f32 to vector<2000x128xf32>
    %add3A_41 = arith.addf %mul3A_38, %add3A_40 : vector<2000x128xf32>
    %log3A_42 = math.log %add3A_41 : vector<2000x128xf32>
    %select_n3A_43 = arith.select %gt3A_31, %sub3A_34, %log3A_42 : vector<2000x128xi1>, vector<2000x128xf32>
    %get3A_44 = arith.constant 0 : index
    %get3A_45 = arith.constant 0 : index
    %get3A_46 = vector.load %arg2[%get3A_44, %get3A_45] : memref<2000x128xf32, #tpu.memory_space<vmem>>, vector<2000x128xf32>
    %mul3A_47 = arith.mulf %select_n3A_43, %get3A_46 : vector<2000x128xf32>
    %swap3A = arith.constant 0 : index
    %swap3A_48 = arith.constant 0 : index
    %swap3A_49 = vector.load %arg7[%swap3A, %swap3A_48] : memref<2000x128xf32, #tpu.memory_space<vmem>>, vector<2000x128xf32>
    tpu.vector_store %arg7[%swap3A, %swap3A_48], %mul3A_47 {strides = array<i32>} : memref<2000x128xf32, #tpu.memory_space<vmem>>, vector<2000x128xf32>,
    return
  }
  func.func @transform_0(%arg0: i32) -> (i32, i32) {
    %add3A = arith.constant 80 : i32
    %add3A_0 = arith.addi %arg0, %add3A : i32
    %c0_i32 = arith.constant 0 : i32
    %c0_i32_1 = arith.constant 0 : i32
    return %add3A_0, %c0_i32 : i32, i32
  }
  func.func @transform_1(%arg0: i32) -> (i32, i32) {
    %c0_i32 = arith.constant 0 : i32
    %c0_i32_0 = arith.constant 0 : i32
    return %arg0, %c0_i32 : i32, i32
  }
  func.func @transform_2(%arg0: i32) -> (i32, i32) {
    %c0_i32 = arith.constant 0 : i32
    %c0_i32_0 = arith.constant 0 : i32
    %c0_i32_1 = arith.constant 0 : i32
    return %c0_i32, %c0_i32_0 : i32, i32
  }
  func.func @transform_3(%arg0: i32) -> (i32, i32) {
    %c0_i32 = arith.constant 0 : i32
    %c0_i32_0 = arith.constant 0 : i32
    %c0_i32_1 = arith.constant 0 : i32
    return %c0_i32, %c0_i32_0 : i32, i32
  }
  func.func @transform_4(%arg0: i32) -> (i32, i32) {
    %c0_i32 = arith.constant 0 : i32
    %c0_i32_0 = arith.constant 0 : i32
    %c0_i32_1 = arith.constant 0 : i32
    return %c0_i32, %c0_i32_0 : i32, i32
  }
  func.func @transform_5(%arg0: i32) -> (i32, i32) {
    %c0_i32 = arith.constant 0 : i32
    %c0_i32_0 = arith.constant 0 : i32
    %c0_i32_1 = arith.constant 0 : i32
    return %c0_i32, %c0_i32_0 : i32, i32
  }
  func.func @transform_6(%arg0: i32) -> (i32, i32) {
    %c0_i32 = arith.constant 0 : i32
    %c0_i32_0 = arith.constant 0 : i32
    return %arg0, %c0_i32 : i32, i32
  }
}

module attributes {stable_mosaic.version = 14 : i64} {
  func.func @_edge_body(%arg0: i32, %arg1: memref<2000x128xf32, #tpu.memory_space<vmem>>, %arg2: memref<2000x128xf32, #tpu.memory_space<vmem>>, %arg3: memref<128x128xf32, #tpu.memory_space<vmem>>, %arg4: memref<1x128xf32, #tpu.memory_space<vmem>>, %arg5: memref<128x128xf32, #tpu.memory_space<vmem>>, %arg6: memref<1x128xf32, #tpu.memory_space<vmem>>, %arg7: memref<2000x128xf32, #tpu.memory_space<vmem>>) attributes {dimension_semantics = [#tpu.dimension_semantics<arbitrary>], iteration_bounds = array<i64: 80>, scalar_prefetch = 0 : i64, scratch_operands = 0 : i64, tpu.core_type = #tpu.core_type<tc>, window_params = [{transform_indices = @transform_0, window_bounds = array<i64: 2000, 128>}, {transform_indices = @transform_1, window_bounds = array<i64: 2000, 128>}, {pipeline_mode = #tpu.pipeline_mode<synchronous>, transform_indices = @transform_2, window_bounds = array<i64: 128, 128>}, {pipeline_mode = #tpu.pipeline_mode<synchronous>, transform_indices = @transform_3, window_bounds = array<i64: 1, 128>}, {pipeline_mode = #tpu.pipeline_mode<synchronous>, transform_indices = @transform_4, window_bounds = array<i64: 128, 128>}, {pipeline_mode = #tpu.pipeline_mode<synchronous>, transform_indices = @transform_5, window_bounds = array<i64: 1, 128>}, {transform_indices = @transform_6, window_bounds = array<i64: 2000, 128>}]} {
    %get3A = arith.constant 0 : index
    %get3A_0 = arith.constant 0 : index
    %get3A_1 = vector.load %arg1[%get3A, %get3A_0] : memref<2000x128xf32, #tpu.memory_space<vmem>>, vector<2000x128xf32>
    %get3A_2 = arith.constant 0 : index
    %get3A_3 = arith.constant 0 : index
    %get3A_4 = vector.load %arg3[%get3A_2, %get3A_3] : memref<128x128xf32, #tpu.memory_space<vmem>>, vector<128x128xf32>
    %dot_general3A = arith.constant dense<0.000000e+00> : vector<2000x128xf32>
    %dot_general3A_5 = tpu.matmul %get3A_1, %get3A_4, %dot_general3A {dimension_numbers = #tpu.dot_dimension_numbers<[1], [0], [0], [1], [0, 0, 1, 1], [], []>, transpose_lhs_hint = false} : vector<2000x128xf32>, vector<128x128xf32>, vector<2000x128xf32> -> vector<2000x128xf32>
    %get3A_6 = arith.constant 0 : index
    %get3A_7 = arith.constant 0 : index
    %get3A_8 = vector.load %arg4[%get3A_6, %get3A_7] : memref<1x128xf32, #tpu.memory_space<vmem>>, vector<1x128xf32>
    %add3A = vector.broadcast %get3A_8 : vector<1x128xf32> to vector<2000x128xf32>
    %add3A_9 = arith.addf %dot_general3A_5, %add3A : vector<2000x128xf32>
    %gt3A = arith.constant 6.000000e+01 : f32
    %gt3A_10 = vector.broadcast %gt3A : f32 to vector<2000x128xf32>
    %gt3A_11 = arith.cmpf ogt, %add3A_9, %gt3A_10 : vector<2000x128xf32>
    %sub3A = arith.constant 0.693147182 : f32
    %sub3A_12 = vector.broadcast %sub3A : f32 to vector<2000x128xf32>
    %sub3A_13 = arith.subf %add3A_9, %sub3A_12 : vector<2000x128xf32>
    %exp3A = math.exp %add3A_9 : vector<2000x128xf32>
    %mul3A = arith.constant 5.000000e-01 : f32
    %mul3A_14 = vector.broadcast %mul3A : f32 to vector<2000x128xf32>
    %mul3A_15 = arith.mulf %mul3A_14, %exp3A : vector<2000x128xf32>
    %add3A_16 = arith.constant 5.000000e-01 : f32
    %add3A_17 = vector.broadcast %add3A_16 : f32 to vector<2000x128xf32>
    %add3A_18 = arith.addf %mul3A_15, %add3A_17 : vector<2000x128xf32>
    %log3A = math.log %add3A_18 : vector<2000x128xf32>
    %select_n3A = arith.select %gt3A_11, %sub3A_13, %log3A : vector<2000x128xi1>, vector<2000x128xf32>
    %get3A_19 = arith.constant 0 : index
    %get3A_20 = arith.constant 0 : index
    %get3A_21 = vector.load %arg5[%get3A_19, %get3A_20] : memref<128x128xf32, #tpu.memory_space<vmem>>, vector<128x128xf32>
    %dot_general3A_22 = arith.constant dense<0.000000e+00> : vector<2000x128xf32>
    %dot_general3A_23 = tpu.matmul %select_n3A, %get3A_21, %dot_general3A_22 {dimension_numbers = #tpu.dot_dimension_numbers<[1], [0], [0], [1], [0, 0, 1, 1], [], []>, transpose_lhs_hint = false} : vector<2000x128xf32>, vector<128x128xf32>, vector<2000x128xf32> -> vector<2000x128xf32>
    %get3A_24 = arith.constant 0 : index
    %get3A_25 = arith.constant 0 : index
    %get3A_26 = vector.load %arg6[%get3A_24, %get3A_25] : memref<1x128xf32, #tpu.memory_space<vmem>>, vector<1x128xf32>
    %add3A_27 = vector.broadcast %get3A_26 : vector<1x128xf32> to vector<2000x128xf32>
    %add3A_28 = arith.addf %dot_general3A_23, %add3A_27 : vector<2000x128xf32>
    %gt3A_29 = arith.constant 6.000000e+01 : f32
    %gt3A_30 = vector.broadcast %gt3A_29 : f32 to vector<2000x128xf32>
    %gt3A_31 = arith.cmpf ogt, %add3A_28, %gt3A_30 : vector<2000x128xf32>
    %sub3A_32 = arith.constant 0.693147182 : f32
    %sub3A_33 = vector.broadcast %sub3A_32 : f32 to vector<2000x128xf32>
    %sub3A_34 = arith.subf %add3A_28, %sub3A_33 : vector<2000x128xf32>
    %exp3A_35 = math.exp %add3A_28 : vector<2000x128xf32>
    %mul3A_36 = arith.constant 5.000000e-01 : f32
    %mul3A_37 = vector.broadcast %mul3A_36 : f32 to vector<2000x128xf32>
    %mul3A_38 = arith.mulf %mul3A_37, %exp3A_35 : vector<2000x128xf32>
    %add3A_39 = arith.constant 5.000000e-01 : f32
    %add3A_40 = vector.broadcast %add3A_39 : f32 to vector<2000x128xf32>
    %add3A_41 = arith.addf %mul3A_38, %add3A_40 : vector<2000x128xf32>
    %log3A_42 = math.log %add3A_41 : vector<2000x128xf32>
    %select_n3A_43 = arith.select %gt3A_31, %sub3A_34, %log3A_42 : vector<2000x128xi1>, vector<2000x128xf32>
    %get3A_44 = arith.constant 0 : index
    %get3A_45 = arith.constant 0 : index
    %get3A_46 = vector.load %arg2[%get3A_44, %get3A_45] : memref<2000x128xf32, #tpu.memory_space<vmem>>, vector<2000x128xf32>
    %mul3A_47 = arith.mulf %select_n3A_43, %get3A_46 : vector<2000x128xf32>
    %swap3A = arith.constant 0 : index
    %swap3A_48 = arith.constant 0 : index
    %swap3A_49 = vector.load %arg7[%swap3A, %swap3A_48] : memref<2000x128xf32, #tpu.memory_space<vmem>>, vector<2000x128xf32>
    tpu.vector_store %arg7[%swap3A, %swap3A_48], %mul3A_47 {strides = array<i32>} : memref<2000x128xf32, #tpu.memory_space<vmem>>, vector<2000x128xf32>,
    return
  }
  func.func @transform_0(%arg0: i32) -> (i32, i32) {
    %add3A = arith.constant 0 : i32
    %add3A_0 = arith.addi %arg0, %add3A : i32
    %c0_i32 = arith.constant 0 : i32
    %c0_i32_1 = arith.constant 0 : i32
    return %add3A_0, %c0_i32 : i32, i32
  }
  func.func @transform_1(%arg0: i32) -> (i32, i32) {
    %c0_i32 = arith.constant 0 : i32
    %c0_i32_0 = arith.constant 0 : i32
    return %arg0, %c0_i32 : i32, i32
  }
  func.func @transform_2(%arg0: i32) -> (i32, i32) {
    %c0_i32 = arith.constant 0 : i32
    %c0_i32_0 = arith.constant 0 : i32
    %c0_i32_1 = arith.constant 0 : i32
    return %c0_i32, %c0_i32_0 : i32, i32
  }
  func.func @transform_3(%arg0: i32) -> (i32, i32) {
    %c0_i32 = arith.constant 0 : i32
    %c0_i32_0 = arith.constant 0 : i32
    %c0_i32_1 = arith.constant 0 : i32
    return %c0_i32, %c0_i32_0 : i32, i32
  }
  func.func @transform_4(%arg0: i32) -> (i32, i32) {
    %c0_i32 = arith.constant 0 : i32
    %c0_i32_0 = arith.constant 0 : i32
    %c0_i32_1 = arith.constant 0 : i32
    return %c0_i32, %c0_i32_0 : i32, i32
  }
  func.func @transform_5(%arg0: i32) -> (i32, i32) {
    %c0_i32 = arith.constant 0 : i32
    %c0_i32_0 = arith.constant 0 : i32
    %c0_i32_1 = arith.constant 0 : i32
    return %c0_i32, %c0_i32_0 : i32, i32
  }
  func.func @transform_6(%arg0: i32) -> (i32, i32) {
    %c0_i32 = arith.constant 0 : i32
    %c0_i32_0 = arith.constant 0 : i32
    return %arg0, %c0_i32 : i32, i32
  }
}

module attributes {stable_mosaic.version = 14 : i64} {
  func.func @_out_body(%arg0: i32, %arg1: memref<2x2000x128xf32, #tpu.memory_space<vmem>>, %arg2: memref<2x2000x128xf32, #tpu.memory_space<vmem>>, %arg3: memref<2000x128xf32, #tpu.memory_space<vmem>>, %arg4: memref<128x128xf32, #tpu.memory_space<vmem>>, %arg5: memref<1x128xf32, #tpu.memory_space<vmem>>, %arg6: memref<128x128xf32, #tpu.memory_space<vmem>>, %arg7: memref<1x128xf32, #tpu.memory_space<vmem>>, %arg8: memref<2000x128xf32, #tpu.memory_space<vmem>>, %arg9: memref<2000x128xf32, #tpu.memory_space<vmem>>) attributes {dimension_semantics = [#tpu.dimension_semantics<arbitrary>], iteration_bounds = array<i64: 5>, scalar_prefetch = 0 : i64, scratch_operands = 0 : i64, tpu.core_type = #tpu.core_type<tc>, window_params = [{transform_indices = @transform_0, window_bounds = array<i64: 2, 2000, 128>}, {transform_indices = @transform_1, window_bounds = array<i64: 2, 2000, 128>}, {transform_indices = @transform_2, window_bounds = array<i64: 2000, 128>}, {pipeline_mode = #tpu.pipeline_mode<synchronous>, transform_indices = @transform_3, window_bounds = array<i64: 128, 128>}, {pipeline_mode = #tpu.pipeline_mode<synchronous>, transform_indices = @transform_4, window_bounds = array<i64: 1, 128>}, {pipeline_mode = #tpu.pipeline_mode<synchronous>, transform_indices = @transform_5, window_bounds = array<i64: 128, 128>}, {pipeline_mode = #tpu.pipeline_mode<synchronous>, transform_indices = @transform_6, window_bounds = array<i64: 1, 128>}, {transform_indices = @transform_7, window_bounds = array<i64: 2000, 128>}, {transform_indices = @transform_8, window_bounds = array<i64: 2000, 128>}]} {
    %get3A = arith.constant 0 : index
    %get3A_0 = arith.constant 0 : index
    %get3A_1 = arith.constant 0 : index
    %get3A_2 = vector.load %arg1[%get3A, %get3A_0, %get3A_1] : memref<2x2000x128xf32, #tpu.memory_space<vmem>>, vector<1x2000x128xf32>
    %get3A_3 = vector.shape_cast %get3A_2 : vector<1x2000x128xf32> to vector<2000x128xf32>
    %get3A_4 = arith.constant 1 : index
    %get3A_5 = arith.constant 0 : index
    %get3A_6 = arith.constant 0 : index
    %get3A_7 = vector.load %arg1[%get3A_4, %get3A_5, %get3A_6] : memref<2x2000x128xf32, #tpu.memory_space<vmem>>, vector<1x2000x128xf32>
    %get3A_8 = vector.shape_cast %get3A_7 : vector<1x2000x128xf32> to vector<2000x128xf32>
    %add3A = arith.addf %get3A_3, %get3A_8 : vector<2000x128xf32>
    %get3A_9 = arith.constant 0 : index
    %get3A_10 = arith.constant 0 : index
    %get3A_11 = arith.constant 0 : index
    %get3A_12 = vector.load %arg2[%get3A_9, %get3A_10, %get3A_11] : memref<2x2000x128xf32, #tpu.memory_space<vmem>>, vector<1x2000x128xf32>
    %get3A_13 = vector.shape_cast %get3A_12 : vector<1x2000x128xf32> to vector<2000x128xf32>
    %add3A_14 = arith.addf %add3A, %get3A_13 : vector<2000x128xf32>
    %get3A_15 = arith.constant 1 : index
    %get3A_16 = arith.constant 0 : index
    %get3A_17 = arith.constant 0 : index
    %get3A_18 = vector.load %arg2[%get3A_15, %get3A_16, %get3A_17] : memref<2x2000x128xf32, #tpu.memory_space<vmem>>, vector<1x2000x128xf32>
    %get3A_19 = vector.shape_cast %get3A_18 : vector<1x2000x128xf32> to vector<2000x128xf32>
    %add3A_20 = arith.addf %add3A_14, %get3A_19 : vector<2000x128xf32>
    %get3A_21 = arith.constant 0 : index
    %get3A_22 = arith.constant 0 : index
    %get3A_23 = vector.load %arg4[%get3A_21, %get3A_22] : memref<128x128xf32, #tpu.memory_space<vmem>>, vector<128x128xf32>
    %dot_general3A = arith.constant dense<0.000000e+00> : vector<2000x128xf32>
    %dot_general3A_24 = tpu.matmul %add3A_20, %get3A_23, %dot_general3A {dimension_numbers = #tpu.dot_dimension_numbers<[1], [0], [0], [1], [0, 0, 1, 1], [], []>, transpose_lhs_hint = false} : vector<2000x128xf32>, vector<128x128xf32>, vector<2000x128xf32> -> vector<2000x128xf32>
    %get3A_25 = arith.constant 0 : index
    %get3A_26 = arith.constant 0 : index
    %get3A_27 = vector.load %arg5[%get3A_25, %get3A_26] : memref<1x128xf32, #tpu.memory_space<vmem>>, vector<1x128xf32>
    %add3A_28 = vector.broadcast %get3A_27 : vector<1x128xf32> to vector<2000x128xf32>
    %add3A_29 = arith.addf %dot_general3A_24, %add3A_28 : vector<2000x128xf32>
    %gt3A = arith.constant 6.000000e+01 : f32
    %gt3A_30 = vector.broadcast %gt3A : f32 to vector<2000x128xf32>
    %gt3A_31 = arith.cmpf ogt, %add3A_29, %gt3A_30 : vector<2000x128xf32>
    %sub3A = arith.constant 0.693147182 : f32
    %sub3A_32 = vector.broadcast %sub3A : f32 to vector<2000x128xf32>
    %sub3A_33 = arith.subf %add3A_29, %sub3A_32 : vector<2000x128xf32>
    %exp3A = math.exp %add3A_29 : vector<2000x128xf32>
    %mul3A = arith.constant 5.000000e-01 : f32
    %mul3A_34 = vector.broadcast %mul3A : f32 to vector<2000x128xf32>
    %mul3A_35 = arith.mulf %mul3A_34, %exp3A : vector<2000x128xf32>
    %add3A_36 = arith.constant 5.000000e-01 : f32
    %add3A_37 = vector.broadcast %add3A_36 : f32 to vector<2000x128xf32>
    %add3A_38 = arith.addf %mul3A_35, %add3A_37 : vector<2000x128xf32>
    %log3A = math.log %add3A_38 : vector<2000x128xf32>
    %select_n3A = arith.select %gt3A_31, %sub3A_33, %log3A : vector<2000x128xi1>, vector<2000x128xf32>
    %get3A_39 = arith.constant 0 : index
    %get3A_40 = arith.constant 0 : index
    %get3A_41 = vector.load %arg6[%get3A_39, %get3A_40] : memref<128x128xf32, #tpu.memory_space<vmem>>, vector<128x128xf32>
    %dot_general3A_42 = arith.constant dense<0.000000e+00> : vector<2000x128xf32>
    %dot_general3A_43 = tpu.matmul %select_n3A, %get3A_41, %dot_general3A_42 {dimension_numbers = #tpu.dot_dimension_numbers<[1], [0], [0], [1], [0, 0, 1, 1], [], []>, transpose_lhs_hint = false} : vector<2000x128xf32>, vector<128x128xf32>, vector<2000x128xf32> -> vector<2000x128xf32>
    %get3A_44 = arith.constant 0 : index
    %get3A_45 = arith.constant 0 : index
    %get3A_46 = vector.load %arg7[%get3A_44, %get3A_45] : memref<1x128xf32, #tpu.memory_space<vmem>>, vector<1x128xf32>
    %add3A_47 = vector.broadcast %get3A_46 : vector<1x128xf32> to vector<2000x128xf32>
    %add3A_48 = arith.addf %dot_general3A_43, %add3A_47 : vector<2000x128xf32>
    %swap3A = arith.constant 0 : index
    %swap3A_49 = arith.constant 0 : index
    %swap3A_50 = vector.load %arg9[%swap3A, %swap3A_49] : memref<2000x128xf32, #tpu.memory_space<vmem>>, vector<2000x128xf32>
    tpu.vector_store %arg9[%swap3A, %swap3A_49], %add3A_48 {strides = array<i32>} : memref<2000x128xf32, #tpu.memory_space<vmem>>, vector<2000x128xf32>,
    %get3A_51 = arith.constant 0 : index
    %get3A_52 = arith.constant 0 : index
    %get3A_53 = vector.load %arg3[%get3A_51, %get3A_52] : memref<2000x128xf32, #tpu.memory_space<vmem>>, vector<2000x128xf32>
    %add3A_54 = arith.addf %get3A_53, %add3A_48 : vector<2000x128xf32>
    %swap3A_55 = arith.constant 0 : index
    %swap3A_56 = arith.constant 0 : index
    %swap3A_57 = vector.load %arg8[%swap3A_55, %swap3A_56] : memref<2000x128xf32, #tpu.memory_space<vmem>>, vector<2000x128xf32>
    tpu.vector_store %arg8[%swap3A_55, %swap3A_56], %add3A_54 {strides = array<i32>} : memref<2000x128xf32, #tpu.memory_space<vmem>>, vector<2000x128xf32>,
    return
  }
  func.func @transform_0(%arg0: i32) -> (i32, i32, i32) {
    %c0_i32 = arith.constant 0 : i32
    %c0_i32_0 = arith.constant 0 : i32
    %c0_i32_1 = arith.constant 0 : i32
    return %c0_i32, %arg0, %c0_i32_0 : i32, i32, i32
  }
  func.func @transform_1(%arg0: i32) -> (i32, i32, i32) {
    %c0_i32 = arith.constant 0 : i32
    %c0_i32_0 = arith.constant 0 : i32
    %c0_i32_1 = arith.constant 0 : i32
    return %c0_i32, %arg0, %c0_i32_0 : i32, i32, i32
  }
  func.func @transform_2(%arg0: i32) -> (i32, i32) {
    %c0_i32 = arith.constant 0 : i32
    %c0_i32_0 = arith.constant 0 : i32
    return %arg0, %c0_i32 : i32, i32
  }
  func.func @transform_3(%arg0: i32) -> (i32, i32) {
    %c0_i32 = arith.constant 0 : i32
    %c0_i32_0 = arith.constant 0 : i32
    %c0_i32_1 = arith.constant 0 : i32
    return %c0_i32, %c0_i32_0 : i32, i32
  }
  func.func @transform_4(%arg0: i32) -> (i32, i32) {
    %c0_i32 = arith.constant 0 : i32
    %c0_i32_0 = arith.constant 0 : i32
    %c0_i32_1 = arith.constant 0 : i32
    return %c0_i32, %c0_i32_0 : i32, i32
  }
  func.func @transform_5(%arg0: i32) -> (i32, i32) {
    %c0_i32 = arith.constant 0 : i32
    %c0_i32_0 = arith.constant 0 : i32
    %c0_i32_1 = arith.constant 0 : i32
    return %c0_i32, %c0_i32_0 : i32, i32
  }
  func.func @transform_6(%arg0: i32) -> (i32, i32) {
    %c0_i32 = arith.constant 0 : i32
    %c0_i32_0 = arith.constant 0 : i32
    %c0_i32_1 = arith.constant 0 : i32
    return %c0_i32, %c0_i32_0 : i32, i32
  }
  func.func @transform_7(%arg0: i32) -> (i32, i32) {
    %c0_i32 = arith.constant 0 : i32
    %c0_i32_0 = arith.constant 0 : i32
    return %arg0, %c0_i32 : i32, i32
  }
  func.func @transform_8(%arg0: i32) -> (i32, i32) {
    %c0_i32 = arith.constant 0 : i32
    %c0_i32_0 = arith.constant 0 : i32
    return %arg0, %c0_i32 : i32, i32
  }
}

</mosaic_0001>

<sc_bundles>
// kernel: gather_offload_async_start
scs
__scs_entry_jumppad:
0x0: {  	(pc) =	sbr.rel $0x88, $3  }
0x1: {  	(tag) =	ssettag $0x0;
	lr =	simm.s32 $0x1  }
0x2: {  	[smem:$0x3F92] =	sst lr;
	_ =	strace $0xD0000000  }
0x3: {  	_ = 	snop  }
0x4: {  	_ = 	snop  }
0x5: {  	_ = 	snop  }
0x6: {  	_ = 	snop  }
0x7: {  	_ = 	snop  }
__scs_overlays_trampoline_lowered:
0x8: {  	[smem:$0x3FA1] =	sst s0  }
0x9: {  	[smem:$0x3FA2] =	sst s1  }
0xa: {  	[smem:$0x3FA3] =	sst s2  }
0xb: {  	[smem:$0x3FA4] =	sst s3  }
0xc: {  	[smem:$0x3FA5] =	sst s4  }
0xd: {  	[smem:$0x3FA6] =	sst s5  }
0xe: {  	[smem:$0x3FA7] =	sst s6  }
0xf: {  	[smem:$0x3FA8] =	sst s7  }
0x10: {  	[smem:$0x3FA9] =	sst s8  }
0x11: {  	[smem:$0x3FAA] =	sst s9;
	s0 =	simm.s32 @!p0 $0x0  }
0x12: {  	s1 =	sld [smem:$0x3F90];
	s0 =	simm.s32 @p0 $0x1  }
0x13: {  	[smem:$0x3FAB] =	sst s0;
	s0 =	simm.s32 @!p1 $0x0  }
0x14: {  	s2 =	sld [smem:$0x3F8F];
	s0 =	simm.s32 @p1 $0x1  }
0x15: {  	[smem:$0x3FAC] =	sst s0;
	s0 =	simm.s32 @!p2 $0x0  }
0x16: {  	s3 =	sld [smem:$0x3FDB];
	s0 =	simm.s32 @p2 $0x1  }
0x17: {  	s4 =	simm.s32 $0x1BF5;
	[smem:$0x3FAE] =	sst s0  }
0x18: {  	s0 =	sld [smem:$0x3F91];
	_ =	swait.ge [sflag:s4], $0x0  }
0x19: {  	s7 =	sld [smem:$0x3F92]  }
0x1a: {  	s8 =	sadd.s32 $0xFFFFE003, lr  }
0x1b: {  	s9 =	sadd.s32 $0xFFFFFEF7, lr;
	s5 =	simm.s32 $0xFFFFFFFF;
	p2 =	slt.u32 s8, $0xFFFFF086  }
0x1c: {  	p1 =	slt.u32 s9, $0xF7A;
	s5 =	simm.s32 @!p2 $0x0  }
0x1d: {  	s5 =	simm.s32 @p1 $0x1;
	p0 =	seq.s32 s7, s2  }
0x1e: {  	s7 =	smul.u32 @!p0 $0xF7A, s2;
	p2 =	seq.s32 @!p0 s5, $0x0  }
0x1f: {  	s9 =	smul.u32 $0xF7A, s1;
	s8 =	simm.s32 @!p0 $0x1BF5;
	p2 =	por !p2, p0  }
0x20: {  	[sflag:s8] =	ssyncset.s32 @!p0 $0xFFFFF086;
	s6 =	sadd.s32 @!p0 s3, s7;
	s7 =	simm.s32 @!p0 $0x108  }
0x21: {  	s3 =	sadd.s32 s3, s9;
	s6 =	sadd.s32 @!p0 $0x88, s6;
	s7 =	simm.s32 @p2 $0x1082  }
0x22: {  	[simem:s7], [sflag:s8] =	dma.local @!p0 [hbm:s6], $0xF7A  }
0x23: {  	s9 =	sor.u32 $0xD0000000, s2;
	s6 =	simm.s32 $0x108;
	_ =	swait.ge @!p0 [sflag:s8], $0x0  }
0x24: {  	s3 =	sadd.s32 $0x88, s3;
	s6 =	simm.s32 @!p1 $0x1082;
	[sflag:s4] =	ssyncset.s32 $0xFFFFF086  }
0x25: {  	[simem:s6], [sflag:s4] =	dma.local [hbm:s3], $0xF7A  }
0x26: {  	[smem:$0x3F92] =	sst s1;
	(tag) =	ssettag s2;
	_ =	strace s9  }
0x27: {  	s1 =	sld [smem:$0x3FA2]  }
0x28: {  	s2 =	sld [smem:$0x3FA3]  }
0x29: {  	s4 =	sld [smem:$0x3FA5]  }
0x2a: {  	p0 =	seq.s32 s5, $0x0;
	s5 =	sld [smem:$0x3FA6]  }
0x2b: {  	s6 =	sld [smem:$0x3FA7]  }
0x2c: {  	s7 =	sld [smem:$0x3FA8]  }
0x2d: {  	s3 =	simm.s32 $0x108;
	s8 =	sld [smem:$0x3FA9]  }
0x2e: {  	s3 =	simm.s32 @!p0 $0x1082;
	s9 =	sld [smem:$0x3FAA]  }
0x2f: {  	lr =	sadd.s32 s0, s3;
	s0 =	sld [smem:$0x3FA1]  }
0x30: {  	s3 =	sld [smem:$0x3FA4]  }
0x31: {  	[smem:$0x3FAD] =	sst s10  }
0x32: {  	s10 =	sld [smem:$0x3FAB];
	_ =	sdelay $0x3  }
0x33: {  	p0 =	seq.s32 s10, $0x1;
	s10 =	sld [smem:$0x3FAD];
	_ =	sdelay $0x3  }
0x34: {  	[smem:$0x3FAD] =	sst s10  }
0x35: {  	s10 =	sld [smem:$0x3FAC];
	_ =	sdelay $0x3  }
0x36: {  	p1 =	seq.s32 s10, $0x1;
	s10 =	sld [smem:$0x3FAD];
	_ =	sdelay $0x3  }
0x37: {  	[smem:$0x3FAD] =	sst s10  }
0x38: {  	s10 =	sld [smem:$0x3FAE]  }
0x39: {  	_ = 	snop;
	(pc) =	sbr.ind lr, $3  }
0x3a: {  	_ = 	snop  }
0x3b: {  	_ = 	snop  }
0x3c: {  	p2 =	seq.s32 s10, $0x1;
	s10 =	sld [smem:$0x3FAD]  }
0x3d: {  	_ =	shalt  }
0x3e: {  	_ =	shalt  }
0x3f: {  	_ =	shalt  }
0x40: {  	_ =	shalt  }
0x41: {  	_ =	shalt  }
0x42: {  	_ =	shalt  }
0x43: {  	_ =	shalt  }
0x44: {  	_ =	shalt  }
0x45: {  	_ =	shalt  }
0x46: {  	_ =	shalt  }
0x47: {  	_ =	shalt  }
0x48: {  	_ =	shalt  }
0x49: {  	_ =	shalt  }
0x4a: {  	_ =	shalt  }
0x4b: {  	_ =	shalt  }
0x4c: {  	_ =	shalt  }
0x4d: {  	_ =	shalt  }
0x4e: {  	_ =	shalt  }
0x4f: {  	_ =	shalt  }
0x50: {  	_ =	shalt  }
0x51: {  	_ =	shalt  }
0x52: {  	_ =	shalt  }
0x53: {  	_ =	shalt  }
0x54: {  	_ =	shalt  }
0x55: {  	_ =	shalt  }
0x56: {  	_ =	shalt  }
0x57: {  	_ =	shalt  }
0x58: {  	_ =	shalt  }
0x59: {  	_ =	shalt  }
0x5a: {  	_ =	shalt  }
0x5b: {  	_ =	shalt  }
0x5c: {  	_ =	shalt  }
0x5d: {  	_ =	shalt  }
0x5e: {  	_ =	shalt  }
0x5f: {  	_ =	shalt  }
0x60: {  	_ =	shalt  }
0x61: {  	_ =	shalt  }
0x62: {  	_ =	shalt  }
0x63: {  	_ =	shalt  }
0x64: {  	_ =	shalt  }
0x65: {  	_ =	shalt  }
0x66: {  	_ =	shalt  }
0x67: {  	_ =	shalt  }
0x68: {  	_ =	shalt  }
0x69: {  	_ =	shalt  }
0x6a: {  	_ =	shalt  }
0x6b: {  	_ =	shalt  }
0x6c: {  	_ =	shalt  }
0x6d: {  	_ =	shalt  }
0x6e: {  	_ =	shalt  }
0x6f: {  	_ =	shalt  }
0x70: {  	_ =	shalt  }
0x71: {  	_ =	shalt  }
0x72: {  	_ =	shalt  }
0x73: {  	_ =	shalt  }
0x74: {  	_ =	shalt  }
0x75: {  	_ =	shalt  }
0x76: {  	_ =	shalt  }
0x77: {  	_ =	shalt  }
0x78: {  	_ =	shalt  }
0x79: {  	_ =	shalt  }
0x7a: {  	_ =	shalt  }
0x7b: {  	_ =	shalt  }
0x7c: {  	_ =	shalt  }
0x7d: {  	_ =	shalt  }
0x7e: {  	_ =	shalt  }
0x7f: {  	_ =	shalt  }
0x80: {  	_ =	shalt  }
0x81: {  	_ =	shalt  }
0x82: {  	_ =	shalt  }
0x83: {  	_ =	shalt  }
0x84: {  	_ =	shalt  }
0x85: {  	_ =	shalt  }
0x86: {  	_ =	shalt  }
0x87: {  	_ =	shalt  }
.Lfunc_end0:
.L_simem_size_0:
called_computation_lowered:
.L_overlay_start_0:
0x88: {  	s2 =	sld [smem:$0x3FD9]  }
0x89: {  	s3 =	sld [smem:$0x3FFE];
	_ =	sdelay $0x1  }
0x8a: {  	s1 =	srdreg.scid  }
0x8b: {  	s0 =	sand.u32 $0x1, s1  }
0x8c: {  	s14 =	sshll.u32 s0, $0xA;
	s2 =	sadd.s32 s3, s2  }
0x8d: {  	s2 =	sadd.s32 s2, s14  }
0x8e: {  	[smem:$0x3FB9] =	sst s2  }
0x8f: {  	_ = 	snop  }
0x90: {  	s2 =	sld [smem:$0x3FD0];
	_ =	sdelay $0x2  }
0x91: {  	s15 =	simm.s32 $0xB;
	s4 =	simm.s32 $0x10  }
0x92: {  	[smem:s4], [sflag:s15] =	dma.local [hbm:s2], $0x1  }
0x93: {  	_ =	swait.eq [sflag:s15], $0x1  }
0x94: {  	[sflag:s15] =	ssyncset.done $0x0  }
0x95: {  	[sflag:s15] =	ssyncadd.s32 $0xFFFFFFFF  }
0x96: {  	s16 =	sld [smem:$0x10];
	(tm) =	ssettm $0x1  }
0x97: {  	s17 =	sld [smem:$0x3FFB];
	_ =	sdelay $0x3  }
0x98: {  	_ =	strace s17  }
0x99: {  	s3 =	sld [smem:$0x3FFC];
	_ =	sdelay $0x3  }
0x9a: {  	_ =	strace s3  }
0x9b: {  	s3 =	sld [smem:$0x3FFD];
	_ =	sdelay $0x3  }
0x9c: {  	_ =	strace s3  }
0x9d: {  	_ =	strace $0x8FFFFFFF  }
0x9e: {  	s18 =	sld [smem:$0x3FDB];
	_ =	sdelay $0x1  }
0x9f: {  	s19 =	simm.s32 $_scs_section_size  }
0xa0: {  	s5 =	simm.s32 $_size__tile_overlayer_lowered;
	s6 =	simm.s32 $_tile_overlayer_lowered  }
0xa1: {  	s22 =	simm.s32 $0x1BFF;
	s21 =	sshll.u32 s6, $0x1;
	s3 =	sadd.s32 s19, s18  }
0xa2: {  	s7 =	simm.s32 $0x0;
	s20 =	sshll.u32 s5, $0x1;
	s5 =	sadd.s32 s21, s3  }
0xa3: {  	[timem:s7], [sflag:s22] =	dma.local [hbm:s5], s20  }
0xa4: {  	_ =	swait.ge [sflag:s22], s20  }
0xa5: {  	s4 =	ssub.s32 $0x0, s20;
	[sflag:s22] =	ssyncset.done $0x0  }
0xa6: {  	[sflag:s22] =	ssyncadd.s32 s4;
	_ =	sdelay $0x1  }
0xa7: {  	s23 =	simm.s32 $0x1B8B  }
0xa8: {  	_ =	swait.ge [sflag:s23], $0x1  }
0xa9: {  	[sflag:s23] =	ssyncset.done $0x0  }
0xaa: {  	s25 =	simm.s32 $0x1B8E;
	s24 =	sld [smem:$0x3FFE];
	[sflag:s23] =	ssyncadd.s32 $0xFFFFFFFF  }
0xab: {  	s26 =	simm.s32 $execute0_lowered;
	[smem:$0x3FD2] =	sst s25  }
0xac: {  	s5 =	sshll.u32 s26, $0x1;
	_ =	strace $0x80000046;
	[dreg:$0x1] =	wrdreg $0xFFFFFFFF  }
0xad: {  	s28 =	simm.s32 $_size_execute0_lowered;
	s3 =	sadd.s32 s3, s5;
	[dreg:$0x0] =	wrdreg $0x0  }
0xae: {  	s5 =	sshll.u32 s28, $0x1;
	[dreg:$0x2] =	wrdreg s3  }
0xaf: {  	[dreg:$0x3] =	wrdreg s5  }
0xb0: {  	[dreg:$0x4] =	wrdreg $0xC0  }
0xb1: {  	_ =	task [dreg:s7], $0x5FFFF  }
0xb2: {  	[dreg:$0x1] =	wrdreg $0xFFFFFFFF  }
0xb3: {  	[dreg:$0x0] =	wrdreg $0x60  }
0xb4: {  	[dreg:$0x2] =	wrdreg s16  }
0xb5: {  	[dreg:$0x3] =	wrdreg s24  }
0xb6: {  	[dreg:$0x4] =	wrdreg $0x9  }
0xb7: {  	_ =	task.clear_ibuf [dreg:s7], $0x5FFFF;
	_ =	strace $0x90000046  }
0xb8: {  	s29 =	simm.s32 $0x9;
	_ =	strace $0x80000048  }
0xb9: {  	_ =	swait.ge [sflag:s29], $0x1  }
0xba: {  	[sflag:s29] =	ssyncadd.s32 $0xFFFFFFFF  }
0xbb: {  	_ =	strace $0x90000048  }
0xbc: {  	_ =	sfence  }
0xbd: {  	s30 =	sld [smem:$0x0];
	_ =	sdelay $0x2  }
0xbe: {  	s31 =	sshll.u32 s1, $0xD;
	s1 =	sshrl.u32 s1, $0x2  }
0xbf: {  	s3 =	sand.u32 $0x4000, s31;
	s1 =	sadd.s32 s1, s30  }
0xc0: {  	s0 =	sor.u32 s3, s0;
	s1 =	sshll.u32 s1, $0x11  }
0xc1: {  	s0 =	sor.u32 s1, s0  }
0xc2: {  	s0 =	sadd.s32 $0x8F2B, s0  }
0xc3: {  	[sflag:s0] =	ssyncadd.remote.s32 $0x1  }
0xc4: {  	_ =	sfence.sel $0xFFFF  }
0xc5: {  	[dreg:$0x0] =	wrdreg $0xFFFFFFFF;
	(pc) =	sbr.abs _section_cstart, $3  }
0xc6: {  	[dreg:$0x1] =	wrdreg $0xFFFFFFFF  }
0xc7: {  	_ =	task.clear_ibuf [dreg:s7], $0x2FFFF;
	_ =	strace $0x9FFFFFFF  }
0xc8: {  	(tm) =	ssettm $0x7FFFFFFF  }
0xc9: {  	_ =	shalt  }
tec
execute0_lowered:
.L_overlay_start_1:
0x0: {  	(tag) =	ssettag $0x1  }
0x1: {  	s2 =	rddreg [dreg:$0x0]  }
0x2: {  	s4 =	rddreg [dreg:$0x1]  }
0x3: {  	s0 =	rddreg [dreg:$0x2];
	_ =	strace $0x80000047;
	s1 =	stileid.u32  }
0x4: {  	s5 =	srdreg.scid;
	s8 =	simm.s32 $0x1;
	s9 =	simm.s32 $0x1  }
0x5: {  	s10 =	simm.s32 $0x3;
	s13 =	simm.s32 $0x0;
	s12 =	simm.s32 $0x0  }
0x6: {  	s3 =	sadd.s32 $0x2E00, s4;
	s6 =	sand.u32 $0x1, s5;
	s7 =	sshll.u32 s1, $0x1  }
0x7: {  	s4 =	sadd.s32 $0xCC00, s4;
	s5 =	simm.s32 $0x1;
	s6 =	sor.u32 s7, s6  }
.Ltmp0:
0x8: {  	[sflag:s5] =	ssyncpa.u1 $0x0;
	p0 =	slt.u32 s6, $0x13;
	(pc) =	sbr.rel .LBB2_1-.Ltmp0, $4  }
0x9: {  	s7 =	simm.s32 $0x2;
	s8 =	simm.s32 @!p0 $0x0;
	p0 =	sne.s32 s6, $0x12  }
0xa: {  	[sflag:s7] =	ssyncpa.u1 $0x0;
	s6 =	smul.u32 $0x1900, s6;
	s9 =	simm.s32 @!p0 $0x0  }
0xb: {  	[sflag:s10] =	ssyncpa.u1 $0x0;
	s10 =	simm.s32 $0x0;
	s8 =	sadd.s32 s9, s8  }
0xc: {  	vm0 =	vmmov $0xffff;
	v0 =	vlaneseq.u32;
	p0 =	por $0x0, $0x0;
	s11 =	smov.u32 s6;
	s9 =	sadd.s32 $0x1, s8  }
.LBB2_4:
0xd: {  	vm1 =	vgt.s32 v1, $0x0;
	s15 =	sadd.s32 $0xFFFFFFF0, s15  }
0xe: {  	v1 =	vnsel vm1, $0x0, v1;
	p1 =	sgt.s32 s15, $0x0  }
0xf: {  	v1 =	vmin.u32 v1, $0x4E1FF;
	s15 =	simm.s32 @!p1 $0x0  }
0x10: {  	v2 =	vshll.u32 v1, $0x1;
	s15 =	smin.u32 s15, $0x10  }
0x11: {  	v1 =	vand.u32 $0x7F, v1;
	v2 =	vand.u32 $0xFFF00, v2;
	v3 =	vmov s15  }
0x12: {  	v1 =	vor.u32 v1, v2;
	vm1 =	vgt.u32 v3, v0  }
0x13: {  	v2 =	vnsel vm1, $0x7FFFFFFF, v1;
	_ =	sdelay $0x1  }
0x14: {  	s29 =	sand.u32 $0x3F00, s17;
	s16 =	sadd.s32 $0x10, s16;
	v1 =	vor.u32 $0x80, v1  }
0x15: {  	(ifvalue) =	ssetifvalue $0x7FFFFFFF;
	s16 =	sand.u32 $0x70, s16;
	s15 =	sadd.s32 s29, s14;
	v1 =	vnsel vm1, $0x7FFFFFFF, v1  }
0x16: {  	(ifvalue) =	ssetifvalue $0x7FFFFFFF;
	s15 =	sadd.s32 s16, s15  }
0x17: {  	[tilespmem:s15], [sflag:$0x1] =	stream.indirect_vreg.gather [hbm4b:s2+s10], $0x1, v2, vm0, $0x4038;
	[tilespmem:$0x9600] =	vst v63  }
0x18: {  	(ifvalue) =	ssetifvalue $0x7FFFFFFF  }
0x19: {  	s30 =	sshll.u32 s13, $0x1;
	s15 =	sadd.s32 $0x80, s15;
	(ifvalue) =	ssetifvalue $0x7FFFFFFF  }
0x1a: {  	[tilespmem:s15], [sflag:$0x1] =	stream.indirect_vreg.gather [hbm4b:s2+s10], $0x1, v1, vm0, $0x4038;
	[tilespmem:$0x9600] =	vst v63  }
0x1b: {  	s31 =	sand.u32 $0x78, s13;
	s15 =	sand.u32 $0xFFFFFF00, s30  }
0x1c: {  	_ =	swait.ge [sflag:s5], $0x3200;
	s13 =	sor.u32 s31, s15  }
0x1d: {  	[sflag:s5] =	ssyncset.done $0x0;
	s13 =	sshrl.u32 s13, $0x3  }
0x1e: {  	[sflag:s5] =	ssyncadd.s32 $0xFFFFCE00;
	s13 =	sadd.s32 s4, s13  }
0x1f: {  	[hbm:s13] =	stream.linear.scatter [tilespmem:s14], [sflag:$0x3], $0x3200, $0x38;
	[tilespmem:$0x9600] =	vst v63  }
.LBB2_5:
0x20: {  	s15 =	sadd.s32 $0x32000, s11  }
0x21: {  	p2 =	sgt.s32 s15, $0x4E1FF  }
0x22: {  	s15 =	smov.u32 @p2 s6;
	p2 =	sne.s32 s12, s9  }
.Ltmp1:
0x23: {  	p1 =	slt.u32 s12, $0x2;
	(pc) =	sbr.rel @!p2 .LBB2_6-.Ltmp1, $4  }
0x24: {  	s14 =	simm.s32 @!p1 $0x3  }
0x25: {  	s16 =	sadd.s32 $0x1, s12;
	_ =	swait.ge @!p1 [sflag:s14], $0x3200  }
0x26: {  	s13 =	smov.u32 s11;
	p0 =	por !p0, !p0;
	[sflag:s14] =	ssyncset.done @!p1 $0x0  }
0x27: {  	s12 =	smov.u32 s16;
	s11 =	smov.u32 s15;
	[sflag:s14] =	ssyncadd.s32 @!p1 $0xFFFFCE00  }
.LBB2_1:
0x28: {  	p1 =	sge.u32 s12, s8  }
0x29: {  	s14 =	sxor.u32 @!p1 $0x1, s12  }
0x2a: {  	s14 =	smul.u32 @!p1 $0x6400, s14  }
0x2b: {  	s31 =	sadd.s32 $0xFFFFFFFF, s12;
	s15 =	sshrl.u32 @!p1 s11, $0x3  }
0x2c: {  	s16 =	sand.u32 @!p1 $0x7, s11;
	s15 =	sadd.s32 @!p1 s3, s15;
	s14 =	sshra.s32 @!p1 s14, $0x2  }
0x2d: {  	[tilespmem:s14], [sflag:$0x2] =	stream.linear.gather @!p1 [hbm4b:s15+s16], $0x1900, $0x38;
	[tilespmem:$0x9600] =	vst v63  }
0x2e: {  	p1 =	sge.u32 s31, s8  }
.Ltmp2:
0x2f: {  	_ = 	snop;
	(pc) =	sbr.rel @p1 .LBB2_5-.Ltmp2, $1  }
0x30: {  	_ =	sdelay $0x3  }
0x31: {  	s14 =	simm.s32 $0x1  }
0x32: {  	s14 =	simm.s32 @!p0 $0x0  }
0x33: {  	_ =	swait.ge [sflag:s7], $0x1900;
	s14 =	smul.u32 $0x6400, s14  }
0x34: {  	[sflag:s7] =	ssyncset.done $0x0  }
0x35: {  	[sflag:s7] =	ssyncadd.s32 $0xFFFFE700;
	s17 =	sshrl.u32 s14, $0x2  }
0x36: {  	v1 =	vld.msk [tilespmem:s17+$0x0 ss:$0x1], $0xffff;
	_ =	sdelay $0x2  }
0x37: {  	s15 =	ssub.s32 $0x4E200, s13  }
0x38: {  	p1 =	slt.s32 s15, $0x1900  }
0x39: {  	s15 =	simm.s32 @!p1 $0x1900;
	vm1 =	vgt.s32 v1, $0x0  }
0x3a: {  	p1 =	sgt.s32 s15, $0x0;
	s14 =	smov.u32 s15;
	v1 =	vnsel vm1, $0x0, v1  }
0x3b: {  	s14 =	simm.s32 @!p1 $0x0;
	v1 =	vmin.u32 v1, $0x4E1FF  }
0x3c: {  	s14 =	smin.u32 s14, $0x10;
	v2 =	vshll.u32 v1, $0x1  }
0x3d: {  	s16 =	sand.u32 $0x1, s12;
	v3 =	vmov s14;
	v1 =	vand.u32 $0x7F, v1;
	v2 =	vand.u32 $0xFFF00, v2  }
0x3e: {  	s31 =	smul.u32 $0xC800, s16;
	vm1 =	vgt.u32 v3, v0;
	v1 =	vor.u32 v1, v2  }
0x3f: {  	v2 =	vnsel vm1, $0x7FFFFFFF, v1  }
0x40: {  	s16 =	simm.s32 $0x0;
	s14 =	sshrl.u32 s31, $0x2  }
0x41: {  	s18 =	sand.u32 $0x3F00, s16;
	s14 =	sadd.s32 $0x3200, s14;
	v1 =	vor.u32 $0x80, v1  }
0x42: {  	s19 =	sand.u32 $0x70, s16;
	(ifvalue) =	ssetifvalue $0x7FFFFFFF;
	s18 =	sadd.s32 s18, s14;
	v1 =	vnsel vm1, $0x7FFFFFFF, v1  }
0x43: {  	(ifvalue) =	ssetifvalue $0x7FFFFFFF;
	s18 =	sadd.s32 s19, s18  }
0x44: {  	[tilespmem:s18], [sflag:$0x1] =	stream.indirect_vreg.gather [hbm4b:s2+s10], $0x1, v2, vm0, $0x4038;
	[tilespmem:$0x9600] =	vst v63  }
0x45: {  	(ifvalue) =	ssetifvalue $0x7FFFFFFF  }
0x46: {  	s18 =	sadd.s32 $0x80, s18;
	(ifvalue) =	ssetifvalue $0x7FFFFFFF  }
0x47: {  	[tilespmem:s18], [sflag:$0x1] =	stream.indirect_vreg.gather [hbm4b:s2+s10], $0x1, v1, vm0, $0x4038;
	[tilespmem:$0x9600] =	vst v63  }
0x48: {  	s18 =	sadd.s32 $0x10, s17  }
0x49: {  	v1 =	vld.msk [tilespmem:s18+$0x0 ss:$0x1], $0xffff  }
0x4a: {  	s19 =	simm.s32 $0x40;
	s17 =	simm.s32 $0x20  }
.LBB2_3:
0x4b: {  	p1 =	sne.s32 s19, $0x31E0;
	_ =	sdelay $0x2  }
0x4c: {  	vm1 =	vgt.s32 v1, $0x0;
	s15 =	sadd.s32 $0xFFFFFFF0, s15  }
0x4d: {  	v1 =	vnsel vm1, $0x0, v1;
	p2 =	sgt.s32 s15, $0x0;
	s20 =	smov.u32 s15  }
0x4e: {  	v1 =	vmin.u32 v1, $0x4E1FF;
	s20 =	simm.s32 @!p2 $0x0  }
0x4f: {  	v2 =	vshll.u32 v1, $0x1;
	s20 =	smin.u32 s20, $0x10  }
0x50: {  	v1 =	vand.u32 $0x7F, v1;
	v2 =	vand.u32 $0xFFF00, v2;
	v3 =	vmov s20  }
0x51: {  	v1 =	vor.u32 v1, v2;
	vm1 =	vgt.u32 v3, v0  }
0x52: {  	v2 =	vnsel vm1, $0x7FFFFFFF, v1;
	_ =	sdelay $0x1  }
0x53: {  	s16 =	sadd.s32 $0x10, s16;
	s20 =	sand.u32 $0x3F00, s17;
	s17 =	smov.u32 s19;
	v1 =	vor.u32 $0x80, v1  }
0x54: {  	s21 =	sand.u32 $0x70, s16;
	s20 =	sadd.s32 s20, s14;
	v1 =	vnsel vm1, $0x7FFFFFFF, v1;
	(ifvalue) =	ssetifvalue $0x7FFFFFFF  }
0x55: {  	s20 =	sadd.s32 s21, s20;
	(ifvalue) =	ssetifvalue $0x7FFFFFFF  }
0x56: {  	[tilespmem:s20], [sflag:$0x1] =	stream.indirect_vreg.gather [hbm4b:s2+s10], $0x1, v2, vm0, $0x4038;
	[tilespmem:$0x9600] =	vst v63  }
0x57: {  	s18 =	sadd.s32 $0x10, s18;
	(ifvalue) =	ssetifvalue $0x7FFFFFFF  }
.Ltmp3:
0x58: {  	s20 =	sadd.s32 $0x80, s20;
	(ifvalue) =	ssetifvalue $0x7FFFFFFF;
	(pc) =	sbr.rel @p1 .LBB2_3-.Ltmp3, $3  }
0x59: {  	[tilespmem:s20], [sflag:$0x1] =	stream.indirect_vreg.gather [hbm4b:s2+s10], $0x1, v1, vm0, $0x4038;
	[tilespmem:$0x9600] =	vst v63  }
0x5a: {  	v1 =	vld.msk [tilespmem:s18+$0x0 ss:$0x1], $0xffff;
	_ =	sdelay $0x1  }
0x5b: {  	s19 =	sadd.s32 $0x20, s19  }
.Ltmp4:
0x5c: {  	_ = 	snop;
	(pc) =	sbr.rel .LBB2_4-.Ltmp4, $1  }
0x5d: {  	_ =	sdelay $0x3  }
.LBB2_6:
0x5e: {  	_ =	sfence.sel $0x180000  }
0x5f: {  	s2 =	simm.s32 $0x2;
	[bflag:$0x0] =	sbarrier.arrive $0xFFFF  }
0x60: {  	s30 =	simm.s32 $0x3;
	[sflag:s2] =	ssyncpa.u1 $0x1  }
0x61: {  	s31 =	simm.s32 $0x1;
	[sflag:s30] =	ssyncpa.u1 $0x1  }
0x62: {  	[sflag:s31] =	ssyncpa.u1 $0x1  }
0x63: {  	p0 =	sne.s32 s1, $0x0;
	_ =	strace $0x90000047  }
0x64: {  	s0 =	sadd.s32 @!p0 $0x100000, s0;
	[bflag:$0x2] =	sbarrier.arrive $0xFFFF  }
0x65: {  	[sflag:s0] =	ssyncadd.tile.s32 @!p0 $0x1;
	_ =	shalt  }
.Lfunc_end2:
_tile_overlayer_lowered:
.L_overlay_start_2:
0x66: {  	(tag) =	ssettag $0x2  }
0x67: {  	s0 =	rddreg [dreg:$0x0];
	s2 =	stileid.u32  }
0x68: {  	s1 =	rddreg [dreg:$0x1];
	p0 =	sne.s32 s2, $0x0  }
0x69: {  	s3 =	rddreg [dreg:$0x2];
	[bflag:$0x3] =	sbarrier.arrive $0xFFFF;
	s2 =	simm.s32 @!p0 $0x1C01  }
0x6a: {  	[timem:s3], [sflag:s2] =	dma.local @!p0 [hbm:s0], s1  }
0x6b: {  	s0 =	simm.s32 @!p0 $0x1  }
0x6c: {  	_ =	swait.ge @!p0 [sflag:s0], s1  }
0x6d: {  	s1 =	ssub.s32 @!p0 $0x0, s1;
	[sflag:s0] =	ssyncset.done @!p0 $0x0  }
0x6e: {  	[sflag:s0] =	ssyncadd.s32 @!p0 s1  }
0x6f: {  	[bflag:$0x3] =	sbarrier.arrive $0xFFFF  }
0x70: {  	_ =	shalt  }

// kernel: kernel.10.cloned.1.call-start
scs
__scs_entry_jumppad:
0x0: {  	(pc) =	sbr.rel $0x88, $3  }
0x1: {  	(tag) =	ssettag $0x0;
	lr =	simm.s32 $0x1  }
0x2: {  	[smem:$0x3F92] =	sst lr;
	_ =	strace $0xD0000000  }
0x3: {  	_ = 	snop  }
0x4: {  	_ = 	snop  }
0x5: {  	_ = 	snop  }
0x6: {  	_ = 	snop  }
0x7: {  	_ = 	snop  }
__scs_overlays_trampoline_lowered:
0x8: {  	[smem:$0x3FA1] =	sst s0  }
0x9: {  	[smem:$0x3FA2] =	sst s1  }
0xa: {  	[smem:$0x3FA3] =	sst s2  }
0xb: {  	[smem:$0x3FA4] =	sst s3  }
0xc: {  	[smem:$0x3FA5] =	sst s4  }
0xd: {  	[smem:$0x3FA6] =	sst s5  }
0xe: {  	[smem:$0x3FA7] =	sst s6  }
0xf: {  	[smem:$0x3FA8] =	sst s7  }
0x10: {  	[smem:$0x3FA9] =	sst s8  }
0x11: {  	[smem:$0x3FAA] =	sst s9;
	s0 =	simm.s32 @!p0 $0x0  }
0x12: {  	s1 =	sld [smem:$0x3F90];
	s0 =	simm.s32 @p0 $0x1  }
0x13: {  	[smem:$0x3FAB] =	sst s0;
	s0 =	simm.s32 @!p1 $0x0  }
0x14: {  	s2 =	sld [smem:$0x3F8F];
	s0 =	simm.s32 @p1 $0x1  }
0x15: {  	[smem:$0x3FAC] =	sst s0;
	s0 =	simm.s32 @!p2 $0x0  }
0x16: {  	s3 =	sld [smem:$0x3FDB];
	s0 =	simm.s32 @p2 $0x1  }
0x17: {  	s4 =	simm.s32 $0x1BF5;
	[smem:$0x3FAE] =	sst s0  }
0x18: {  	s0 =	sld [smem:$0x3F91];
	_ =	swait.ge [sflag:s4], $0x0  }
0x19: {  	s7 =	sld [smem:$0x3F92]  }
0x1a: {  	s8 =	sadd.s32 $0xFFFFE003, lr  }
0x1b: {  	s9 =	sadd.s32 $0xFFFFFEF7, lr;
	s5 =	simm.s32 $0xFFFFFFFF;
	p2 =	slt.u32 s8, $0xFFFFF086  }
0x1c: {  	p1 =	slt.u32 s9, $0xF7A;
	s5 =	simm.s32 @!p2 $0x0  }
0x1d: {  	s5 =	simm.s32 @p1 $0x1;
	p0 =	seq.s32 s7, s2  }
0x1e: {  	s7 =	smul.u32 @!p0 $0xF7A, s2;
	p2 =	seq.s32 @!p0 s5, $0x0  }
0x1f: {  	s9 =	smul.u32 $0xF7A, s1;
	s8 =	simm.s32 @!p0 $0x1BF5;
	p2 =	por !p2, p0  }
0x20: {  	[sflag:s8] =	ssyncset.s32 @!p0 $0xFFFFF086;
	s6 =	sadd.s32 @!p0 s3, s7;
	s7 =	simm.s32 @!p0 $0x108  }
0x21: {  	s3 =	sadd.s32 s3, s9;
	s6 =	sadd.s32 @!p0 $0x88, s6;
	s7 =	simm.s32 @p2 $0x1082  }
0x22: {  	[simem:s7], [sflag:s8] =	dma.local @!p0 [hbm:s6], $0xF7A  }
0x23: {  	s9 =	sor.u32 $0xD0000000, s2;
	s6 =	simm.s32 $0x108;
	_ =	swait.ge @!p0 [sflag:s8], $0x0  }
0x24: {  	s3 =	sadd.s32 $0x88, s3;
	s6 =	simm.s32 @!p1 $0x1082;
	[sflag:s4] =	ssyncset.s32 $0xFFFFF086  }
0x25: {  	[simem:s6], [sflag:s4] =	dma.local [hbm:s3], $0xF7A  }
0x26: {  	[smem:$0x3F92] =	sst s1;
	(tag) =	ssettag s2;
	_ =	strace s9  }
0x27: {  	s1 =	sld [smem:$0x3FA2]  }
0x28: {  	s2 =	sld [smem:$0x3FA3]  }
0x29: {  	s4 =	sld [smem:$0x3FA5]  }
0x2a: {  	p0 =	seq.s32 s5, $0x0;
	s5 =	sld [smem:$0x3FA6]  }
0x2b: {  	s6 =	sld [smem:$0x3FA7]  }
0x2c: {  	s7 =	sld [smem:$0x3FA8]  }
0x2d: {  	s3 =	simm.s32 $0x108;
	s8 =	sld [smem:$0x3FA9]  }
0x2e: {  	s3 =	simm.s32 @!p0 $0x1082;
	s9 =	sld [smem:$0x3FAA]  }
0x2f: {  	lr =	sadd.s32 s0, s3;
	s0 =	sld [smem:$0x3FA1]  }
0x30: {  	s3 =	sld [smem:$0x3FA4]  }
0x31: {  	[smem:$0x3FAD] =	sst s10  }
0x32: {  	s10 =	sld [smem:$0x3FAB];
	_ =	sdelay $0x3  }
0x33: {  	p0 =	seq.s32 s10, $0x1;
	s10 =	sld [smem:$0x3FAD];
	_ =	sdelay $0x3  }
0x34: {  	[smem:$0x3FAD] =	sst s10  }
0x35: {  	s10 =	sld [smem:$0x3FAC];
	_ =	sdelay $0x3  }
0x36: {  	p1 =	seq.s32 s10, $0x1;
	s10 =	sld [smem:$0x3FAD];
	_ =	sdelay $0x3  }
0x37: {  	[smem:$0x3FAD] =	sst s10  }
0x38: {  	s10 =	sld [smem:$0x3FAE]  }
0x39: {  	_ = 	snop;
	(pc) =	sbr.ind lr, $3  }
0x3a: {  	_ = 	snop  }
0x3b: {  	_ = 	snop  }
0x3c: {  	p2 =	seq.s32 s10, $0x1;
	s10 =	sld [smem:$0x3FAD]  }
0x3d: {  	_ =	shalt  }
0x3e: {  	_ =	shalt  }
0x3f: {  	_ =	shalt  }
0x40: {  	_ =	shalt  }
0x41: {  	_ =	shalt  }
0x42: {  	_ =	shalt  }
0x43: {  	_ =	shalt  }
0x44: {  	_ =	shalt  }
0x45: {  	_ =	shalt  }
0x46: {  	_ =	shalt  }
0x47: {  	_ =	shalt  }
0x48: {  	_ =	shalt  }
0x49: {  	_ =	shalt  }
0x4a: {  	_ =	shalt  }
0x4b: {  	_ =	shalt  }
0x4c: {  	_ =	shalt  }
0x4d: {  	_ =	shalt  }
0x4e: {  	_ =	shalt  }
0x4f: {  	_ =	shalt  }
0x50: {  	_ =	shalt  }
0x51: {  	_ =	shalt  }
0x52: {  	_ =	shalt  }
0x53: {  	_ =	shalt  }
0x54: {  	_ =	shalt  }
0x55: {  	_ =	shalt  }
0x56: {  	_ =	shalt  }
0x57: {  	_ =	shalt  }
0x58: {  	_ =	shalt  }
0x59: {  	_ =	shalt  }
0x5a: {  	_ =	shalt  }
0x5b: {  	_ =	shalt  }
0x5c: {  	_ =	shalt  }
0x5d: {  	_ =	shalt  }
0x5e: {  	_ =	shalt  }
0x5f: {  	_ =	shalt  }
0x60: {  	_ =	shalt  }
0x61: {  	_ =	shalt  }
0x62: {  	_ =	shalt  }
0x63: {  	_ =	shalt  }
0x64: {  	_ =	shalt  }
0x65: {  	_ =	shalt  }
0x66: {  	_ =	shalt  }
0x67: {  	_ =	shalt  }
0x68: {  	_ =	shalt  }
0x69: {  	_ =	shalt  }
0x6a: {  	_ =	shalt  }
0x6b: {  	_ =	shalt  }
0x6c: {  	_ =	shalt  }
0x6d: {  	_ =	shalt  }
0x6e: {  	_ =	shalt  }
0x6f: {  	_ =	shalt  }
0x70: {  	_ =	shalt  }
0x71: {  	_ =	shalt  }
0x72: {  	_ =	shalt  }
0x73: {  	_ =	shalt  }
0x74: {  	_ =	shalt  }
0x75: {  	_ =	shalt  }
0x76: {  	_ =	shalt  }
0x77: {  	_ =	shalt  }
0x78: {  	_ =	shalt  }
0x79: {  	_ =	shalt  }
0x7a: {  	_ =	shalt  }
0x7b: {  	_ =	shalt  }
0x7c: {  	_ =	shalt  }
0x7d: {  	_ =	shalt  }
0x7e: {  	_ =	shalt  }
0x7f: {  	_ =	shalt  }
0x80: {  	_ =	shalt  }
0x81: {  	_ =	shalt  }
0x82: {  	_ =	shalt  }
0x83: {  	_ =	shalt  }
0x84: {  	_ =	shalt  }
0x85: {  	_ =	shalt  }
0x86: {  	_ =	shalt  }
0x87: {  	_ =	shalt  }
.Lfunc_end0:
.L_simem_size_0:
called_computation.1_lowered:
.L_overlay_start_0:
0x88: {  	s2 =	sld [smem:$0x3FD9]  }
0x89: {  	s3 =	sld [smem:$0x3FFE];
	_ =	sdelay $0x1  }
0x8a: {  	s1 =	srdreg.scid  }
0x8b: {  	s0 =	sand.u32 $0x1, s1  }
0x8c: {  	s15 =	sshll.u32 s0, $0xA;
	s2 =	sadd.s32 s3, s2  }
0x8d: {  	s2 =	sadd.s32 s2, s15  }
0x8e: {  	[smem:$0x3FB9] =	sst s2  }
0x8f: {  	_ = 	snop  }
0x90: {  	s2 =	sld [smem:$0x3FD0];
	_ =	sdelay $0x2  }
0x91: {  	s16 =	simm.s32 $0xB;
	s4 =	simm.s32 $0x10  }
0x92: {  	[smem:s4], [sflag:s16] =	dma.local [hbm:s2], $0x1  }
0x93: {  	_ =	swait.eq [sflag:s16], $0x1  }
0x94: {  	[sflag:s16] =	ssyncset.done $0x0  }
0x95: {  	[sflag:s16] =	ssyncadd.s32 $0xFFFFFFFF  }
0x96: {  	s17 =	sld [smem:$0x11];
	(tm) =	ssettm $0x1  }
0x97: {  	s18 =	sld [smem:$0x3FFB];
	_ =	sdelay $0x3  }
0x98: {  	_ =	strace s18  }
0x99: {  	s2 =	sld [smem:$0x3FFC];
	_ =	sdelay $0x3  }
0x9a: {  	_ =	strace s2  }
0x9b: {  	s2 =	sld [smem:$0x3FFD];
	_ =	sdelay $0x3  }
0x9c: {  	_ =	strace s2  }
0x9d: {  	_ =	strace $0x8FFFFFFF  }
0x9e: {  	s19 =	sld [smem:$0x3FDB];
	_ =	sdelay $0x1  }
0x9f: {  	s20 =	simm.s32 $_scs_section_size  }
0xa0: {  	s5 =	simm.s32 $_size__tile_overlayer_lowered;
	s6 =	simm.s32 $_tile_overlayer_lowered  }
0xa1: {  	s7 =	simm.s32 $0x1BFF;
	s21 =	sshll.u32 s6, $0x1;
	s4 =	sadd.s32 s20, s19  }
0xa2: {  	s22 =	simm.s32 $0x0;
	s5 =	sshll.u32 s5, $0x1;
	s6 =	sadd.s32 s21, s4  }
0xa3: {  	[timem:s22], [sflag:s7] =	dma.local [hbm:s6], s5  }
0xa4: {  	_ =	swait.ge [sflag:s7], s5  }
0xa5: {  	s5 =	ssub.s32 $0x0, s5;
	[sflag:s7] =	ssyncset.done $0x0  }
0xa6: {  	[sflag:s7] =	ssyncadd.s32 s5;
	_ =	sdelay $0x1  }
0xa7: {  	s23 =	simm.s32 $0x1B8B  }
0xa8: {  	_ =	swait.ge [sflag:s23], $0x1  }
0xa9: {  	[sflag:s23] =	ssyncset.done $0x0  }
0xaa: {  	[sflag:s23] =	ssyncadd.s32 $0xFFFFFFFF  }
0xab: {  	s5 =	sld [smem:$0x0]  }
0xac: {  	s6 =	sand.u32 $0xFFFFFFFE, s1  }
0xad: {  	p0 =	sne.s32 s1, s6  }
0xae: {  	s6 =	sshll.u32 @p0 s6, $0xE  }
0xaf: {  	s6 =	sadd.s32 @p0 $0x11B8D, s6;
	s7 =	sshll.u32 @p0 s5, $0x11  }
0xb0: {  	s6 =	sor.u32 @p0 s7, s6  }
0xb1: {  	[sflag:s6] =	ssyncadd.remote.s32 @p0 $0x1;
	_ =	sdelay $0x1  }
0xb2: {  	s6 =	simm.s32 @p0 $0x1B8D  }
0xb3: {  	_ =	swait.eq @p0 [sflag:s6], $0x1  }
0xb4: {  	[sflag:s6] =	ssyncadd.s32 @p0 $0xFFFFFFFF  }
0xb5: {  	s7 =	sshll.u32 @!p0 s1, $0xE  }
0xb6: {  	s7 =	sor.u32 @!p0 $0x4000, s7;
	s6 =	simm.s32 @!p0 $0x1B8D  }
0xb7: {  	s5 =	sshll.u32 @!p0 s5, $0x11;
	s7 =	sadd.s32 @!p0 $0x11B8D, s7;
	_ =	swait.eq @!p0 [sflag:s6], $0x1  }
0xb8: {  	s5 =	sor.u32 @!p0 s5, s7;
	[sflag:s6] =	ssyncadd.s32 @!p0 $0xFFFFFFFF  }
0xb9: {  	s25 =	simm.s32 $0x1B8E;
	s24 =	sld [smem:$0x3FFE];
	[sflag:s5] =	ssyncadd.remote.s32 @!p0 $0x1  }
0xba: {  	s26 =	simm.s32 $execute0_lowered;
	[smem:$0x3FD2] =	sst s25  }
0xbb: {  	s6 =	sshll.u32 s26, $0x1;
	_ =	strace $0x8000004C;
	[dreg:$0x1] =	wrdreg $0xFFFFFFFF  }
0xbc: {  	s28 =	simm.s32 $_size_execute0_lowered;
	s4 =	sadd.s32 s4, s6;
	[dreg:$0x0] =	wrdreg $0x0  }
0xbd: {  	s6 =	sshll.u32 s28, $0x1;
	[dreg:$0x2] =	wrdreg s4  }
0xbe: {  	[dreg:$0x3] =	wrdreg s6  }
0xbf: {  	[dreg:$0x4] =	wrdreg $0xC0  }
0xc0: {  	_ =	task [dreg:s22], $0x5FFFF  }
0xc1: {  	[dreg:$0x1] =	wrdreg $0xFFFFFFFF  }
0xc2: {  	[dreg:$0x0] =	wrdreg $0x60  }
0xc3: {  	[dreg:$0x2] =	wrdreg s17  }
0xc4: {  	[dreg:$0x3] =	wrdreg s24  }
0xc5: {  	[dreg:$0x4] =	wrdreg $0x9  }
0xc6: {  	_ =	task.clear_ibuf [dreg:s22], $0x5FFFF;
	_ =	strace $0x9000004C  }
0xc7: {  	s29 =	simm.s32 $0x9;
	_ =	strace $0x8000004E  }
0xc8: {  	_ =	swait.ge [sflag:s29], $0x1  }
0xc9: {  	[sflag:s29] =	ssyncadd.s32 $0xFFFFFFFF  }
0xca: {  	_ =	strace $0x9000004E  }
0xcb: {  	_ =	sfence  }
0xcc: {  	s30 =	sld [smem:$0x0];
	_ =	sdelay $0x2  }
0xcd: {  	s31 =	sshll.u32 s1, $0xD;
	s1 =	sshrl.u32 s1, $0x2  }
0xce: {  	s4 =	sand.u32 $0x4000, s31;
	s1 =	sadd.s32 s1, s30  }
0xcf: {  	s0 =	sor.u32 s4, s0;
	s1 =	sshll.u32 s1, $0x11  }
0xd0: {  	s0 =	sor.u32 s1, s0  }
0xd1: {  	s0 =	sadd.s32 $0x8F2B, s0  }
0xd2: {  	[sflag:s0] =	ssyncadd.remote.s32 $0x1  }
0xd3: {  	_ =	sfence.sel $0xFFFF  }
0xd4: {  	[dreg:$0x0] =	wrdreg $0xFFFFFFFF;
	(pc) =	sbr.abs _section_cstart, $3  }
0xd5: {  	[dreg:$0x1] =	wrdreg $0xFFFFFFFF  }
0xd6: {  	_ =	task.clear_ibuf [dreg:s22], $0x2FFFF;
	_ =	strace $0x9FFFFFFF  }
0xd7: {  	(tm) =	ssettm $0x7FFFFFFF  }
tec
execute0_lowered:
.L_overlay_start_1:
0x0: {  	(tag) =	ssettag $0x1  }
0x1: {  	s1 =	rddreg [dreg:$0x0]  }
0x2: {  	s0 =	rddreg [dreg:$0x1];
	s3 =	simm.s32 $0x0;
	s2 =	srdreg.scid  }
0x3: {  	s13 =	stileid.u32;
	s14 =	simm.s32 $0x5;
	s15 =	simm.s32 $0x80  }
0x4: {  	s16 =	simm.s32 $0x10080;
	s17 =	simm.s32 $0x4000;
	s18 =	simm.s32 $0x10100  }
0x5: {  	s19 =	simm.s32 $0x8000;
	s20 =	simm.s32 $0x10180;
	s21 =	simm.s32 $0xC000  }
0x6: {  	[smem:$0x7FF] =	sst s3;
	s2 =	sand.u32 $0x1, s2;
	s11 =	sadd.s32 $0x2E00, s0  }
0x7: {  	s5 =	sshll.u32 s13, $0x1;
	s0 =	sadd.s32 $0x27DC00, s0;
	s10 =	sshll.u32 s13, $0xD  }
0x8: {  	s13 =	sshll.u32 s13, $0x6;
	_ =	strace $0x8000004D;
	s4 =	ssub.s32 $0x2, s2  }
0x9: {  	s25 =	sor.u32 s2, s5;
	s29 =	sshll.u32 s2, $0xC;
	s2 =	sshll.u32 s2, $0x5  }
0xa: {  	s6 =	sshrl.u32 s4, $0x1;
	s9 =	sshll.u32 s25, $0x5;
	s24 =	sor.u32 $0x260, s25  }
0xb: {  	s8 =	sshll.u32 s25, $0xC;
	s2 =	sor.u32 s2, s13;
	s13 =	simm.s32 $0x10000  }
0xc: {  	p1 =	slt.u32 s25, $0x11;
	s22 =	ssub.s32 s4, s6;
	s23 =	sand.u32 $0x60, s9  }
0xd: {  	s4 =	sadd.s32 s11, s9;
	s7 =	sshll.u32 s24, $0x5;
	s26 =	sadd.s32 s8, s0  }
0xe: {  	s28 =	sshll.u32 s24, $0xC;
	s12 =	sor.u32 $0x400, s9;
	s9 =	sor.u32 $0x800, s9  }
0xf: {  	s2 =	sand.u32 $0x60, s2;
	p0 =	sgt.u32 s24, $0x270;
	s24 =	simm.s32 $0x2  }
0x10: {  	s6 =	sadd.s32 s11, s23;
	s7 =	sand.u32 $0x4F80, s7;
	s5 =	smax.u32 s22, $0x1  }
0x11: {  	s8 =	sadd.s32 s0, s28;
	s0 =	sadd.s32 s10, s0;
	s12 =	sand.u32 $0x780, s12  }
.Ltmp0:
0x12: {  	s30 =	sand.u32 $0xB80, s9;
	s22 =	simm.s32 $0x1;
	(pc) =	sbr.rel .LBB2_1-.Ltmp0, $4  }
0x13: {  	s23 =	simm.s32 $0x3;
	s6 =	sadd.s32 s7, s6;
	s7 =	sadd.s32 $0x240000, s26  }
0x14: {  	s12 =	sadd.s32 s12, s11;
	s9 =	sadd.s32 s29, s0;
	s31 =	sadd.s32 s30, s11  }
0x15: {  	s26 =	simm.s32 $0x0;
	[dreg:$0x3] =	wrdreg s6;
	s10 =	sadd.s32 s2, s12  }
0x16: {  	s11 =	sadd.s32 s2, s31;
	s12 =	sor.u32 $0xFFFFFFE0, s25;
	s25 =	simm.s32 $0x4  }
.LBB2_5:
0x17: {  	_ =	swait.ge [sflag:s22], $0x8000  }
0x18: {  	[sflag:s22] =	ssyncset.done $0x0  }
0x19: {  	s0 =	simm.s32 $0x3;
	[sflag:s22] =	ssyncadd.s32 $0xFFFF8000  }
0x1a: {  	[hbm4b:s7+s3] =	stream.linear.scatter [tilespmem:s3], [sflag:$0x3], $0x8000, $0x38;
	[tilespmem:$0x10200] =	vst v63  }
.LBB2_6:
0x1b: {  	_ =	swait.ge [sflag:s0], $0x8000  }
0x1c: {  	[sflag:s0] =	ssyncset.done $0x0  }
0x1d: {  	[sflag:s0] =	ssyncadd.s32 $0xFFFF8000  }
.LBB2_7:
0x1e: {  	s26 =	sadd.s32 $0x1, s26  }
0x1f: {  	p2 =	sne.s32 s26, s5  }
.Ltmp1:
0x20: {  	_ = 	snop;
	(pc) =	sbr.rel @!p2 .LBB2_8-.Ltmp1, $1  }
0x21: {  	_ =	sdelay $0x3  }
.LBB2_1:
0x22: {  	[tilespmem:s13], [sflag:$0x5] =	stream.linear.gather [hbm4b:s4+s3], $0x100, $0x38;
	[tilespmem:$0x10200] =	vst v63  }
0x23: {  	_ =	swait.ge [sflag:s14], $0x100  }
0x24: {  	p2 =	sgt.u32 s12, $0x270;
	[sflag:s14] =	ssyncset.done $0x0  }
0x25: {  	p2 =	por p2, p2;
	[sflag:s14] =	ssyncadd.s32 $0xFFFFFF00  }
0x26: {  	[tilespmem:s3], [sflag:$0x1] =	stream.indirect.gather [hbm4b:s1+s15], $0x80, s13, s15, $0xb8;
	[tilespmem:$0x10200] =	vst v63  }
0x27: {  	s0 =	simm.s32 @!p2 $0x4  }
0x28: {  	[tilespmem:s17], [sflag:$0x1] =	stream.indirect.gather [hbm4b:s1+s15], $0x80, s16, s15, $0xb8;
	[tilespmem:$0x10200] =	vst v63  }
0x29: {  	_ =	swait.ge @!p2 [sflag:s0], $0x8000  }
0x2a: {  	[sflag:s0] =	ssyncset.done @!p2 $0x0  }
0x2b: {  	[sflag:s0] =	ssyncadd.s32 @!p2 $0xFFFF8000  }
0x2c: {  	[tilespmem:s18], [sflag:$0x5] =	stream.linear.gather [hbm4b:s10+s3], $0x100, $0x38;
	[tilespmem:$0x10200] =	vst v63  }
0x2d: {  	_ =	swait.ge [sflag:s14], $0x100  }
0x2e: {  	[sflag:s14] =	ssyncset.done $0x0  }
0x2f: {  	[sflag:s14] =	ssyncadd.s32 $0xFFFFFF00  }
0x30: {  	[tilespmem:s19], [sflag:$0x2] =	stream.indirect.gather [hbm4b:s1+s15], $0x80, s18, s15, $0xb8;
	[tilespmem:$0x10200] =	vst v63  }
0x31: {  	_ = 	snop  }
0x32: {  	[tilespmem:s21], [sflag:$0x2] =	stream.indirect.gather [hbm4b:s1+s15], $0x80, s20, s15, $0xb8;
	[tilespmem:$0x10200] =	vst v63  }
0x33: {  	_ =	swait.ge [sflag:s22], $0x8000  }
0x34: {  	[sflag:s22] =	ssyncset.done $0x0  }
0x35: {  	s2 =	sadd.s32 $0x0, s9;
	[sflag:s22] =	ssyncadd.s32 $0xFFFF8000  }
0x36: {  	[hbm4b:s2+s3] =	stream.linear.scatter [tilespmem:s3], [sflag:$0x3], $0x8000, $0x38;
	[tilespmem:$0x10200] =	vst v63  }
0x37: {  	_ =	swait.ge [sflag:s23], $0x8000  }
0x38: {  	[sflag:s23] =	ssyncset.done $0x0  }
0x39: {  	[sflag:s23] =	ssyncadd.s32 $0xFFFF8000  }
0x3a: {  	[tilespmem:s13], [sflag:$0x5] =	stream.linear.gather [hbm4b:s11+s3], $0x100, $0x38;
	[tilespmem:$0x10200] =	vst v63  }
0x3b: {  	_ =	swait.ge [sflag:s14], $0x100  }
0x3c: {  	[sflag:s14] =	ssyncset.done $0x0  }
0x3d: {  	[sflag:s14] =	ssyncadd.s32 $0xFFFFFF00  }
0x3e: {  	[tilespmem:s3], [sflag:$0x1] =	stream.indirect.gather [hbm4b:s1+s15], $0x80, s13, s15, $0xb8;
	[tilespmem:$0x10200] =	vst v63  }
0x3f: {  	s6 =	sadd.s32 $0x40, s12;
	s28 =	simm.s32 $0x40000;
	s31 =	simm.s32 $0x80000  }
0x40: {  	[tilespmem:s17], [sflag:$0x1] =	stream.indirect.gather [hbm4b:s1+s15], $0x80, s16, s15, $0xb8;
	[tilespmem:$0x10200] =	vst v63  }
0x41: {  	s30 =	sadd.s32 $0x800, s10;
	p6 =	sgt.u32 s6, $0x270;
	_ =	swait.ge [sflag:s24], $0x8000  }
0x42: {  	s29 =	sadd.s32 $0x800, s11;
	p2 =	por p6, p6;
	[sflag:s24] =	ssyncset.done $0x0  }
0x43: {  	s0 =	sadd.s32 $0x40, s6;
	s2 =	sadd.s32 $0x20000, s2;
	[sflag:s24] =	ssyncadd.s32 $0xFFFF8000  }
.LBB2_2:
0x44: {  	[hbm4b:s2+s3] =	stream.linear.scatter [tilespmem:s19], [sflag:$0x4], $0x8000, $0x38;
	[tilespmem:$0x10200] =	vst v63  }
0x45: {  	s2 =	smov.u32 s31  }
0x46: {  	p4 =	sgt.u32 s0, $0x270;
	s31 =	sadd.s32 $0x40000, s31;
	s6 =	simm.s32 @!p2 $0x4  }
0x47: {  	p3 =	sne.s32 s31, $0x240000;
	_ =	swait.ge @!p2 [sflag:s6], $0x8000  }
0x48: {  	[sflag:s6] =	ssyncset.done @!p2 $0x0  }
0x49: {  	[sflag:s6] =	ssyncadd.s32 @!p2 $0xFFFF8000;
	p2 =	por p4, p4  }
0x4a: {  	[tilespmem:s18], [sflag:$0x5] =	stream.linear.gather [hbm4b:s30+s3], $0x100, $0x38;
	[tilespmem:$0x10200] =	vst v63  }
0x4b: {  	_ =	swait.ge [sflag:s14], $0x100  }
0x4c: {  	[sflag:s14] =	ssyncset.done $0x0  }
0x4d: {  	[sflag:s14] =	ssyncadd.s32 $0xFFFFFF00  }
0x4e: {  	[tilespmem:s19], [sflag:$0x2] =	stream.indirect.gather [hbm4b:s1+s15], $0x80, s18, s15, $0xb8;
	[tilespmem:$0x10200] =	vst v63  }
0x4f: {  	_ = 	snop  }
0x50: {  	[tilespmem:s21], [sflag:$0x2] =	stream.indirect.gather [hbm4b:s1+s15], $0x80, s20, s15, $0xb8;
	[tilespmem:$0x10200] =	vst v63  }
0x51: {  	_ =	swait.ge [sflag:s22], $0x8000  }
0x52: {  	[sflag:s22] =	ssyncset.done $0x0  }
0x53: {  	s6 =	sadd.s32 s28, s9;
	s28 =	smov.u32 s2;
	[sflag:s22] =	ssyncadd.s32 $0xFFFF8000  }
0x54: {  	[hbm4b:s6+s3] =	stream.linear.scatter [tilespmem:s3], [sflag:$0x3], $0x8000, $0x38;
	[tilespmem:$0x10200] =	vst v63  }
0x55: {  	_ =	swait.ge [sflag:s23], $0x8000  }
0x56: {  	[sflag:s23] =	ssyncset.done $0x0  }
0x57: {  	[sflag:s23] =	ssyncadd.s32 $0xFFFF8000  }
0x58: {  	[tilespmem:s13], [sflag:$0x5] =	stream.linear.gather [hbm4b:s29+s3], $0x100, $0x38;
	[tilespmem:$0x10200] =	vst v63  }
0x59: {  	_ =	swait.ge [sflag:s14], $0x100  }
0x5a: {  	[sflag:s14] =	ssyncset.done $0x0  }
0x5b: {  	[sflag:s14] =	ssyncadd.s32 $0xFFFFFF00  }
0x5c: {  	[tilespmem:s3], [sflag:$0x1] =	stream.indirect.gather [hbm4b:s1+s15], $0x80, s13, s15, $0xb8;
	[tilespmem:$0x10200] =	vst v63  }
.Ltmp2:
0x5d: {  	(pc) =	sbr.rel @p3 .LBB2_2-.Ltmp2, $4  }
0x5e: {  	[tilespmem:s17], [sflag:$0x1] =	stream.indirect.gather [hbm4b:s1+s15], $0x80, s16, s15, $0xb8;
	[tilespmem:$0x10200] =	vst v63  }
0x5f: {  	_ =	swait.ge [sflag:s24], $0x8000  }
0x60: {  	s30 =	sadd.s32 $0x800, s30;
	s29 =	sadd.s32 $0x800, s29;
	[sflag:s24] =	ssyncset.done $0x0  }
0x61: {  	s0 =	sadd.s32 $0x40, s0;
	s2 =	sadd.s32 $0x20000, s6;
	[sflag:s24] =	ssyncadd.s32 $0xFFFF8000  }
0x62: {  	[hbm4b:s2+s3] =	stream.linear.scatter [tilespmem:s19], [sflag:$0x4], $0x8000, $0x38;
	[tilespmem:$0x10200] =	vst v63  }
0x63: {  	s0 =	simm.s32 @!p2 $0x4  }
0x64: {  	_ =	swait.ge @!p2 [sflag:s0], $0x8000  }
0x65: {  	[sflag:s0] =	ssyncset.done @!p2 $0x0  }
0x66: {  	[sflag:s0] =	ssyncadd.s32 @!p2 $0xFFFF8000  }
0x67: {  	[tilespmem:s18], [sflag:$0x5] =	stream.linear.gather [hbm4b:s30+s3], $0x100, $0x38;
	[tilespmem:$0x10200] =	vst v63  }
0x68: {  	_ =	swait.ge [sflag:s14], $0x100  }
0x69: {  	[sflag:s14] =	ssyncset.done $0x0  }
0x6a: {  	[sflag:s14] =	ssyncadd.s32 $0xFFFFFF00  }
0x6b: {  	[tilespmem:s19], [sflag:$0x2] =	stream.indirect.gather [hbm4b:s1+s15], $0x80, s18, s15, $0xb8;
	[tilespmem:$0x10200] =	vst v63  }
0x6c: {  	_ = 	snop  }
0x6d: {  	[tilespmem:s21], [sflag:$0x2] =	stream.indirect.gather [hbm4b:s1+s15], $0x80, s20, s15, $0xb8;
	[tilespmem:$0x10200] =	vst v63  }
0x6e: {  	_ =	swait.ge [sflag:s22], $0x8000  }
0x6f: {  	[sflag:s22] =	ssyncset.done $0x0  }
0x70: {  	s31 =	sadd.s32 s28, s9;
	[sflag:s22] =	ssyncadd.s32 $0xFFFF8000  }
0x71: {  	[hbm4b:s31+s3] =	stream.linear.scatter [tilespmem:s3], [sflag:$0x3], $0x8000, $0x38;
	[tilespmem:$0x10200] =	vst v63  }
0x72: {  	_ =	swait.ge [sflag:s23], $0x8000  }
0x73: {  	[sflag:s23] =	ssyncset.done $0x0  }
0x74: {  	[sflag:s23] =	ssyncadd.s32 $0xFFFF8000  }
0x75: {  	[tilespmem:s13], [sflag:$0x5] =	stream.linear.gather [hbm4b:s29+s3], $0x100, $0x38;
	[tilespmem:$0x10200] =	vst v63  }
0x76: {  	_ =	swait.ge [sflag:s14], $0x100  }
0x77: {  	[sflag:s14] =	ssyncset.done $0x0  }
0x78: {  	[sflag:s14] =	ssyncadd.s32 $0xFFFFFF00  }
0x79: {  	[tilespmem:s3], [sflag:$0x1] =	stream.indirect.gather [hbm4b:s1+s15], $0x80, s13, s15, $0xb8;
	[tilespmem:$0x10200] =	vst v63  }
0x7a: {  	_ = 	snop  }
0x7b: {  	[tilespmem:s17], [sflag:$0x1] =	stream.indirect.gather [hbm4b:s1+s15], $0x80, s16, s15, $0xb8;
	[tilespmem:$0x10200] =	vst v63  }
0x7c: {  	_ =	swait.ge [sflag:s24], $0x8000  }
0x7d: {  	[sflag:s24] =	ssyncset.done $0x0  }
.Ltmp3:
0x7e: {  	s0 =	sadd.s32 $0x20000, s31;
	[sflag:s24] =	ssyncadd.s32 $0xFFFF8000;
	(pc) =	sbr.rel @p0 .LBB2_5-.Ltmp3, $4  }
0x7f: {  	[hbm4b:s0+s3] =	stream.linear.scatter [tilespmem:s19], [sflag:$0x4], $0x8000, $0x38;
	[tilespmem:$0x10200] =	vst v63  }
0x80: {  	_ =	swait.ge [sflag:s25], $0x8000  }
0x81: {  	[sflag:s25] =	ssyncset.done $0x0  }
0x82: {  	[sflag:s25] =	ssyncadd.s32 $0xFFFF8000  }
0x83: {  	s0 =	rddreg [dreg:$0x3]  }
0x84: {  	[tilespmem:s18], [sflag:$0x5] =	stream.linear.gather [hbm4b:s0+s3], $0x100, $0x38;
	[tilespmem:$0x10200] =	vst v63  }
0x85: {  	_ =	swait.ge [sflag:s14], $0x100  }
0x86: {  	[sflag:s14] =	ssyncset.done $0x0  }
0x87: {  	[sflag:s14] =	ssyncadd.s32 $0xFFFFFF00  }
0x88: {  	[tilespmem:s19], [sflag:$0x2] =	stream.indirect.gather [hbm4b:s1+s15], $0x80, s18, s15, $0xb8;
	[tilespmem:$0x10200] =	vst v63  }
0x89: {  	_ = 	snop  }
0x8a: {  	[tilespmem:s21], [sflag:$0x2] =	stream.indirect.gather [hbm4b:s1+s15], $0x80, s20, s15, $0xb8;
	[tilespmem:$0x10200] =	vst v63  }
0x8b: {  	_ =	swait.ge [sflag:s22], $0x8000  }
0x8c: {  	[sflag:s22] =	ssyncset.done $0x0  }
0x8d: {  	[sflag:s22] =	ssyncadd.s32 $0xFFFF8000  }
0x8e: {  	[hbm4b:s7+s3] =	stream.linear.scatter [tilespmem:s3], [sflag:$0x3], $0x8000, $0x38;
	[tilespmem:$0x10200] =	vst v63  }
0x8f: {  	_ =	swait.ge [sflag:s23], $0x8000  }
0x90: {  	[sflag:s23] =	ssyncset.done $0x0  }
.Ltmp4:
0x91: {  	[sflag:s23] =	ssyncadd.s32 $0xFFFF8000;
	(pc) =	sbr.rel @p1 .LBB2_6-.Ltmp4, $4  }
.Ltmp5:
0x92: {  	_ =	swait.ge [sflag:s24], $0x8000;
	(pc) =	sbr.rel @!p1 .LBB2_7-.Ltmp5, $4  }
0x93: {  	[sflag:s24] =	ssyncset.done $0x0  }
0x94: {  	s0 =	simm.s32 $0x4;
	[sflag:s24] =	ssyncadd.s32 $0xFFFF8000  }
0x95: {  	[hbm4b:s8+s3] =	stream.linear.scatter [tilespmem:s19], [sflag:$0x4], $0x8000, $0x38;
	[tilespmem:$0x10200] =	vst v63  }
0x96: {  	_ = 	snop  }
.LBB2_8:
0x97: {  	_ =	sfence.sel $0x180000  }
0x98: {  	[bflag:$0x0] =	sbarrier.arrive $0xFFFF  }
0x99: {  	_ =	strace $0x9000004D  }
0x9a: {  	s0 =	stileid.u32;
	[bflag:$0x2] =	sbarrier.arrive $0xFFFF  }
0x9b: {  	p0 =	sne.s32 s0, $0x0;
	s0 =	rddreg [dreg:$0x2]  }
0x9c: {  	s0 =	sadd.s32 @!p0 $0x100000, s0  }
0x9d: {  	[sflag:s0] =	ssyncadd.tile.s32 @!p0 $0x1;
	_ =	shalt  }
.Lfunc_end2:
_tile_overlayer_lowered:
.L_overlay_start_2:
0x9e: {  	(tag) =	ssettag $0x2  }
0x9f: {  	s0 =	rddreg [dreg:$0x0];
	s2 =	stileid.u32  }
0xa0: {  	s1 =	rddreg [dreg:$0x1];
	p0 =	sne.s32 s2, $0x0  }
0xa1: {  	s3 =	rddreg [dreg:$0x2];
	[bflag:$0x3] =	sbarrier.arrive $0xFFFF;
	s2 =	simm.s32 @!p0 $0x1C05  }
0xa2: {  	[timem:s3], [sflag:s2] =	dma.local @!p0 [hbm:s0], s1  }
0xa3: {  	s0 =	simm.s32 @!p0 $0x5  }
0xa4: {  	_ =	swait.ge @!p0 [sflag:s0], s1  }
0xa5: {  	s1 =	ssub.s32 @!p0 $0x0, s1;
	[sflag:s0] =	ssyncset.done @!p0 $0x0  }
0xa6: {  	[sflag:s0] =	ssyncadd.s32 @!p0 s1  }
0xa7: {  	[bflag:$0x3] =	sbarrier.arrive $0xFFFF  }
0xa8: {  	_ =	shalt  }

// kernel: kernel.13.cloned.1.call-start
scs
__scs_entry_jumppad:
0x0: {  	(pc) =	sbr.rel $0x88, $3  }
0x1: {  	(tag) =	ssettag $0x0;
	lr =	simm.s32 $0x1  }
0x2: {  	[smem:$0x3F92] =	sst lr;
	_ =	strace $0xD0000000  }
0x3: {  	_ = 	snop  }
0x4: {  	_ = 	snop  }
0x5: {  	_ = 	snop  }
0x6: {  	_ = 	snop  }
0x7: {  	_ = 	snop  }
__scs_overlays_trampoline_lowered:
0x8: {  	[smem:$0x3FA1] =	sst s0  }
0x9: {  	[smem:$0x3FA2] =	sst s1  }
0xa: {  	[smem:$0x3FA3] =	sst s2  }
0xb: {  	[smem:$0x3FA4] =	sst s3  }
0xc: {  	[smem:$0x3FA5] =	sst s4  }
0xd: {  	[smem:$0x3FA6] =	sst s5  }
0xe: {  	[smem:$0x3FA7] =	sst s6  }
0xf: {  	[smem:$0x3FA8] =	sst s7  }
0x10: {  	[smem:$0x3FA9] =	sst s8  }
0x11: {  	[smem:$0x3FAA] =	sst s9;
	s0 =	simm.s32 @!p0 $0x0  }
0x12: {  	s1 =	sld [smem:$0x3F90];
	s0 =	simm.s32 @p0 $0x1  }
0x13: {  	[smem:$0x3FAB] =	sst s0;
	s0 =	simm.s32 @!p1 $0x0  }
0x14: {  	s2 =	sld [smem:$0x3F8F];
	s0 =	simm.s32 @p1 $0x1  }
0x15: {  	[smem:$0x3FAC] =	sst s0;
	s0 =	simm.s32 @!p2 $0x0  }
0x16: {  	s3 =	sld [smem:$0x3FDB];
	s0 =	simm.s32 @p2 $0x1  }
0x17: {  	s4 =	simm.s32 $0x1BF5;
	[smem:$0x3FAE] =	sst s0  }
0x18: {  	s0 =	sld [smem:$0x3F91];
	_ =	swait.ge [sflag:s4], $0x0  }
0x19: {  	s7 =	sld [smem:$0x3F92]  }
0x1a: {  	s8 =	sadd.s32 $0xFFFFE003, lr  }
0x1b: {  	s9 =	sadd.s32 $0xFFFFFEF7, lr;
	s5 =	simm.s32 $0xFFFFFFFF;
	p2 =	slt.u32 s8, $0xFFFFF086  }
0x1c: {  	p1 =	slt.u32 s9, $0xF7A;
	s5 =	simm.s32 @!p2 $0x0  }
0x1d: {  	s5 =	simm.s32 @p1 $0x1;
	p0 =	seq.s32 s7, s2  }
0x1e: {  	s7 =	smul.u32 @!p0 $0xF7A, s2;
	p2 =	seq.s32 @!p0 s5, $0x0  }
0x1f: {  	s9 =	smul.u32 $0xF7A, s1;
	s8 =	simm.s32 @!p0 $0x1BF5;
	p2 =	por !p2, p0  }
0x20: {  	[sflag:s8] =	ssyncset.s32 @!p0 $0xFFFFF086;
	s6 =	sadd.s32 @!p0 s3, s7;
	s7 =	simm.s32 @!p0 $0x108  }
0x21: {  	s3 =	sadd.s32 s3, s9;
	s6 =	sadd.s32 @!p0 $0x88, s6;
	s7 =	simm.s32 @p2 $0x1082  }
0x22: {  	[simem:s7], [sflag:s8] =	dma.local @!p0 [hbm:s6], $0xF7A  }
0x23: {  	s9 =	sor.u32 $0xD0000000, s2;
	s6 =	simm.s32 $0x108;
	_ =	swait.ge @!p0 [sflag:s8], $0x0  }
0x24: {  	s3 =	sadd.s32 $0x88, s3;
	s6 =	simm.s32 @!p1 $0x1082;
	[sflag:s4] =	ssyncset.s32 $0xFFFFF086  }
0x25: {  	[simem:s6], [sflag:s4] =	dma.local [hbm:s3], $0xF7A  }
0x26: {  	[smem:$0x3F92] =	sst s1;
	(tag) =	ssettag s2;
	_ =	strace s9  }
0x27: {  	s1 =	sld [smem:$0x3FA2]  }
0x28: {  	s2 =	sld [smem:$0x3FA3]  }
0x29: {  	s4 =	sld [smem:$0x3FA5]  }
0x2a: {  	p0 =	seq.s32 s5, $0x0;
	s5 =	sld [smem:$0x3FA6]  }
0x2b: {  	s6 =	sld [smem:$0x3FA7]  }
0x2c: {  	s7 =	sld [smem:$0x3FA8]  }
0x2d: {  	s3 =	simm.s32 $0x108;
	s8 =	sld [smem:$0x3FA9]  }
0x2e: {  	s3 =	simm.s32 @!p0 $0x1082;
	s9 =	sld [smem:$0x3FAA]  }
0x2f: {  	lr =	sadd.s32 s0, s3;
	s0 =	sld [smem:$0x3FA1]  }
0x30: {  	s3 =	sld [smem:$0x3FA4]  }
0x31: {  	[smem:$0x3FAD] =	sst s10  }
0x32: {  	s10 =	sld [smem:$0x3FAB];
	_ =	sdelay $0x3  }
0x33: {  	p0 =	seq.s32 s10, $0x1;
	s10 =	sld [smem:$0x3FAD];
	_ =	sdelay $0x3  }
0x34: {  	[smem:$0x3FAD] =	sst s10  }
0x35: {  	s10 =	sld [smem:$0x3FAC];
	_ =	sdelay $0x3  }
0x36: {  	p1 =	seq.s32 s10, $0x1;
	s10 =	sld [smem:$0x3FAD];
	_ =	sdelay $0x3  }
0x37: {  	[smem:$0x3FAD] =	sst s10  }
0x38: {  	s10 =	sld [smem:$0x3FAE]  }
0x39: {  	_ = 	snop;
	(pc) =	sbr.ind lr, $3  }
0x3a: {  	_ = 	snop  }
0x3b: {  	_ = 	snop  }
0x3c: {  	p2 =	seq.s32 s10, $0x1;
	s10 =	sld [smem:$0x3FAD]  }
0x3d: {  	_ =	shalt  }
0x3e: {  	_ =	shalt  }
0x3f: {  	_ =	shalt  }
0x40: {  	_ =	shalt  }
0x41: {  	_ =	shalt  }
0x42: {  	_ =	shalt  }
0x43: {  	_ =	shalt  }
0x44: {  	_ =	shalt  }
0x45: {  	_ =	shalt  }
0x46: {  	_ =	shalt  }
0x47: {  	_ =	shalt  }
0x48: {  	_ =	shalt  }
0x49: {  	_ =	shalt  }
0x4a: {  	_ =	shalt  }
0x4b: {  	_ =	shalt  }
0x4c: {  	_ =	shalt  }
0x4d: {  	_ =	shalt  }
0x4e: {  	_ =	shalt  }
0x4f: {  	_ =	shalt  }
0x50: {  	_ =	shalt  }
0x51: {  	_ =	shalt  }
0x52: {  	_ =	shalt  }
0x53: {  	_ =	shalt  }
0x54: {  	_ =	shalt  }
0x55: {  	_ =	shalt  }
0x56: {  	_ =	shalt  }
0x57: {  	_ =	shalt  }
0x58: {  	_ =	shalt  }
0x59: {  	_ =	shalt  }
0x5a: {  	_ =	shalt  }
0x5b: {  	_ =	shalt  }
0x5c: {  	_ =	shalt  }
0x5d: {  	_ =	shalt  }
0x5e: {  	_ =	shalt  }
0x5f: {  	_ =	shalt  }
0x60: {  	_ =	shalt  }
0x61: {  	_ =	shalt  }
0x62: {  	_ =	shalt  }
0x63: {  	_ =	shalt  }
0x64: {  	_ =	shalt  }
0x65: {  	_ =	shalt  }
0x66: {  	_ =	shalt  }
0x67: {  	_ =	shalt  }
0x68: {  	_ =	shalt  }
0x69: {  	_ =	shalt  }
0x6a: {  	_ =	shalt  }
0x6b: {  	_ =	shalt  }
0x6c: {  	_ =	shalt  }
0x6d: {  	_ =	shalt  }
0x6e: {  	_ =	shalt  }
0x6f: {  	_ =	shalt  }
0x70: {  	_ =	shalt  }
0x71: {  	_ =	shalt  }
0x72: {  	_ =	shalt  }
0x73: {  	_ =	shalt  }
0x74: {  	_ =	shalt  }
0x75: {  	_ =	shalt  }
0x76: {  	_ =	shalt  }
0x77: {  	_ =	shalt  }
0x78: {  	_ =	shalt  }
0x79: {  	_ =	shalt  }
0x7a: {  	_ =	shalt  }
0x7b: {  	_ =	shalt  }
0x7c: {  	_ =	shalt  }
0x7d: {  	_ =	shalt  }
0x7e: {  	_ =	shalt  }
0x7f: {  	_ =	shalt  }
0x80: {  	_ =	shalt  }
0x81: {  	_ =	shalt  }
0x82: {  	_ =	shalt  }
0x83: {  	_ =	shalt  }
0x84: {  	_ =	shalt  }
0x85: {  	_ =	shalt  }
0x86: {  	_ =	shalt  }
0x87: {  	_ =	shalt  }
.Lfunc_end0:
.L_simem_size_0:
called_computation.2_lowered:
.L_overlay_start_0:
0x88: {  	s2 =	sld [smem:$0x3FD9]  }
0x89: {  	s3 =	sld [smem:$0x3FFE];
	_ =	sdelay $0x1  }
0x8a: {  	s1 =	srdreg.scid  }
0x8b: {  	s0 =	sand.u32 $0x1, s1  }
0x8c: {  	s14 =	sshll.u32 s0, $0xA;
	s2 =	sadd.s32 s3, s2  }
0x8d: {  	s2 =	sadd.s32 s2, s14  }
0x8e: {  	[smem:$0x3FB9] =	sst s2  }
0x8f: {  	_ = 	snop  }
0x90: {  	s2 =	sld [smem:$0x3FD0];
	_ =	sdelay $0x2  }
0x91: {  	s15 =	simm.s32 $0xB;
	s4 =	simm.s32 $0x10  }
0x92: {  	[smem:s4], [sflag:s15] =	dma.local [hbm:s2], $0x1  }
0x93: {  	_ =	swait.eq [sflag:s15], $0x1  }
0x94: {  	[sflag:s15] =	ssyncset.done $0x0  }
0x95: {  	[sflag:s15] =	ssyncadd.s32 $0xFFFFFFFF  }
0x96: {  	s16 =	sld [smem:$0x11];
	(tm) =	ssettm $0x1  }
0x97: {  	s17 =	sld [smem:$0x3FFB];
	_ =	sdelay $0x3  }
0x98: {  	_ =	strace s17  }
0x99: {  	s3 =	sld [smem:$0x3FFC];
	_ =	sdelay $0x3  }
0x9a: {  	_ =	strace s3  }
0x9b: {  	s3 =	sld [smem:$0x3FFD];
	_ =	sdelay $0x3  }
0x9c: {  	_ =	strace s3  }
0x9d: {  	_ =	strace $0x8FFFFFFF  }
0x9e: {  	s18 =	sld [smem:$0x3FDB];
	_ =	sdelay $0x1  }
0x9f: {  	s19 =	simm.s32 $_scs_section_size  }
0xa0: {  	s5 =	simm.s32 $_size__tile_overlayer_lowered;
	s6 =	simm.s32 $_tile_overlayer_lowered  }
0xa1: {  	s22 =	simm.s32 $0x1BFF;
	s21 =	sshll.u32 s6, $0x1;
	s3 =	sadd.s32 s19, s18  }
0xa2: {  	s7 =	simm.s32 $0x0;
	s20 =	sshll.u32 s5, $0x1;
	s5 =	sadd.s32 s21, s3  }
0xa3: {  	[timem:s7], [sflag:s22] =	dma.local [hbm:s5], s20  }
0xa4: {  	_ =	swait.ge [sflag:s22], s20  }
0xa5: {  	s4 =	ssub.s32 $0x0, s20;
	[sflag:s22] =	ssyncset.done $0x0  }
0xa6: {  	[sflag:s22] =	ssyncadd.s32 s4;
	_ =	sdelay $0x1  }
0xa7: {  	s23 =	simm.s32 $0x1B8B  }
0xa8: {  	_ =	swait.ge [sflag:s23], $0x1  }
0xa9: {  	[sflag:s23] =	ssyncset.done $0x0  }
0xaa: {  	s25 =	simm.s32 $0x1B8E;
	s24 =	sld [smem:$0x3FFE];
	[sflag:s23] =	ssyncadd.s32 $0xFFFFFFFF  }
0xab: {  	s26 =	simm.s32 $execute0_lowered;
	[smem:$0x3FD2] =	sst s25  }
0xac: {  	s5 =	sshll.u32 s26, $0x1;
	_ =	strace $0x80000049;
	[dreg:$0x1] =	wrdreg $0xFFFFFFFF  }
0xad: {  	s28 =	simm.s32 $_size_execute0_lowered;
	s3 =	sadd.s32 s3, s5;
	[dreg:$0x0] =	wrdreg $0x0  }
0xae: {  	s5 =	sshll.u32 s28, $0x1;
	[dreg:$0x2] =	wrdreg s3  }
0xaf: {  	[dreg:$0x3] =	wrdreg s5  }
0xb0: {  	[dreg:$0x4] =	wrdreg $0xC0  }
0xb1: {  	_ =	task [dreg:s7], $0x5FFFF  }
0xb2: {  	[dreg:$0x1] =	wrdreg $0xFFFFFFFF  }
0xb3: {  	[dreg:$0x0] =	wrdreg $0x60  }
0xb4: {  	[dreg:$0x2] =	wrdreg s16  }
0xb5: {  	[dreg:$0x3] =	wrdreg s24  }
0xb6: {  	[dreg:$0x4] =	wrdreg $0xA  }
0xb7: {  	_ =	task.clear_ibuf [dreg:s7], $0x5FFFF;
	_ =	strace $0x90000049  }
0xb8: {  	s29 =	simm.s32 $0xA;
	_ =	strace $0x8000004B  }
0xb9: {  	_ =	swait.ge [sflag:s29], $0x1  }
0xba: {  	[sflag:s29] =	ssyncadd.s32 $0xFFFFFFFF  }
0xbb: {  	_ =	strace $0x9000004B  }
0xbc: {  	_ =	sfence  }
0xbd: {  	s30 =	sld [smem:$0x0];
	_ =	sdelay $0x2  }
0xbe: {  	s31 =	sshll.u32 s1, $0xD;
	s1 =	sshrl.u32 s1, $0x2  }
0xbf: {  	s3 =	sand.u32 $0x4000, s31;
	s1 =	sadd.s32 s1, s30  }
0xc0: {  	s0 =	sor.u32 s3, s0;
	s1 =	sshll.u32 s1, $0x11  }
0xc1: {  	s0 =	sor.u32 s1, s0  }
0xc2: {  	s0 =	sadd.s32 $0x8F2B, s0  }
0xc3: {  	[sflag:s0] =	ssyncadd.remote.s32 $0x1  }
0xc4: {  	_ =	sfence.sel $0xFFFF  }
0xc5: {  	[dreg:$0x0] =	wrdreg $0xFFFFFFFF;
	(pc) =	sbr.abs _section_cstart, $3  }
0xc6: {  	[dreg:$0x1] =	wrdreg $0xFFFFFFFF  }
0xc7: {  	_ =	task.clear_ibuf [dreg:s7], $0x2FFFF;
	_ =	strace $0x9FFFFFFF  }
0xc8: {  	(tm) =	ssettm $0x7FFFFFFF  }
0xc9: {  	_ =	shalt  }
tec
execute0_lowered:
.L_overlay_start_1:
0x0: {  	(tag) =	ssettag $0x1  }
0x1: {  	s1 =	rddreg [dreg:$0x0]  }
0x2: {  	s4 =	rddreg [dreg:$0x1]  }
0x3: {  	s3 =	simm.s32 $0x0;
	s5 =	srdreg.scid;
	s2 =	stileid.u32  }
0x4: {  	s15 =	simm.s32 $0x10080;
	s16 =	simm.s32 $0x4000;
	s17 =	simm.s32 $0x10100  }
0x5: {  	s18 =	simm.s32 $0x8000;
	s19 =	simm.s32 $0x10180;
	s20 =	simm.s32 $0xC000  }
0x6: {  	s21 =	simm.s32 $0x1;
	s22 =	simm.s32 $0x3;
	s23 =	simm.s32 $0x2  }
0x7: {  	[smem:$0x7FF] =	sst s3;
	s8 =	sand.u32 $0x1, s5;
	s24 =	sshll.u32 s2, $0x6  }
0x8: {  	s7 =	sshll.u32 s2, $0x1;
	s9 =	sadd.s32 $0xCC00, s4;
	s28 =	sadd.s32 $0x7C20, s4  }
0x9: {  	s12 =	sshll.u32 s2, $0xD;
	_ =	strace $0x8000004A;
	s6 =	ssub.s32 $0x2, s8  }
0xa: {  	s10 =	sadd.s32 s24, s4;
	s12 =	sadd.s32 s12, s9;
	s14 =	sshll.u32 s8, $0x5  }
0xb: {  	s13 =	sshll.u32 s8, $0xC;
	s25 =	sshrl.u32 s6, $0x1;
	s10 =	sadd.s32 s14, s10  }
0xc: {  	s14 =	simm.s32 $0x80;
	s5 =	ssub.s32 s6, s25;
	s25 =	sor.u32 s8, s7  }
0xd: {  	s10 =	sadd.s32 $0x8020, s10;
	s26 =	sshll.u32 s25, $0x5;
	s24 =	sor.u32 $0x260, s25  }
0xe: {  	s11 =	sshll.u32 s25, $0xC;
	s5 =	smax.u32 s5, $0x1;
	p1 =	slt.u32 s25, $0x11  }
.Ltmp0:
0xf: {  	s4 =	sadd.s32 s26, s28;
	s29 =	sshll.u32 s24, $0x5;
	(pc) =	sbr.rel .LBB2_1-.Ltmp0, $4  }
0x10: {  	s30 =	sadd.s32 s11, s9;
	s31 =	sshll.u32 s24, $0xC;
	s11 =	sor.u32 $0xFFFFFFE0, s25  }
0x11: {  	p0 =	sgt.u32 s24, $0x270;
	s24 =	simm.s32 $0x4;
	s25 =	simm.s32 $0x0  }
0x12: {  	s6 =	sadd.s32 s29, s28;
	s7 =	sadd.s32 $0x240000, s30;
	s8 =	sadd.s32 s9, s31  }
0x13: {  	s9 =	sadd.s32 s13, s12;
	s12 =	simm.s32 $0x10000;
	s13 =	simm.s32 $0x5  }
.LBB2_5:
0x14: {  	_ =	swait.ge [sflag:s21], $0x8000  }
0x15: {  	[sflag:s21] =	ssyncset.done $0x0  }
0x16: {  	s26 =	simm.s32 $0x3;
	[sflag:s21] =	ssyncadd.s32 $0xFFFF8000  }
0x17: {  	[hbm4b:s7+s3] =	stream.linear.scatter [tilespmem:s3], [sflag:$0x3], $0x8000, $0x38;
	[tilespmem:$0x10200] =	vst v63  }
.LBB2_6:
0x18: {  	_ =	swait.ge [sflag:s26], $0x8000  }
0x19: {  	[sflag:s26] =	ssyncset.done $0x0  }
0x1a: {  	[sflag:s26] =	ssyncadd.s32 $0xFFFF8000  }
.LBB2_7:
0x1b: {  	s25 =	sadd.s32 $0x1, s25  }
0x1c: {  	p2 =	sne.s32 s25, s5  }
.Ltmp1:
0x1d: {  	_ = 	snop;
	(pc) =	sbr.rel @!p2 .LBB2_8-.Ltmp1, $1  }
0x1e: {  	_ =	sdelay $0x3  }
.LBB2_1:
0x1f: {  	[tilespmem:s12], [sflag:$0x5] =	stream.linear.gather [hbm4b:s4+s3], $0x100, $0x38;
	[tilespmem:$0x10200] =	vst v63  }
0x20: {  	_ =	swait.ge [sflag:s13], $0x100  }
0x21: {  	p2 =	sgt.u32 s11, $0x270;
	[sflag:s13] =	ssyncset.done $0x0  }
0x22: {  	p2 =	por p2, p2;
	[sflag:s13] =	ssyncadd.s32 $0xFFFFFF00  }
0x23: {  	[tilespmem:s3], [sflag:$0x1] =	stream.indirect.gather [hbm4b:s1+s14], $0x80, s12, s14, $0xb8;
	[tilespmem:$0x10200] =	vst v63  }
0x24: {  	s26 =	simm.s32 @!p2 $0x4  }
0x25: {  	[tilespmem:s16], [sflag:$0x1] =	stream.indirect.gather [hbm4b:s1+s14], $0x80, s15, s14, $0xb8;
	[tilespmem:$0x10200] =	vst v63  }
0x26: {  	_ =	swait.ge @!p2 [sflag:s26], $0x8000  }
0x27: {  	[sflag:s26] =	ssyncset.done @!p2 $0x0  }
0x28: {  	[sflag:s26] =	ssyncadd.s32 @!p2 $0xFFFF8000  }
0x29: {  	[tilespmem:s17], [sflag:$0x5] =	stream.linear.gather [hbm4b:s10+s3], $0x100, $0x38;
	[tilespmem:$0x10200] =	vst v63  }
0x2a: {  	_ =	swait.ge [sflag:s13], $0x100  }
0x2b: {  	[sflag:s13] =	ssyncset.done $0x0  }
0x2c: {  	[sflag:s13] =	ssyncadd.s32 $0xFFFFFF00  }
0x2d: {  	[tilespmem:s18], [sflag:$0x2] =	stream.indirect.gather [hbm4b:s1+s14], $0x80, s17, s14, $0xb8;
	[tilespmem:$0x10200] =	vst v63  }
0x2e: {  	_ = 	snop  }
0x2f: {  	[tilespmem:s20], [sflag:$0x2] =	stream.indirect.gather [hbm4b:s1+s14], $0x80, s19, s14, $0xb8;
	[tilespmem:$0x10200] =	vst v63  }
0x30: {  	_ =	swait.ge [sflag:s21], $0x8000  }
0x31: {  	[sflag:s21] =	ssyncset.done $0x0  }
0x32: {  	s31 =	sadd.s32 $0x0, s9;
	[sflag:s21] =	ssyncadd.s32 $0xFFFF8000  }
0x33: {  	[hbm4b:s31+s3] =	stream.linear.scatter [tilespmem:s3], [sflag:$0x3], $0x8000, $0x38;
	[tilespmem:$0x10200] =	vst v63  }
0x34: {  	_ =	swait.ge [sflag:s22], $0x8000  }
0x35: {  	[sflag:s22] =	ssyncset.done $0x0  }
0x36: {  	s0 =	sadd.s32 $0x400, s10;
	[sflag:s22] =	ssyncadd.s32 $0xFFFF8000  }
0x37: {  	[tilespmem:s12], [sflag:$0x5] =	stream.linear.gather [hbm4b:s0+s3], $0x100, $0x38;
	[tilespmem:$0x10200] =	vst v63  }
0x38: {  	_ =	swait.ge [sflag:s13], $0x100  }
0x39: {  	[sflag:s13] =	ssyncset.done $0x0  }
0x3a: {  	[sflag:s13] =	ssyncadd.s32 $0xFFFFFF00  }
0x3b: {  	[tilespmem:s3], [sflag:$0x1] =	stream.indirect.gather [hbm4b:s1+s14], $0x80, s12, s14, $0xb8;
	[tilespmem:$0x10200] =	vst v63  }
0x3c: {  	s30 =	sadd.s32 $0x40, s11;
	s29 =	simm.s32 $0x80000  }
0x3d: {  	[tilespmem:s16], [sflag:$0x1] =	stream.indirect.gather [hbm4b:s1+s14], $0x80, s15, s14, $0xb8;
	[tilespmem:$0x10200] =	vst v63  }
0x3e: {  	s28 =	sadd.s32 $0x800, s10;
	p6 =	sgt.u32 s30, $0x270;
	_ =	swait.ge [sflag:s23], $0x8000  }
0x3f: {  	s30 =	sadd.s32 $0x40, s30;
	s26 =	simm.s32 $0x40000;
	[sflag:s23] =	ssyncset.done $0x0  }
0x40: {  	p2 =	por p6, p6;
	s31 =	sadd.s32 $0x20000, s31;
	[sflag:s23] =	ssyncadd.s32 $0xFFFF8000  }
.LBB2_2:
0x41: {  	[hbm4b:s31+s3] =	stream.linear.scatter [tilespmem:s18], [sflag:$0x4], $0x8000, $0x38;
	[tilespmem:$0x10200] =	vst v63  }
0x42: {  	s31 =	smov.u32 s29  }
0x43: {  	p4 =	sgt.u32 s30, $0x270;
	s29 =	sadd.s32 $0x40000, s29;
	s0 =	simm.s32 @!p2 $0x4  }
0x44: {  	p3 =	sne.s32 s29, $0x240000;
	_ =	swait.ge @!p2 [sflag:s0], $0x8000  }
0x45: {  	[sflag:s0] =	ssyncset.done @!p2 $0x0  }
0x46: {  	[sflag:s0] =	ssyncadd.s32 @!p2 $0xFFFF8000;
	p2 =	por p4, p4  }
0x47: {  	[tilespmem:s17], [sflag:$0x5] =	stream.linear.gather [hbm4b:s28+s3], $0x100, $0x38;
	[tilespmem:$0x10200] =	vst v63  }
0x48: {  	_ =	swait.ge [sflag:s13], $0x100  }
0x49: {  	[sflag:s13] =	ssyncset.done $0x0  }
0x4a: {  	[sflag:s13] =	ssyncadd.s32 $0xFFFFFF00  }
0x4b: {  	[tilespmem:s18], [sflag:$0x2] =	stream.indirect.gather [hbm4b:s1+s14], $0x80, s17, s14, $0xb8;
	[tilespmem:$0x10200] =	vst v63  }
0x4c: {  	_ = 	snop  }
0x4d: {  	[tilespmem:s20], [sflag:$0x2] =	stream.indirect.gather [hbm4b:s1+s14], $0x80, s19, s14, $0xb8;
	[tilespmem:$0x10200] =	vst v63  }
0x4e: {  	_ =	swait.ge [sflag:s21], $0x8000  }
0x4f: {  	[sflag:s21] =	ssyncset.done $0x0  }
0x50: {  	s0 =	sadd.s32 s26, s9;
	s26 =	smov.u32 s31;
	[sflag:s21] =	ssyncadd.s32 $0xFFFF8000  }
0x51: {  	[hbm4b:s0+s3] =	stream.linear.scatter [tilespmem:s3], [sflag:$0x3], $0x8000, $0x38;
	[tilespmem:$0x10200] =	vst v63  }
0x52: {  	_ =	swait.ge [sflag:s22], $0x8000  }
0x53: {  	[sflag:s22] =	ssyncset.done $0x0  }
0x54: {  	s31 =	sadd.s32 $0x400, s28;
	[sflag:s22] =	ssyncadd.s32 $0xFFFF8000  }
0x55: {  	[tilespmem:s12], [sflag:$0x5] =	stream.linear.gather [hbm4b:s31+s3], $0x100, $0x38;
	[tilespmem:$0x10200] =	vst v63  }
0x56: {  	_ =	swait.ge [sflag:s13], $0x100  }
0x57: {  	[sflag:s13] =	ssyncset.done $0x0  }
0x58: {  	[sflag:s13] =	ssyncadd.s32 $0xFFFFFF00  }
0x59: {  	[tilespmem:s3], [sflag:$0x1] =	stream.indirect.gather [hbm4b:s1+s14], $0x80, s12, s14, $0xb8;
	[tilespmem:$0x10200] =	vst v63  }
.Ltmp2:
0x5a: {  	(pc) =	sbr.rel @p3 .LBB2_2-.Ltmp2, $4  }
0x5b: {  	[tilespmem:s16], [sflag:$0x1] =	stream.indirect.gather [hbm4b:s1+s14], $0x80, s15, s14, $0xb8;
	[tilespmem:$0x10200] =	vst v63  }
0x5c: {  	_ =	swait.ge [sflag:s23], $0x8000  }
0x5d: {  	s28 =	sadd.s32 $0x800, s28;
	[sflag:s23] =	ssyncset.done $0x0  }
0x5e: {  	s30 =	sadd.s32 $0x40, s30;
	s31 =	sadd.s32 $0x20000, s0;
	[sflag:s23] =	ssyncadd.s32 $0xFFFF8000  }
0x5f: {  	[hbm4b:s31+s3] =	stream.linear.scatter [tilespmem:s18], [sflag:$0x4], $0x8000, $0x38;
	[tilespmem:$0x10200] =	vst v63  }
0x60: {  	s0 =	simm.s32 @!p2 $0x4  }
0x61: {  	_ =	swait.ge @!p2 [sflag:s0], $0x8000  }
0x62: {  	[sflag:s0] =	ssyncset.done @!p2 $0x0  }
0x63: {  	[sflag:s0] =	ssyncadd.s32 @!p2 $0xFFFF8000  }
0x64: {  	[tilespmem:s17], [sflag:$0x5] =	stream.linear.gather [hbm4b:s28+s3], $0x100, $0x38;
	[tilespmem:$0x10200] =	vst v63  }
0x65: {  	_ =	swait.ge [sflag:s13], $0x100  }
0x66: {  	[sflag:s13] =	ssyncset.done $0x0  }
0x67: {  	[sflag:s13] =	ssyncadd.s32 $0xFFFFFF00  }
0x68: {  	[tilespmem:s18], [sflag:$0x2] =	stream.indirect.gather [hbm4b:s1+s14], $0x80, s17, s14, $0xb8;
	[tilespmem:$0x10200] =	vst v63  }
0x69: {  	_ = 	snop  }
0x6a: {  	[tilespmem:s20], [sflag:$0x2] =	stream.indirect.gather [hbm4b:s1+s14], $0x80, s19, s14, $0xb8;
	[tilespmem:$0x10200] =	vst v63  }
0x6b: {  	_ =	swait.ge [sflag:s21], $0x8000  }
0x6c: {  	[sflag:s21] =	ssyncset.done $0x0  }
0x6d: {  	s30 =	sadd.s32 s26, s9;
	[sflag:s21] =	ssyncadd.s32 $0xFFFF8000  }
0x6e: {  	[hbm4b:s30+s3] =	stream.linear.scatter [tilespmem:s3], [sflag:$0x3], $0x8000, $0x38;
	[tilespmem:$0x10200] =	vst v63  }
0x6f: {  	_ =	swait.ge [sflag:s22], $0x8000  }
0x70: {  	[sflag:s22] =	ssyncset.done $0x0  }
0x71: {  	s31 =	sadd.s32 $0x400, s28;
	[sflag:s22] =	ssyncadd.s32 $0xFFFF8000  }
0x72: {  	[tilespmem:s12], [sflag:$0x5] =	stream.linear.gather [hbm4b:s31+s3], $0x100, $0x38;
	[tilespmem:$0x10200] =	vst v63  }
0x73: {  	_ =	swait.ge [sflag:s13], $0x100  }
0x74: {  	[sflag:s13] =	ssyncset.done $0x0  }
0x75: {  	[sflag:s13] =	ssyncadd.s32 $0xFFFFFF00  }
0x76: {  	[tilespmem:s3], [sflag:$0x1] =	stream.indirect.gather [hbm4b:s1+s14], $0x80, s12, s14, $0xb8;
	[tilespmem:$0x10200] =	vst v63  }
0x77: {  	_ = 	snop  }
0x78: {  	[tilespmem:s16], [sflag:$0x1] =	stream.indirect.gather [hbm4b:s1+s14], $0x80, s15, s14, $0xb8;
	[tilespmem:$0x10200] =	vst v63  }
0x79: {  	_ =	swait.ge [sflag:s23], $0x8000  }
0x7a: {  	[sflag:s23] =	ssyncset.done $0x0  }
.Ltmp3:
0x7b: {  	s0 =	sadd.s32 $0x20000, s30;
	[sflag:s23] =	ssyncadd.s32 $0xFFFF8000;
	(pc) =	sbr.rel @p0 .LBB2_5-.Ltmp3, $4  }
0x7c: {  	[hbm4b:s0+s3] =	stream.linear.scatter [tilespmem:s18], [sflag:$0x4], $0x8000, $0x38;
	[tilespmem:$0x10200] =	vst v63  }
0x7d: {  	_ =	swait.ge [sflag:s24], $0x8000  }
0x7e: {  	[sflag:s24] =	ssyncset.done $0x0  }
0x7f: {  	[sflag:s24] =	ssyncadd.s32 $0xFFFF8000  }
0x80: {  	[tilespmem:s17], [sflag:$0x5] =	stream.linear.gather [hbm4b:s6+s3], $0x100, $0x38;
	[tilespmem:$0x10200] =	vst v63  }
0x81: {  	_ =	swait.ge [sflag:s13], $0x100  }
0x82: {  	[sflag:s13] =	ssyncset.done $0x0  }
0x83: {  	[sflag:s13] =	ssyncadd.s32 $0xFFFFFF00  }
0x84: {  	[tilespmem:s18], [sflag:$0x2] =	stream.indirect.gather [hbm4b:s1+s14], $0x80, s17, s14, $0xb8;
	[tilespmem:$0x10200] =	vst v63  }
0x85: {  	_ = 	snop  }
0x86: {  	[tilespmem:s20], [sflag:$0x2] =	stream.indirect.gather [hbm4b:s1+s14], $0x80, s19, s14, $0xb8;
	[tilespmem:$0x10200] =	vst v63  }
0x87: {  	_ =	swait.ge [sflag:s21], $0x8000  }
0x88: {  	[sflag:s21] =	ssyncset.done $0x0  }
0x89: {  	[sflag:s21] =	ssyncadd.s32 $0xFFFF8000  }
0x8a: {  	[hbm4b:s7+s3] =	stream.linear.scatter [tilespmem:s3], [sflag:$0x3], $0x8000, $0x38;
	[tilespmem:$0x10200] =	vst v63  }
0x8b: {  	_ =	swait.ge [sflag:s22], $0x8000  }
0x8c: {  	[sflag:s22] =	ssyncset.done $0x0  }
.Ltmp4:
0x8d: {  	[sflag:s22] =	ssyncadd.s32 $0xFFFF8000;
	(pc) =	sbr.rel @p1 .LBB2_6-.Ltmp4, $4  }
.Ltmp5:
0x8e: {  	_ =	swait.ge [sflag:s23], $0x8000;
	(pc) =	sbr.rel @!p1 .LBB2_7-.Ltmp5, $4  }
0x8f: {  	[sflag:s23] =	ssyncset.done $0x0  }
0x90: {  	s26 =	simm.s32 $0x4;
	[sflag:s23] =	ssyncadd.s32 $0xFFFF8000  }
0x91: {  	[hbm4b:s8+s3] =	stream.linear.scatter [tilespmem:s18], [sflag:$0x4], $0x8000, $0x38;
	[tilespmem:$0x10200] =	vst v63  }
0x92: {  	_ = 	snop  }
.LBB2_8:
0x93: {  	_ =	sfence.sel $0x180000  }
0x94: {  	[bflag:$0x0] =	sbarrier.arrive $0xFFFF  }
0x95: {  	_ =	strace $0x9000004A  }
0x96: {  	[bflag:$0x2] =	sbarrier.arrive $0xFFFF  }
0x97: {  	p0 =	sne.s32 s2, $0x0;
	s0 =	rddreg [dreg:$0x2]  }
0x98: {  	s0 =	sadd.s32 @!p0 $0x100000, s0  }
0x99: {  	[sflag:s0] =	ssyncadd.tile.s32 @!p0 $0x1;
	_ =	shalt  }
.Lfunc_end2:
_tile_overlayer_lowered:
.L_overlay_start_2:
0x9a: {  	(tag) =	ssettag $0x2  }
0x9b: {  	s0 =	rddreg [dreg:$0x0];
	s2 =	stileid.u32  }
0x9c: {  	s1 =	rddreg [dreg:$0x1];
	p0 =	sne.s32 s2, $0x0  }
0x9d: {  	s3 =	rddreg [dreg:$0x2];
	[bflag:$0x3] =	sbarrier.arrive $0xFFFF;
	s2 =	simm.s32 @!p0 $0x1C05  }
0x9e: {  	[timem:s3], [sflag:s2] =	dma.local @!p0 [hbm:s0], s1  }
0x9f: {  	s0 =	simm.s32 @!p0 $0x5  }
0xa0: {  	_ =	swait.ge @!p0 [sflag:s0], s1  }
0xa1: {  	s1 =	ssub.s32 @!p0 $0x0, s1;
	[sflag:s0] =	ssyncset.done @!p0 $0x0  }
0xa2: {  	[sflag:s0] =	ssyncadd.s32 @!p0 s1  }
0xa3: {  	[bflag:$0x3] =	sbarrier.arrive $0xFFFF  }
0xa4: {  	_ =	shalt  }

// kernel: kernel.16.cloned.1.call-start
scs
__scs_entry_jumppad:
0x0: {  	(pc) =	sbr.rel $0x88, $3  }
0x1: {  	(tag) =	ssettag $0x0;
	lr =	simm.s32 $0x1  }
0x2: {  	[smem:$0x3F92] =	sst lr;
	_ =	strace $0xD0000000  }
0x3: {  	_ = 	snop  }
0x4: {  	_ = 	snop  }
0x5: {  	_ = 	snop  }
0x6: {  	_ = 	snop  }
0x7: {  	_ = 	snop  }
__scs_overlays_trampoline_lowered:
0x8: {  	[smem:$0x3FA1] =	sst s0  }
0x9: {  	[smem:$0x3FA2] =	sst s1  }
0xa: {  	[smem:$0x3FA3] =	sst s2  }
0xb: {  	[smem:$0x3FA4] =	sst s3  }
0xc: {  	[smem:$0x3FA5] =	sst s4  }
0xd: {  	[smem:$0x3FA6] =	sst s5  }
0xe: {  	[smem:$0x3FA7] =	sst s6  }
0xf: {  	[smem:$0x3FA8] =	sst s7  }
0x10: {  	[smem:$0x3FA9] =	sst s8  }
0x11: {  	[smem:$0x3FAA] =	sst s9;
	s0 =	simm.s32 @!p0 $0x0  }
0x12: {  	s1 =	sld [smem:$0x3F90];
	s0 =	simm.s32 @p0 $0x1  }
0x13: {  	[smem:$0x3FAB] =	sst s0;
	s0 =	simm.s32 @!p1 $0x0  }
0x14: {  	s2 =	sld [smem:$0x3F8F];
	s0 =	simm.s32 @p1 $0x1  }
0x15: {  	[smem:$0x3FAC] =	sst s0;
	s0 =	simm.s32 @!p2 $0x0  }
0x16: {  	s3 =	sld [smem:$0x3FDB];
	s0 =	simm.s32 @p2 $0x1  }
0x17: {  	s4 =	simm.s32 $0x1BF5;
	[smem:$0x3FAE] =	sst s0  }
0x18: {  	s0 =	sld [smem:$0x3F91];
	_ =	swait.ge [sflag:s4], $0x0  }
0x19: {  	s7 =	sld [smem:$0x3F92]  }
0x1a: {  	s8 =	sadd.s32 $0xFFFFE003, lr  }
0x1b: {  	s9 =	sadd.s32 $0xFFFFFEF7, lr;
	s5 =	simm.s32 $0xFFFFFFFF;
	p2 =	slt.u32 s8, $0xFFFFF086  }
0x1c: {  	p1 =	slt.u32 s9, $0xF7A;
	s5 =	simm.s32 @!p2 $0x0  }
0x1d: {  	s5 =	simm.s32 @p1 $0x1;
	p0 =	seq.s32 s7, s2  }
0x1e: {  	s7 =	smul.u32 @!p0 $0xF7A, s2;
	p2 =	seq.s32 @!p0 s5, $0x0  }
0x1f: {  	s9 =	smul.u32 $0xF7A, s1;
	s8 =	simm.s32 @!p0 $0x1BF5;
	p2 =	por !p2, p0  }
0x20: {  	[sflag:s8] =	ssyncset.s32 @!p0 $0xFFFFF086;
	s6 =	sadd.s32 @!p0 s3, s7;
	s7 =	simm.s32 @!p0 $0x108  }
0x21: {  	s3 =	sadd.s32 s3, s9;
	s6 =	sadd.s32 @!p0 $0x88, s6;
	s7 =	simm.s32 @p2 $0x1082  }
0x22: {  	[simem:s7], [sflag:s8] =	dma.local @!p0 [hbm:s6], $0xF7A  }
0x23: {  	s9 =	sor.u32 $0xD0000000, s2;
	s6 =	simm.s32 $0x108;
	_ =	swait.ge @!p0 [sflag:s8], $0x0  }
0x24: {  	s3 =	sadd.s32 $0x88, s3;
	s6 =	simm.s32 @!p1 $0x1082;
	[sflag:s4] =	ssyncset.s32 $0xFFFFF086  }
0x25: {  	[simem:s6], [sflag:s4] =	dma.local [hbm:s3], $0xF7A  }
0x26: {  	[smem:$0x3F92] =	sst s1;
	(tag) =	ssettag s2;
	_ =	strace s9  }
0x27: {  	s1 =	sld [smem:$0x3FA2]  }
0x28: {  	s2 =	sld [smem:$0x3FA3]  }
0x29: {  	s4 =	sld [smem:$0x3FA5]  }
0x2a: {  	p0 =	seq.s32 s5, $0x0;
	s5 =	sld [smem:$0x3FA6]  }
0x2b: {  	s6 =	sld [smem:$0x3FA7]  }
0x2c: {  	s7 =	sld [smem:$0x3FA8]  }
0x2d: {  	s3 =	simm.s32 $0x108;
	s8 =	sld [smem:$0x3FA9]  }
0x2e: {  	s3 =	simm.s32 @!p0 $0x1082;
	s9 =	sld [smem:$0x3FAA]  }
0x2f: {  	lr =	sadd.s32 s0, s3;
	s0 =	sld [smem:$0x3FA1]  }
0x30: {  	s3 =	sld [smem:$0x3FA4]  }
0x31: {  	[smem:$0x3FAD] =	sst s10  }
0x32: {  	s10 =	sld [smem:$0x3FAB];
	_ =	sdelay $0x3  }
0x33: {  	p0 =	seq.s32 s10, $0x1;
	s10 =	sld [smem:$0x3FAD];
	_ =	sdelay $0x3  }
0x34: {  	[smem:$0x3FAD] =	sst s10  }
0x35: {  	s10 =	sld [smem:$0x3FAC];
	_ =	sdelay $0x3  }
0x36: {  	p1 =	seq.s32 s10, $0x1;
	s10 =	sld [smem:$0x3FAD];
	_ =	sdelay $0x3  }
0x37: {  	[smem:$0x3FAD] =	sst s10  }
0x38: {  	s10 =	sld [smem:$0x3FAE]  }
0x39: {  	_ = 	snop;
	(pc) =	sbr.ind lr, $3  }
0x3a: {  	_ = 	snop  }
0x3b: {  	_ = 	snop  }
0x3c: {  	p2 =	seq.s32 s10, $0x1;
	s10 =	sld [smem:$0x3FAD]  }
0x3d: {  	_ =	shalt  }
0x3e: {  	_ =	shalt  }
0x3f: {  	_ =	shalt  }
0x40: {  	_ =	shalt  }
0x41: {  	_ =	shalt  }
0x42: {  	_ =	shalt  }
0x43: {  	_ =	shalt  }
0x44: {  	_ =	shalt  }
0x45: {  	_ =	shalt  }
0x46: {  	_ =	shalt  }
0x47: {  	_ =	shalt  }
0x48: {  	_ =	shalt  }
0x49: {  	_ =	shalt  }
0x4a: {  	_ =	shalt  }
0x4b: {  	_ =	shalt  }
0x4c: {  	_ =	shalt  }
0x4d: {  	_ =	shalt  }
0x4e: {  	_ =	shalt  }
0x4f: {  	_ =	shalt  }
0x50: {  	_ =	shalt  }
0x51: {  	_ =	shalt  }
0x52: {  	_ =	shalt  }
0x53: {  	_ =	shalt  }
0x54: {  	_ =	shalt  }
0x55: {  	_ =	shalt  }
0x56: {  	_ =	shalt  }
0x57: {  	_ =	shalt  }
0x58: {  	_ =	shalt  }
0x59: {  	_ =	shalt  }
0x5a: {  	_ =	shalt  }
0x5b: {  	_ =	shalt  }
0x5c: {  	_ =	shalt  }
0x5d: {  	_ =	shalt  }
0x5e: {  	_ =	shalt  }
0x5f: {  	_ =	shalt  }
0x60: {  	_ =	shalt  }
0x61: {  	_ =	shalt  }
0x62: {  	_ =	shalt  }
0x63: {  	_ =	shalt  }
0x64: {  	_ =	shalt  }
0x65: {  	_ =	shalt  }
0x66: {  	_ =	shalt  }
0x67: {  	_ =	shalt  }
0x68: {  	_ =	shalt  }
0x69: {  	_ =	shalt  }
0x6a: {  	_ =	shalt  }
0x6b: {  	_ =	shalt  }
0x6c: {  	_ =	shalt  }
0x6d: {  	_ =	shalt  }
0x6e: {  	_ =	shalt  }
0x6f: {  	_ =	shalt  }
0x70: {  	_ =	shalt  }
0x71: {  	_ =	shalt  }
0x72: {  	_ =	shalt  }
0x73: {  	_ =	shalt  }
0x74: {  	_ =	shalt  }
0x75: {  	_ =	shalt  }
0x76: {  	_ =	shalt  }
0x77: {  	_ =	shalt  }
0x78: {  	_ =	shalt  }
0x79: {  	_ =	shalt  }
0x7a: {  	_ =	shalt  }
0x7b: {  	_ =	shalt  }
0x7c: {  	_ =	shalt  }
0x7d: {  	_ =	shalt  }
0x7e: {  	_ =	shalt  }
0x7f: {  	_ =	shalt  }
0x80: {  	_ =	shalt  }
0x81: {  	_ =	shalt  }
0x82: {  	_ =	shalt  }
0x83: {  	_ =	shalt  }
0x84: {  	_ =	shalt  }
0x85: {  	_ =	shalt  }
0x86: {  	_ =	shalt  }
0x87: {  	_ =	shalt  }
.Lfunc_end0:
.L_simem_size_0:
called_computation.3_lowered:
.L_overlay_start_0:
0x88: {  	s2 =	sld [smem:$0x3FD9]  }
0x89: {  	s3 =	sld [smem:$0x3FFE];
	_ =	sdelay $0x1  }
0x8a: {  	s1 =	srdreg.scid  }
0x8b: {  	s0 =	sand.u32 $0x1, s1  }
0x8c: {  	s15 =	sshll.u32 s0, $0xA;
	s2 =	sadd.s32 s3, s2  }
0x8d: {  	s2 =	sadd.s32 s2, s15  }
0x8e: {  	[smem:$0x3FB9] =	sst s2  }
0x8f: {  	_ = 	snop  }
0x90: {  	s2 =	sld [smem:$0x3FD0];
	_ =	sdelay $0x2  }
0x91: {  	s16 =	simm.s32 $0xB;
	s4 =	simm.s32 $0x10  }
0x92: {  	[smem:s4], [sflag:s16] =	dma.local [hbm:s2], $0x1  }
0x93: {  	_ =	swait.eq [sflag:s16], $0x1  }
0x94: {  	[sflag:s16] =	ssyncset.done $0x0  }
0x95: {  	[sflag:s16] =	ssyncadd.s32 $0xFFFFFFFF  }
0x96: {  	s17 =	sld [smem:$0x10];
	(tm) =	ssettm $0x1  }
0x97: {  	s18 =	sld [smem:$0x3FFB];
	_ =	sdelay $0x3  }
0x98: {  	_ =	strace s18  }
0x99: {  	s2 =	sld [smem:$0x3FFC];
	_ =	sdelay $0x3  }
0x9a: {  	_ =	strace s2  }
0x9b: {  	s2 =	sld [smem:$0x3FFD];
	_ =	sdelay $0x3  }
0x9c: {  	_ =	strace s2  }
0x9d: {  	_ =	strace $0x8FFFFFFF  }
0x9e: {  	s19 =	sld [smem:$0x3FDB];
	_ =	sdelay $0x1  }
0x9f: {  	s20 =	simm.s32 $_scs_section_size  }
0xa0: {  	s5 =	simm.s32 $_size__tile_overlayer_lowered;
	s6 =	simm.s32 $_tile_overlayer_lowered  }
0xa1: {  	s7 =	simm.s32 $0x1BFF;
	s21 =	sshll.u32 s6, $0x1;
	s4 =	sadd.s32 s20, s19  }
0xa2: {  	s22 =	simm.s32 $0x0;
	s5 =	sshll.u32 s5, $0x1;
	s6 =	sadd.s32 s21, s4  }
0xa3: {  	[timem:s22], [sflag:s7] =	dma.local [hbm:s6], s5  }
0xa4: {  	_ =	swait.ge [sflag:s7], s5  }
0xa5: {  	s5 =	ssub.s32 $0x0, s5;
	[sflag:s7] =	ssyncset.done $0x0  }
0xa6: {  	[sflag:s7] =	ssyncadd.s32 s5;
	_ =	sdelay $0x1  }
0xa7: {  	s23 =	simm.s32 $0x1B8B  }
0xa8: {  	_ =	swait.ge [sflag:s23], $0x1  }
0xa9: {  	[sflag:s23] =	ssyncset.done $0x0  }
0xaa: {  	[sflag:s23] =	ssyncadd.s32 $0xFFFFFFFF  }
0xab: {  	s5 =	sld [smem:$0x0]  }
0xac: {  	s6 =	sand.u32 $0xFFFFFFFE, s1  }
0xad: {  	p0 =	sne.s32 s1, s6  }
0xae: {  	s6 =	sshll.u32 @p0 s6, $0xE  }
0xaf: {  	s6 =	sadd.s32 @p0 $0x11B8D, s6;
	s7 =	sshll.u32 @p0 s5, $0x11  }
0xb0: {  	s6 =	sor.u32 @p0 s7, s6  }
0xb1: {  	[sflag:s6] =	ssyncadd.remote.s32 @p0 $0x1;
	_ =	sdelay $0x1  }
0xb2: {  	s6 =	simm.s32 @p0 $0x1B8D  }
0xb3: {  	_ =	swait.eq @p0 [sflag:s6], $0x1  }
0xb4: {  	[sflag:s6] =	ssyncadd.s32 @p0 $0xFFFFFFFF  }
0xb5: {  	s7 =	sshll.u32 @!p0 s1, $0xE  }
0xb6: {  	s7 =	sor.u32 @!p0 $0x4000, s7;
	s6 =	simm.s32 @!p0 $0x1B8D  }
0xb7: {  	s5 =	sshll.u32 @!p0 s5, $0x11;
	s7 =	sadd.s32 @!p0 $0x11B8D, s7;
	_ =	swait.eq @!p0 [sflag:s6], $0x1  }
0xb8: {  	s5 =	sor.u32 @!p0 s5, s7;
	[sflag:s6] =	ssyncadd.s32 @!p0 $0xFFFFFFFF  }
0xb9: {  	s25 =	simm.s32 $0x1B8E;
	s24 =	sld [smem:$0x3FFE];
	[sflag:s5] =	ssyncadd.remote.s32 @!p0 $0x1  }
0xba: {  	s26 =	simm.s32 $execute0_lowered;
	[smem:$0x3FD2] =	sst s25  }
0xbb: {  	s6 =	sshll.u32 s26, $0x1;
	_ =	strace $0x80000052;
	[dreg:$0x1] =	wrdreg $0xFFFFFFFF  }
0xbc: {  	s28 =	simm.s32 $_size_execute0_lowered;
	s4 =	sadd.s32 s4, s6;
	[dreg:$0x0] =	wrdreg $0x0  }
0xbd: {  	s6 =	sshll.u32 s28, $0x1;
	[dreg:$0x2] =	wrdreg s4  }
0xbe: {  	[dreg:$0x3] =	wrdreg s6  }
0xbf: {  	[dreg:$0x4] =	wrdreg $0xC0  }
0xc0: {  	_ =	task [dreg:s22], $0x5FFFF  }
0xc1: {  	[dreg:$0x1] =	wrdreg $0xFFFFFFFF  }
0xc2: {  	[dreg:$0x0] =	wrdreg $0x60  }
0xc3: {  	[dreg:$0x2] =	wrdreg s24  }
0xc4: {  	[dreg:$0x3] =	wrdreg s17  }
0xc5: {  	[dreg:$0x4] =	wrdreg $0x81000  }
0xc6: {  	[dreg:$0x5] =	wrdreg $0x9  }
0xc7: {  	_ =	task.clear_ibuf [dreg:s22], $0x6FFFF;
	_ =	strace $0x90000052  }
0xc8: {  	s29 =	simm.s32 $0x9;
	_ =	strace $0x80000054  }
0xc9: {  	_ =	swait.ge [sflag:s29], $0x1  }
0xca: {  	[sflag:s29] =	ssyncadd.s32 $0xFFFFFFFF  }
0xcb: {  	_ =	strace $0x90000054  }
0xcc: {  	_ =	sfence  }
0xcd: {  	s30 =	sld [smem:$0x0];
	_ =	sdelay $0x2  }
0xce: {  	s31 =	sshll.u32 s1, $0xD;
	s1 =	sshrl.u32 s1, $0x2  }
0xcf: {  	s4 =	sand.u32 $0x4000, s31;
	s1 =	sadd.s32 s1, s30  }
0xd0: {  	s0 =	sor.u32 s4, s0;
	s1 =	sshll.u32 s1, $0x11  }
0xd1: {  	s0 =	sor.u32 s1, s0  }
0xd2: {  	s0 =	sadd.s32 $0x8F2B, s0  }
0xd3: {  	[sflag:s0] =	ssyncadd.remote.s32 $0x1  }
0xd4: {  	_ =	sfence.sel $0xFFFF  }
0xd5: {  	[dreg:$0x0] =	wrdreg $0xFFFFFFFF;
	(pc) =	sbr.abs _section_cstart, $3  }
0xd6: {  	[dreg:$0x1] =	wrdreg $0xFFFFFFFF  }
0xd7: {  	_ =	task.clear_ibuf [dreg:s22], $0x2FFFF;
	_ =	strace $0x9FFFFFFF  }
0xd8: {  	(tm) =	ssettm $0x7FFFFFFF  }
0xd9: {  	_ =	shalt  }
tec
execute0_lowered:
.L_overlay_start_1:
0x0: {  	(tag) =	ssettag $0x1  }
0x1: {  	s3 =	rddreg [dreg:$0x0]  }
0x2: {  	s13 =	rddreg [dreg:$0x1]  }
0x3: {  	s1 =	rddreg [dreg:$0x2]  }
0x4: {  	s25 =	stileid.u32;
	s4 =	srdreg.scid  }
0x5: {  	s2 =	simm.s32 $0x0;
	s20 =	simm.s32 $0x1;
	s21 =	simm.s32 $0x80  }
0x6: {  	s5 =	smul.u32 $0x13C00, s25;
	s11 =	sand.u32 $0x1, s4;
	[smem:$0x7FF] =	sst s2  }
0x7: {  	s12 =	sadd.s32 $0x75FC00, s3;
	s7 =	smul.u32 $0x4F000, s25;
	s14 =	sshll.u32 s25, $0x1  }
0x8: {  	s28 =	sshll.u32 s25, $0x6;
	s18 =	sshll.u32 s25, $0x5;
	s31 =	sshll.u32 s25, $0xC  }
0x9: {  	p0 =	sne.s32 s25, $0x0;
	s25 =	simm.s32 $0x0;
	s4 =	smul.u32 $0x13C000, s11  }
0xa: {  	_ =	strace $0x80000053;
	s22 =	ssub.s32 $0x2, s11;
	s26 =	sor.u32 s11, s14  }
0xb: {  	s19 =	sshll.u32 s11, $0x4;
	s11 =	sshll.u32 s11, $0xB;
	s14 =	sor.u32 $0xFFFFFFE0, s14  }
0xc: {  	s6 =	sshrl.u32 s5, $0x3;
	s23 =	sshrl.u32 s22, $0x1;
	s24 =	sshrl.u32 s7, $0x2  }
0xd: {  	s16 =	sshll.u32 s26, $0x4;
	s29 =	sshll.u32 s26, $0xB;
	s18 =	sor.u32 s19, s18  }
0xe: {  	s19 =	simm.s32 $0x4000;
	s4 =	sadd.s32 s5, s4;
	s6 =	sadd.s32 s6, s3  }
0xf: {  	s9 =	ssub.s32 s22, s23;
	s15 =	sadd.s32 s24, s1;
	s10 =	sand.u32 $0x70, s16  }
0x10: {  	s5 =	sadd.s32 s13, s16;
	s24 =	sor.u32 $0x4E0, s26;
	s30 =	sor.u32 $0x200, s16  }
0x11: {  	s16 =	sor.u32 $0x400, s16;
	s18 =	sand.u32 $0x70, s18;
	s22 =	simm.s32 $0x3  }
0x12: {  	s23 =	simm.s32 $0x2;
	s4 =	sshrl.u32 s4, $0x3;
	s10 =	sadd.s32 s13, s10  }
0x13: {  	s17 =	sshll.u32 s24, $0xB;
	s16 =	sand.u32 $0x580, s16;
	s15 =	sshrl.u32 s15, $0x3  }
0x14: {  	p1 =	sgt.u32 s24, $0x4E1;
	s24 =	simm.s32 $0x4;
	s8 =	sadd.s32 s4, s3  }
0x15: {  	s3 =	sadd.s32 $0xCC00, s6;
	s4 =	sor.u32 $0x1C05, s28;
	s6 =	sadd.s32 s12, s29  }
0x16: {  	s7 =	sadd.s32 $0x83400, s8;
	s8 =	smax.u32 s9, $0x1;
	s9 =	sadd.s32 $0x4E00, s10  }
0x17: {  	s10 =	sadd.s32 s12, s17;
	s17 =	sand.u32 $0x380, s30;
	s12 =	sadd.s32 s31, s12  }
0x18: {  	s17 =	sadd.s32 s17, s13;
	s12 =	sadd.s32 s11, s12;
	s13 =	sadd.s32 s16, s13  }
0x19: {  	s16 =	simm.s32 $0x5;
	s11 =	sadd.s32 s18, s17;
	s12 =	sadd.s32 $0x10000, s12  }
0x1a: {  	s13 =	sadd.s32 s18, s13;
	s17 =	simm.s32 $0x8000;
	s18 =	simm.s32 $0x8080  }
.LBB2_1:
0x1b: {  	[spmem:s15], [sflag:s4] =	dma.local [hbm:s3], $0x2780  }
0x1c: {  	_ =	swait.ge [sflag:s16], $0x2780  }
0x1d: {  	[sflag:s16] =	ssyncset.done $0x0  }
0x1e: {  	[sflag:s16] =	ssyncadd.s32 $0xFFFFD880  }
0x1f: {  	[bflag:$0x0] =	sbarrier.arrive $0xFFFF  }
0x20: {  	[tilespmem:s17], [sflag:$0x5] =	stream.linear.gather [hbm4b:s5+s2], $0x80, $0x38;
	[tilespmem:$0x1BD00] =	vst v63  }
0x21: {  	_ =	swait.ge [sflag:s16], $0x80  }
0x22: {  	p2 =	sgt.u32 s14, $0x4E1;
	[sflag:s16] =	ssyncset.done $0x0  }
0x23: {  	s26 =	simm.s32 @!p2 $0x4;
	[sflag:s16] =	ssyncadd.s32 $0xFFFFFF80  }
0x24: {  	[tilespmem:s2], [sflag:$0x1] =	stream.linear.gather [hbm4b:s6+s2], $0x4000, $0x38;
	[tilespmem:$0x1BD00] =	vst v63  }
0x25: {  	_ =	swait.ge @!p2 [sflag:s26], $0x4000  }
0x26: {  	[sflag:s26] =	ssyncset.done @!p2 $0x0  }
0x27: {  	s0 =	sadd.s32 $0x0, s11;
	[sflag:s26] =	ssyncadd.s32 @!p2 $0xFFFFC000  }
0x28: {  	[tilespmem:s18], [sflag:$0x5] =	stream.linear.gather [hbm4b:s0+s2], $0x80, $0x38;
	[tilespmem:$0x1BD00] =	vst v63  }
0x29: {  	_ =	swait.ge [sflag:s16], $0x80  }
0x2a: {  	[sflag:s16] =	ssyncset.done $0x0  }
0x2b: {  	[sflag:s16] =	ssyncadd.s32 $0xFFFFFF80  }
0x2c: {  	[tilespmem:s19], [sflag:$0x2] =	stream.linear.gather [hbm4b:s12+s2], $0x4000, $0x38;
	[tilespmem:$0x1BD00] =	vst v63  }
0x2d: {  	_ =	swait.ge [sflag:s20], $0x4000  }
0x2e: {  	[sflag:s20] =	ssyncset.done $0x0  }
0x2f: {  	[sflag:s20] =	ssyncadd.s32 $0xFFFFC000  }
0x30: {  	[spmem:s1] =	stream.indirect.scatter.add.f32 [tilespmem:s2], [sflag:$0x3], $0x80, s17, s21, $0xb8;
	[tilespmem:$0x1BD00] =	vst v63  }
0x31: {  	_ =	swait.ge [sflag:s22], $0x4000  }
0x32: {  	[sflag:s22] =	ssyncset.done $0x0  }
0x33: {  	s31 =	sadd.s32 $0x0, s13;
	[sflag:s22] =	ssyncadd.s32 $0xFFFFC000  }
0x34: {  	[tilespmem:s17], [sflag:$0x5] =	stream.linear.gather [hbm4b:s31+s2], $0x80, $0x38;
	[tilespmem:$0x1BD00] =	vst v63  }
0x35: {  	_ =	swait.ge [sflag:s16], $0x80  }
0x36: {  	[sflag:s16] =	ssyncset.done $0x0  }
0x37: {  	s28 =	sadd.s32 $0x10000, s12;
	s30 =	sadd.s32 $0x40, s14;
	[sflag:s16] =	ssyncadd.s32 $0xFFFFFF80  }
0x38: {  	[tilespmem:s2], [sflag:$0x1] =	stream.linear.gather [hbm4b:s28+s2], $0x4000, $0x38;
	[tilespmem:$0x1BD00] =	vst v63  }
0x39: {  	s29 =	simm.s32 $0x800;
	p3 =	sgt.u32 s30, $0x4E1;
	_ =	swait.ge [sflag:s23], $0x4000  }
0x3a: {  	s26 =	simm.s32 $0x400;
	s28 =	sadd.s32 $0x20000, s12;
	[sflag:s23] =	ssyncset.done $0x0  }
.LBB2_2:
0x3b: {  	s31 =	simm.s32 @!p3 $0x4  }
0x3c: {  	[sflag:s23] =	ssyncadd.s32 $0xFFFFC000;
	s0 =	smov.u32 s29;
	s29 =	sadd.s32 $0x400, s29  }
0x3d: {  	[spmem:s1] =	stream.indirect.scatter.add.f32 [tilespmem:s19], [sflag:$0x4], $0x80, s18, s21, $0xb8;
	[tilespmem:$0x1BD00] =	vst v63  }
0x3e: {  	p2 =	sne.s32 s29, $0x4C00;
	_ =	swait.ge @!p3 [sflag:s31], $0x4000  }
0x3f: {  	[sflag:s31] =	ssyncset.done @!p3 $0x0  }
0x40: {  	[sflag:s31] =	ssyncadd.s32 @!p3 $0xFFFFC000;
	s31 =	sadd.s32 s26, s11  }
0x41: {  	[tilespmem:s18], [sflag:$0x5] =	stream.linear.gather [hbm4b:s31+s2], $0x80, $0x38;
	[tilespmem:$0x1BD00] =	vst v63  }
0x42: {  	_ =	swait.ge [sflag:s16], $0x80  }
0x43: {  	[sflag:s16] =	ssyncset.done $0x0  }
0x44: {  	[sflag:s16] =	ssyncadd.s32 $0xFFFFFF80  }
0x45: {  	[tilespmem:s19], [sflag:$0x2] =	stream.linear.gather [hbm4b:s28+s2], $0x4000, $0x38;
	[tilespmem:$0x1BD00] =	vst v63  }
0x46: {  	_ =	swait.ge [sflag:s20], $0x4000  }
0x47: {  	[sflag:s20] =	ssyncset.done $0x0  }
0x48: {  	[sflag:s20] =	ssyncadd.s32 $0xFFFFC000  }
0x49: {  	[spmem:s1] =	stream.indirect.scatter.add.f32 [tilespmem:s2], [sflag:$0x3], $0x80, s17, s21, $0xb8;
	[tilespmem:$0x1BD00] =	vst v63  }
0x4a: {  	_ =	swait.ge [sflag:s22], $0x4000  }
0x4b: {  	[sflag:s22] =	ssyncset.done $0x0  }
0x4c: {  	s31 =	sadd.s32 s26, s13;
	s26 =	smov.u32 s0;
	[sflag:s22] =	ssyncadd.s32 $0xFFFFC000  }
0x4d: {  	[tilespmem:s17], [sflag:$0x5] =	stream.linear.gather [hbm4b:s31+s2], $0x80, $0x38;
	[tilespmem:$0x1BD00] =	vst v63  }
0x4e: {  	_ =	swait.ge [sflag:s16], $0x80  }
.Ltmp0:
0x4f: {  	[sflag:s16] =	ssyncset.done $0x0;
	(pc) =	sbr.rel @p2 .LBB2_2-.Ltmp0, $4  }
0x50: {  	s0 =	sadd.s32 $0x10000, s28;
	[sflag:s16] =	ssyncadd.s32 $0xFFFFFF80  }
0x51: {  	[tilespmem:s2], [sflag:$0x1] =	stream.linear.gather [hbm4b:s0+s2], $0x4000, $0x38;
	[tilespmem:$0x1BD00] =	vst v63  }
0x52: {  	s30 =	sadd.s32 $0x40, s30;
	_ =	swait.ge [sflag:s23], $0x4000  }
0x53: {  	p3 =	sgt.u32 s30, $0x4E1;
	s28 =	sadd.s32 $0x20000, s28;
	[sflag:s23] =	ssyncset.done $0x0  }
0x54: {  	s0 =	simm.s32 @!p3 $0x4;
	[sflag:s23] =	ssyncadd.s32 $0xFFFFC000  }
0x55: {  	[spmem:s1] =	stream.indirect.scatter.add.f32 [tilespmem:s19], [sflag:$0x4], $0x80, s18, s21, $0xb8;
	[tilespmem:$0x1BD00] =	vst v63  }
0x56: {  	_ =	swait.ge @!p3 [sflag:s0], $0x4000  }
0x57: {  	[sflag:s0] =	ssyncset.done @!p3 $0x0  }
0x58: {  	s29 =	sadd.s32 s26, s11;
	[sflag:s0] =	ssyncadd.s32 @!p3 $0xFFFFC000  }
0x59: {  	[tilespmem:s18], [sflag:$0x5] =	stream.linear.gather [hbm4b:s29+s2], $0x80, $0x38;
	[tilespmem:$0x1BD00] =	vst v63  }
0x5a: {  	_ =	swait.ge [sflag:s16], $0x80  }
0x5b: {  	[sflag:s16] =	ssyncset.done $0x0  }
0x5c: {  	[sflag:s16] =	ssyncadd.s32 $0xFFFFFF80  }
0x5d: {  	[tilespmem:s19], [sflag:$0x2] =	stream.linear.gather [hbm4b:s28+s2], $0x4000, $0x38;
	[tilespmem:$0x1BD00] =	vst v63  }
0x5e: {  	_ =	swait.ge [sflag:s20], $0x4000  }
0x5f: {  	[sflag:s20] =	ssyncset.done $0x0  }
0x60: {  	[sflag:s20] =	ssyncadd.s32 $0xFFFFC000  }
0x61: {  	[spmem:s1] =	stream.indirect.scatter.add.f32 [tilespmem:s2], [sflag:$0x3], $0x80, s17, s21, $0xb8;
	[tilespmem:$0x1BD00] =	vst v63  }
0x62: {  	_ =	swait.ge [sflag:s22], $0x4000  }
0x63: {  	[sflag:s22] =	ssyncset.done $0x0  }
0x64: {  	s30 =	sadd.s32 s26, s13;
	[sflag:s22] =	ssyncadd.s32 $0xFFFFC000  }
0x65: {  	[tilespmem:s17], [sflag:$0x5] =	stream.linear.gather [hbm4b:s30+s2], $0x80, $0x38;
	[tilespmem:$0x1BD00] =	vst v63  }
0x66: {  	_ =	swait.ge [sflag:s16], $0x80  }
0x67: {  	[sflag:s16] =	ssyncset.done $0x0  }
0x68: {  	s31 =	sadd.s32 $0x10000, s28;
	[sflag:s16] =	ssyncadd.s32 $0xFFFFFF80  }
0x69: {  	[tilespmem:s2], [sflag:$0x1] =	stream.linear.gather [hbm4b:s31+s2], $0x4000, $0x38;
	[tilespmem:$0x1BD00] =	vst v63  }
0x6a: {  	_ =	swait.ge [sflag:s23], $0x4000  }
0x6b: {  	[sflag:s23] =	ssyncset.done $0x0  }
0x6c: {  	[sflag:s23] =	ssyncadd.s32 $0xFFFFC000  }
0x6d: {  	[spmem:s1] =	stream.indirect.scatter.add.f32 [tilespmem:s19], [sflag:$0x4], $0x80, s18, s21, $0xb8;
	[tilespmem:$0x1BD00] =	vst v63  }
0x6e: {  	_ =	swait.ge [sflag:s24], $0x4000  }
0x6f: {  	[sflag:s24] =	ssyncset.done $0x0  }
0x70: {  	s0 =	simm.s32 @p1 $0x1;
	[sflag:s24] =	ssyncadd.s32 $0xFFFFC000  }
0x71: {  	_ =	swait.ge @p1 [sflag:s0], $0x4000  }
0x72: {  	s26 =	simm.s32 @p1 $0x8000;
	[sflag:s0] =	ssyncset.done @p1 $0x0  }
0x73: {  	s28 =	simm.s32 @p1 $0x0;
	[sflag:s0] =	ssyncadd.s32 @p1 $0xFFFFC000;
	s0 =	simm.s32 @p1 $0x80  }
0x74: {  	[spmem:s1] =	stream.indirect.scatter.add.f32 @p1 [tilespmem:s28], [sflag:$0x3], $0x80, s26, s0, $0xb8;
	[tilespmem:$0x1BD00] =	vst v63  }
0x75: {  	s0 =	simm.s32 @p1 $0x3  }
0x76: {  	_ =	swait.ge @p1 [sflag:s0], $0x4000  }
0x77: {  	s26 =	simm.s32 @!p1 $0x8080;
	[sflag:s0] =	ssyncset.done @p1 $0x0  }
0x78: {  	s28 =	simm.s32 @!p1 $0x5;
	[sflag:s0] =	ssyncadd.s32 @p1 $0xFFFFC000;
	s0 =	simm.s32 @!p1 $0x0  }
0x79: {  	[tilespmem:s26], [sflag:$0x5] =	stream.linear.gather @!p1 [hbm4b:s9+s0], $0x80, $0x38;
	[tilespmem:$0x1BD00] =	vst v63  }
0x7a: {  	_ =	swait.ge @!p1 [sflag:s28], $0x80  }
0x7b: {  	[sflag:s28] =	ssyncset.done @!p1 $0x0  }
0x7c: {  	s29 =	simm.s32 @!p1 $0x1;
	[sflag:s28] =	ssyncadd.s32 @!p1 $0xFFFFFF80;
	s28 =	simm.s32 @!p1 $0x4000  }
0x7d: {  	[tilespmem:s28], [sflag:$0x2] =	stream.linear.gather @!p1 [hbm4b:s10+s0], $0x4000, $0x38;
	[tilespmem:$0x1BD00] =	vst v63  }
0x7e: {  	_ =	swait.ge @!p1 [sflag:s29], $0x4000  }
0x7f: {  	[sflag:s29] =	ssyncset.done @!p1 $0x0  }
0x80: {  	s30 =	simm.s32 @!p1 $0x8000;
	[sflag:s29] =	ssyncadd.s32 @!p1 $0xFFFFC000;
	s29 =	simm.s32 @!p1 $0x80  }
0x81: {  	[spmem:s1] =	stream.indirect.scatter.add.f32 @!p1 [tilespmem:s0], [sflag:$0x3], $0x80, s30, s29, $0xb8;
	[tilespmem:$0x1BD00] =	vst v63  }
0x82: {  	s0 =	simm.s32 @!p1 $0x3  }
0x83: {  	_ =	swait.ge @!p1 [sflag:s0], $0x4000  }
0x84: {  	[sflag:s0] =	ssyncset.done @!p1 $0x0  }
0x85: {  	[sflag:s0] =	ssyncadd.s32 @!p1 $0xFFFFC000;
	s0 =	simm.s32 @!p1 $0x2  }
0x86: {  	_ =	swait.ge @!p1 [sflag:s0], $0x4000  }
0x87: {  	[sflag:s0] =	ssyncset.done @!p1 $0x0  }
0x88: {  	[sflag:s0] =	ssyncadd.s32 @!p1 $0xFFFFC000;
	s0 =	simm.s32 @!p0 $0x4  }
0x89: {  	[spmem:s1] =	stream.indirect.scatter.add.f32 @!p1 [tilespmem:s28], [sflag:$0x4], $0x80, s26, s29, $0xb8;
	[tilespmem:$0x1BD00] =	vst v63  }
0x8a: {  	_ =	swait.ge @!p0 [sflag:s0], $0x4000  }
0x8b: {  	s25 =	sadd.s32 $0x1, s25;
	[sflag:s0] =	ssyncset.done @!p0 $0x0  }
0x8c: {  	p2 =	sne.s32 s25, s8;
	[sflag:s0] =	ssyncadd.s32 @!p0 $0xFFFFC000  }
.Ltmp1:
0x8d: {  	[bflag:$0x0] =	sbarrier.arrive $0xFFFF;
	(pc) =	sbr.rel @p2 .LBB2_1-.Ltmp1, $4  }
0x8e: {  	[hbm:s7], [sflag:s4] =	dma.local [spmem:s15], $0x2780  }
0x8f: {  	_ =	swait.ge [sflag:s16], $0x2780  }
0x90: {  	[sflag:s16] =	ssyncset.done $0x0  }
0x91: {  	[sflag:s16] =	ssyncadd.s32 $0xFFFFD880  }
0x92: {  	_ =	sfence.sel $0x180000  }
0x93: {  	[bflag:$0x0] =	sbarrier.arrive $0xFFFF  }
0x94: {  	_ =	strace $0x90000053  }
0x95: {  	[bflag:$0x2] =	sbarrier.arrive $0xFFFF  }
0x96: {  	s0 =	rddreg [dreg:$0x3]  }
0x97: {  	s0 =	sadd.s32 @!p0 $0x100000, s0  }
0x98: {  	[sflag:s0] =	ssyncadd.tile.s32 @!p0 $0x1;
	_ =	shalt  }
.Lfunc_end2:
_tile_overlayer_lowered:
.L_overlay_start_2:
0x99: {  	(tag) =	ssettag $0x2  }
0x9a: {  	s0 =	rddreg [dreg:$0x0];
	s2 =	stileid.u32  }
0x9b: {  	s1 =	rddreg [dreg:$0x1];
	p0 =	sne.s32 s2, $0x0  }
0x9c: {  	s3 =	rddreg [dreg:$0x2];
	[bflag:$0x3] =	sbarrier.arrive $0xFFFF;
	s2 =	simm.s32 @!p0 $0x1C05  }
0x9d: {  	[timem:s3], [sflag:s2] =	dma.local @!p0 [hbm:s0], s1  }
0x9e: {  	s0 =	simm.s32 @!p0 $0x5  }
0x9f: {  	_ =	swait.ge @!p0 [sflag:s0], s1  }
0xa0: {  	s1 =	ssub.s32 @!p0 $0x0, s1;
	[sflag:s0] =	ssyncset.done @!p0 $0x0  }
0xa1: {  	[sflag:s0] =	ssyncadd.s32 @!p0 s1  }
0xa2: {  	[bflag:$0x3] =	sbarrier.arrive $0xFFFF  }
0xa3: {  	_ =	shalt  }

// kernel: kernel.19.cloned.1.call-start
scs
__scs_entry_jumppad:
0x0: {  	(pc) =	sbr.rel $0x88, $3  }
0x1: {  	(tag) =	ssettag $0x0;
	lr =	simm.s32 $0x1  }
0x2: {  	[smem:$0x3F92] =	sst lr;
	_ =	strace $0xD0000000  }
0x3: {  	_ = 	snop  }
0x4: {  	_ = 	snop  }
0x5: {  	_ = 	snop  }
0x6: {  	_ = 	snop  }
0x7: {  	_ = 	snop  }
__scs_overlays_trampoline_lowered:
0x8: {  	[smem:$0x3FA1] =	sst s0  }
0x9: {  	[smem:$0x3FA2] =	sst s1  }
0xa: {  	[smem:$0x3FA3] =	sst s2  }
0xb: {  	[smem:$0x3FA4] =	sst s3  }
0xc: {  	[smem:$0x3FA5] =	sst s4  }
0xd: {  	[smem:$0x3FA6] =	sst s5  }
0xe: {  	[smem:$0x3FA7] =	sst s6  }
0xf: {  	[smem:$0x3FA8] =	sst s7  }
0x10: {  	[smem:$0x3FA9] =	sst s8  }
0x11: {  	[smem:$0x3FAA] =	sst s9;
	s0 =	simm.s32 @!p0 $0x0  }
0x12: {  	s1 =	sld [smem:$0x3F90];
	s0 =	simm.s32 @p0 $0x1  }
0x13: {  	[smem:$0x3FAB] =	sst s0;
	s0 =	simm.s32 @!p1 $0x0  }
0x14: {  	s2 =	sld [smem:$0x3F8F];
	s0 =	simm.s32 @p1 $0x1  }
0x15: {  	[smem:$0x3FAC] =	sst s0;
	s0 =	simm.s32 @!p2 $0x0  }
0x16: {  	s3 =	sld [smem:$0x3FDB];
	s0 =	simm.s32 @p2 $0x1  }
0x17: {  	s4 =	simm.s32 $0x1BF5;
	[smem:$0x3FAE] =	sst s0  }
0x18: {  	s0 =	sld [smem:$0x3F91];
	_ =	swait.ge [sflag:s4], $0x0  }
0x19: {  	s7 =	sld [smem:$0x3F92]  }
0x1a: {  	s8 =	sadd.s32 $0xFFFFE003, lr  }
0x1b: {  	s9 =	sadd.s32 $0xFFFFFEF7, lr;
	s5 =	simm.s32 $0xFFFFFFFF;
	p2 =	slt.u32 s8, $0xFFFFF086  }
0x1c: {  	p1 =	slt.u32 s9, $0xF7A;
	s5 =	simm.s32 @!p2 $0x0  }
0x1d: {  	s5 =	simm.s32 @p1 $0x1;
	p0 =	seq.s32 s7, s2  }
0x1e: {  	s7 =	smul.u32 @!p0 $0xF7A, s2;
	p2 =	seq.s32 @!p0 s5, $0x0  }
0x1f: {  	s9 =	smul.u32 $0xF7A, s1;
	s8 =	simm.s32 @!p0 $0x1BF5;
	p2 =	por !p2, p0  }
0x20: {  	[sflag:s8] =	ssyncset.s32 @!p0 $0xFFFFF086;
	s6 =	sadd.s32 @!p0 s3, s7;
	s7 =	simm.s32 @!p0 $0x108  }
0x21: {  	s3 =	sadd.s32 s3, s9;
	s6 =	sadd.s32 @!p0 $0x88, s6;
	s7 =	simm.s32 @p2 $0x1082  }
0x22: {  	[simem:s7], [sflag:s8] =	dma.local @!p0 [hbm:s6], $0xF7A  }
0x23: {  	s9 =	sor.u32 $0xD0000000, s2;
	s6 =	simm.s32 $0x108;
	_ =	swait.ge @!p0 [sflag:s8], $0x0  }
0x24: {  	s3 =	sadd.s32 $0x88, s3;
	s6 =	simm.s32 @!p1 $0x1082;
	[sflag:s4] =	ssyncset.s32 $0xFFFFF086  }
0x25: {  	[simem:s6], [sflag:s4] =	dma.local [hbm:s3], $0xF7A  }
0x26: {  	[smem:$0x3F92] =	sst s1;
	(tag) =	ssettag s2;
	_ =	strace s9  }
0x27: {  	s1 =	sld [smem:$0x3FA2]  }
0x28: {  	s2 =	sld [smem:$0x3FA3]  }
0x29: {  	s4 =	sld [smem:$0x3FA5]  }
0x2a: {  	p0 =	seq.s32 s5, $0x0;
	s5 =	sld [smem:$0x3FA6]  }
0x2b: {  	s6 =	sld [smem:$0x3FA7]  }
0x2c: {  	s7 =	sld [smem:$0x3FA8]  }
0x2d: {  	s3 =	simm.s32 $0x108;
	s8 =	sld [smem:$0x3FA9]  }
0x2e: {  	s3 =	simm.s32 @!p0 $0x1082;
	s9 =	sld [smem:$0x3FAA]  }
0x2f: {  	lr =	sadd.s32 s0, s3;
	s0 =	sld [smem:$0x3FA1]  }
0x30: {  	s3 =	sld [smem:$0x3FA4]  }
0x31: {  	[smem:$0x3FAD] =	sst s10  }
0x32: {  	s10 =	sld [smem:$0x3FAB];
	_ =	sdelay $0x3  }
0x33: {  	p0 =	seq.s32 s10, $0x1;
	s10 =	sld [smem:$0x3FAD];
	_ =	sdelay $0x3  }
0x34: {  	[smem:$0x3FAD] =	sst s10  }
0x35: {  	s10 =	sld [smem:$0x3FAC];
	_ =	sdelay $0x3  }
0x36: {  	p1 =	seq.s32 s10, $0x1;
	s10 =	sld [smem:$0x3FAD];
	_ =	sdelay $0x3  }
0x37: {  	[smem:$0x3FAD] =	sst s10  }
0x38: {  	s10 =	sld [smem:$0x3FAE]  }
0x39: {  	_ = 	snop;
	(pc) =	sbr.ind lr, $3  }
0x3a: {  	_ = 	snop  }
0x3b: {  	_ = 	snop  }
0x3c: {  	p2 =	seq.s32 s10, $0x1;
	s10 =	sld [smem:$0x3FAD]  }
0x3d: {  	_ =	shalt  }
0x3e: {  	_ =	shalt  }
0x3f: {  	_ =	shalt  }
0x40: {  	_ =	shalt  }
0x41: {  	_ =	shalt  }
0x42: {  	_ =	shalt  }
0x43: {  	_ =	shalt  }
0x44: {  	_ =	shalt  }
0x45: {  	_ =	shalt  }
0x46: {  	_ =	shalt  }
0x47: {  	_ =	shalt  }
0x48: {  	_ =	shalt  }
0x49: {  	_ =	shalt  }
0x4a: {  	_ =	shalt  }
0x4b: {  	_ =	shalt  }
0x4c: {  	_ =	shalt  }
0x4d: {  	_ =	shalt  }
0x4e: {  	_ =	shalt  }
0x4f: {  	_ =	shalt  }
0x50: {  	_ =	shalt  }
0x51: {  	_ =	shalt  }
0x52: {  	_ =	shalt  }
0x53: {  	_ =	shalt  }
0x54: {  	_ =	shalt  }
0x55: {  	_ =	shalt  }
0x56: {  	_ =	shalt  }
0x57: {  	_ =	shalt  }
0x58: {  	_ =	shalt  }
0x59: {  	_ =	shalt  }
0x5a: {  	_ =	shalt  }
0x5b: {  	_ =	shalt  }
0x5c: {  	_ =	shalt  }
0x5d: {  	_ =	shalt  }
0x5e: {  	_ =	shalt  }
0x5f: {  	_ =	shalt  }
0x60: {  	_ =	shalt  }
0x61: {  	_ =	shalt  }
0x62: {  	_ =	shalt  }
0x63: {  	_ =	shalt  }
0x64: {  	_ =	shalt  }
0x65: {  	_ =	shalt  }
0x66: {  	_ =	shalt  }
0x67: {  	_ =	shalt  }
0x68: {  	_ =	shalt  }
0x69: {  	_ =	shalt  }
0x6a: {  	_ =	shalt  }
0x6b: {  	_ =	shalt  }
0x6c: {  	_ =	shalt  }
0x6d: {  	_ =	shalt  }
0x6e: {  	_ =	shalt  }
0x6f: {  	_ =	shalt  }
0x70: {  	_ =	shalt  }
0x71: {  	_ =	shalt  }
0x72: {  	_ =	shalt  }
0x73: {  	_ =	shalt  }
0x74: {  	_ =	shalt  }
0x75: {  	_ =	shalt  }
0x76: {  	_ =	shalt  }
0x77: {  	_ =	shalt  }
0x78: {  	_ =	shalt  }
0x79: {  	_ =	shalt  }
0x7a: {  	_ =	shalt  }
0x7b: {  	_ =	shalt  }
0x7c: {  	_ =	shalt  }
0x7d: {  	_ =	shalt  }
0x7e: {  	_ =	shalt  }
0x7f: {  	_ =	shalt  }
0x80: {  	_ =	shalt  }
0x81: {  	_ =	shalt  }
0x82: {  	_ =	shalt  }
0x83: {  	_ =	shalt  }
0x84: {  	_ =	shalt  }
0x85: {  	_ =	shalt  }
0x86: {  	_ =	shalt  }
0x87: {  	_ =	shalt  }
.Lfunc_end0:
.L_simem_size_0:
called_computation.4_lowered:
.L_overlay_start_0:
0x88: {  	s2 =	sld [smem:$0x3FD9]  }
0x89: {  	s3 =	sld [smem:$0x3FFE];
	_ =	sdelay $0x1  }
0x8a: {  	s1 =	srdreg.scid  }
0x8b: {  	s0 =	sand.u32 $0x1, s1  }
0x8c: {  	s15 =	sshll.u32 s0, $0xA;
	s2 =	sadd.s32 s3, s2  }
0x8d: {  	s2 =	sadd.s32 s2, s15  }
0x8e: {  	[smem:$0x3FB9] =	sst s2  }
0x8f: {  	_ = 	snop  }
0x90: {  	s2 =	sld [smem:$0x3FD0];
	_ =	sdelay $0x2  }
0x91: {  	s16 =	simm.s32 $0xB;
	s4 =	simm.s32 $0x10  }
0x92: {  	[smem:s4], [sflag:s16] =	dma.local [hbm:s2], $0x1  }
0x93: {  	_ =	swait.eq [sflag:s16], $0x1  }
0x94: {  	[sflag:s16] =	ssyncset.done $0x0  }
0x95: {  	[sflag:s16] =	ssyncadd.s32 $0xFFFFFFFF  }
0x96: {  	s17 =	sld [smem:$0x10];
	(tm) =	ssettm $0x1  }
0x97: {  	s18 =	sld [smem:$0x3FFB];
	_ =	sdelay $0x3  }
0x98: {  	_ =	strace s18  }
0x99: {  	s2 =	sld [smem:$0x3FFC];
	_ =	sdelay $0x3  }
0x9a: {  	_ =	strace s2  }
0x9b: {  	s2 =	sld [smem:$0x3FFD];
	_ =	sdelay $0x3  }
0x9c: {  	_ =	strace s2  }
0x9d: {  	_ =	strace $0x8FFFFFFF  }
0x9e: {  	s19 =	sld [smem:$0x3FDB];
	_ =	sdelay $0x1  }
0x9f: {  	s20 =	simm.s32 $_scs_section_size  }
0xa0: {  	s5 =	simm.s32 $_size__tile_overlayer_lowered;
	s6 =	simm.s32 $_tile_overlayer_lowered  }
0xa1: {  	s7 =	simm.s32 $0x1BFF;
	s21 =	sshll.u32 s6, $0x1;
	s4 =	sadd.s32 s20, s19  }
0xa2: {  	s22 =	simm.s32 $0x0;
	s5 =	sshll.u32 s5, $0x1;
	s6 =	sadd.s32 s21, s4  }
0xa3: {  	[timem:s22], [sflag:s7] =	dma.local [hbm:s6], s5  }
0xa4: {  	_ =	swait.ge [sflag:s7], s5  }
0xa5: {  	s5 =	ssub.s32 $0x0, s5;
	[sflag:s7] =	ssyncset.done $0x0  }
0xa6: {  	[sflag:s7] =	ssyncadd.s32 s5;
	_ =	sdelay $0x1  }
0xa7: {  	s23 =	simm.s32 $0x1B8B  }
0xa8: {  	_ =	swait.ge [sflag:s23], $0x1  }
0xa9: {  	[sflag:s23] =	ssyncset.done $0x0  }
0xaa: {  	[sflag:s23] =	ssyncadd.s32 $0xFFFFFFFF  }
0xab: {  	s5 =	sld [smem:$0x0]  }
0xac: {  	s6 =	sand.u32 $0xFFFFFFFE, s1  }
0xad: {  	p0 =	sne.s32 s1, s6  }
0xae: {  	s6 =	sshll.u32 @p0 s6, $0xE  }
0xaf: {  	s6 =	sadd.s32 @p0 $0x11B8D, s6;
	s7 =	sshll.u32 @p0 s5, $0x11  }
0xb0: {  	s6 =	sor.u32 @p0 s7, s6  }
0xb1: {  	[sflag:s6] =	ssyncadd.remote.s32 @p0 $0x1;
	_ =	sdelay $0x1  }
0xb2: {  	s6 =	simm.s32 @p0 $0x1B8D  }
0xb3: {  	_ =	swait.eq @p0 [sflag:s6], $0x1  }
0xb4: {  	[sflag:s6] =	ssyncadd.s32 @p0 $0xFFFFFFFF  }
0xb5: {  	s7 =	sshll.u32 @!p0 s1, $0xE  }
0xb6: {  	s7 =	sor.u32 @!p0 $0x4000, s7;
	s6 =	simm.s32 @!p0 $0x1B8D  }
0xb7: {  	s5 =	sshll.u32 @!p0 s5, $0x11;
	s7 =	sadd.s32 @!p0 $0x11B8D, s7;
	_ =	swait.eq @!p0 [sflag:s6], $0x1  }
0xb8: {  	s5 =	sor.u32 @!p0 s5, s7;
	[sflag:s6] =	ssyncadd.s32 @!p0 $0xFFFFFFFF  }
0xb9: {  	s25 =	simm.s32 $0x1B8E;
	s24 =	sld [smem:$0x3FFE];
	[sflag:s5] =	ssyncadd.remote.s32 @!p0 $0x1  }
0xba: {  	s26 =	simm.s32 $execute0_lowered;
	[smem:$0x3FD2] =	sst s25  }
0xbb: {  	s6 =	sshll.u32 s26, $0x1;
	_ =	strace $0x8000004F;
	[dreg:$0x1] =	wrdreg $0xFFFFFFFF  }
0xbc: {  	s28 =	simm.s32 $_size_execute0_lowered;
	s4 =	sadd.s32 s4, s6;
	[dreg:$0x0] =	wrdreg $0x0  }
0xbd: {  	s6 =	sshll.u32 s28, $0x1;
	[dreg:$0x2] =	wrdreg s4  }
0xbe: {  	[dreg:$0x3] =	wrdreg s6  }
0xbf: {  	[dreg:$0x4] =	wrdreg $0xC0  }
0xc0: {  	_ =	task [dreg:s22], $0x5FFFF  }
0xc1: {  	[dreg:$0x1] =	wrdreg $0xFFFFFFFF  }
0xc2: {  	[dreg:$0x0] =	wrdreg $0x60  }
0xc3: {  	[dreg:$0x2] =	wrdreg s24  }
0xc4: {  	[dreg:$0x3] =	wrdreg s17  }
0xc5: {  	[dreg:$0x4] =	wrdreg $0x81000  }
0xc6: {  	[dreg:$0x5] =	wrdreg $0xA  }
0xc7: {  	_ =	task.clear_ibuf [dreg:s22], $0x6FFFF;
	_ =	strace $0x9000004F  }
0xc8: {  	s29 =	simm.s32 $0xA;
	_ =	strace $0x80000051  }
0xc9: {  	_ =	swait.ge [sflag:s29], $0x1  }
0xca: {  	[sflag:s29] =	ssyncadd.s32 $0xFFFFFFFF  }
0xcb: {  	_ =	strace $0x90000051  }
0xcc: {  	_ =	sfence  }
0xcd: {  	s30 =	sld [smem:$0x0];
	_ =	sdelay $0x2  }
0xce: {  	s31 =	sshll.u32 s1, $0xD;
	s1 =	sshrl.u32 s1, $0x2  }
0xcf: {  	s4 =	sand.u32 $0x4000, s31;
	s1 =	sadd.s32 s1, s30  }
0xd0: {  	s0 =	sor.u32 s4, s0;
	s1 =	sshll.u32 s1, $0x11  }
0xd1: {  	s0 =	sor.u32 s1, s0  }
0xd2: {  	s0 =	sadd.s32 $0x8F2B, s0  }
0xd3: {  	[sflag:s0] =	ssyncadd.remote.s32 $0x1  }
0xd4: {  	_ =	sfence.sel $0xFFFF  }
0xd5: {  	[dreg:$0x0] =	wrdreg $0xFFFFFFFF;
	(pc) =	sbr.abs _section_cstart, $3  }
0xd6: {  	[dreg:$0x1] =	wrdreg $0xFFFFFFFF  }
0xd7: {  	_ =	task.clear_ibuf [dreg:s22], $0x2FFFF;
	_ =	strace $0x9FFFFFFF  }
0xd8: {  	(tm) =	ssettm $0x7FFFFFFF  }
0xd9: {  	_ =	shalt  }
tec
execute0_lowered:
.L_overlay_start_1:
0x0: {  	(tag) =	ssettag $0x1  }
0x1: {  	s3 =	rddreg [dreg:$0x0]  }
0x2: {  	s10 =	rddreg [dreg:$0x1]  }
0x3: {  	s1 =	rddreg [dreg:$0x2]  }
0x4: {  	s24 =	stileid.u32;
	s4 =	srdreg.scid;
	s2 =	simm.s32 $0x0  }
0x5: {  	s5 =	smul.u32 $0x13C00, s24;
	s11 =	sand.u32 $0x1, s4;
	[smem:$0x7FF] =	sst s2  }
0x6: {  	s12 =	sadd.s32 $0x4EEC00, s3;
	s7 =	smul.u32 $0x4F000, s24;
	s13 =	sshll.u32 s24, $0x1  }
0x7: {  	s23 =	sshll.u32 s24, $0x6;
	s16 =	sadd.s32 $0x4E20, s10;
	s28 =	sshll.u32 s24, $0x5  }
0x8: {  	s30 =	sshll.u32 s24, $0xC;
	p0 =	sne.s32 s24, $0x0;
	s24 =	simm.s32 $0x0  }
0x9: {  	s4 =	smul.u32 $0x13C000, s11;
	_ =	strace $0x80000050;
	s20 =	ssub.s32 $0x2, s11  }
0xa: {  	s14 =	sor.u32 s11, s13;
	s17 =	sshll.u32 s11, $0x4;
	s18 =	sadd.s32 s30, s12  }
0xb: {  	s19 =	sshll.u32 s11, $0xB;
	s13 =	sor.u32 $0xFFFFFFE0, s13;
	s6 =	sshrl.u32 s5, $0x3  }
0xc: {  	s21 =	sshrl.u32 s20, $0x1;
	s22 =	sshrl.u32 s7, $0x2;
	s25 =	sshll.u32 s14, $0x4  }
0xd: {  	s26 =	sshll.u32 s14, $0xB;
	s31 =	sadd.s32 s19, s18;
	s18 =	simm.s32 $0x4000  }
0xe: {  	s19 =	simm.s32 $0x1;
	s6 =	sadd.s32 s6, s3;
	s4 =	sadd.s32 s5, s4  }
0xf: {  	s9 =	ssub.s32 s20, s21;
	s15 =	sadd.s32 s22, s1;
	s5 =	sadd.s32 s25, s16  }
0x10: {  	s20 =	simm.s32 $0x80;
	s21 =	simm.s32 $0x3;
	s4 =	sshrl.u32 s4, $0x3  }
0x11: {  	s22 =	simm.s32 $0x2;
	s8 =	sadd.s32 s4, s3;
	s3 =	sadd.s32 $0xCC00, s6  }
0x12: {  	s4 =	sor.u32 $0x1C05, s23;
	s23 =	sor.u32 $0x4E0, s14;
	s6 =	sadd.s32 s12, s26  }
0x13: {  	s7 =	sadd.s32 $0x34400, s8;
	s14 =	sshll.u32 s23, $0x4;
	s8 =	smax.u32 s9, $0x1  }
0x14: {  	s29 =	sshll.u32 s23, $0xB;
	p1 =	sgt.u32 s23, $0x4E1;
	s23 =	simm.s32 $0x4  }
0x15: {  	s9 =	sadd.s32 s14, s16;
	s14 =	sadd.s32 s28, s10;
	s10 =	sadd.s32 s12, s29  }
0x16: {  	s12 =	sadd.s32 $0x10000, s31;
	s16 =	simm.s32 $0x8000;
	s11 =	sadd.s32 s17, s14  }
0x17: {  	s14 =	sshrl.u32 s15, $0x3;
	s15 =	simm.s32 $0x5;
	s17 =	simm.s32 $0x8080  }
.LBB2_1:
0x18: {  	[spmem:s14], [sflag:s4] =	dma.local [hbm:s3], $0x2780  }
0x19: {  	_ =	swait.ge [sflag:s15], $0x2780  }
0x1a: {  	[sflag:s15] =	ssyncset.done $0x0  }
0x1b: {  	[sflag:s15] =	ssyncadd.s32 $0xFFFFD880  }
0x1c: {  	[bflag:$0x0] =	sbarrier.arrive $0xFFFF  }
0x1d: {  	[tilespmem:s16], [sflag:$0x5] =	stream.linear.gather [hbm4b:s5+s2], $0x80, $0x38;
	[tilespmem:$0x1BD00] =	vst v63  }
0x1e: {  	_ =	swait.ge [sflag:s15], $0x80  }
0x1f: {  	p2 =	sgt.u32 s13, $0x4E1;
	[sflag:s15] =	ssyncset.done $0x0  }
0x20: {  	s25 =	simm.s32 @!p2 $0x4;
	[sflag:s15] =	ssyncadd.s32 $0xFFFFFF80  }
0x21: {  	[tilespmem:s2], [sflag:$0x1] =	stream.linear.gather [hbm4b:s6+s2], $0x4000, $0x38;
	[tilespmem:$0x1BD00] =	vst v63  }
0x22: {  	_ =	swait.ge @!p2 [sflag:s25], $0x4000  }
0x23: {  	s26 =	sadd.s32 $0x0, s11;
	[sflag:s25] =	ssyncset.done @!p2 $0x0  }
0x24: {  	s0 =	sadd.s32 $0x5020, s26;
	[sflag:s25] =	ssyncadd.s32 @!p2 $0xFFFFC000  }
0x25: {  	[tilespmem:s17], [sflag:$0x5] =	stream.linear.gather [hbm4b:s0+s2], $0x80, $0x38;
	[tilespmem:$0x1BD00] =	vst v63  }
0x26: {  	_ =	swait.ge [sflag:s15], $0x80  }
0x27: {  	[sflag:s15] =	ssyncset.done $0x0  }
0x28: {  	[sflag:s15] =	ssyncadd.s32 $0xFFFFFF80  }
0x29: {  	[tilespmem:s18], [sflag:$0x2] =	stream.linear.gather [hbm4b:s12+s2], $0x4000, $0x38;
	[tilespmem:$0x1BD00] =	vst v63  }
0x2a: {  	_ =	swait.ge [sflag:s19], $0x4000  }
0x2b: {  	[sflag:s19] =	ssyncset.done $0x0  }
0x2c: {  	[sflag:s19] =	ssyncadd.s32 $0xFFFFC000  }
0x2d: {  	[spmem:s1] =	stream.indirect.scatter.add.f32 [tilespmem:s2], [sflag:$0x3], $0x80, s16, s20, $0xb8;
	[tilespmem:$0x1BD00] =	vst v63  }
0x2e: {  	_ =	swait.ge [sflag:s21], $0x4000  }
0x2f: {  	[sflag:s21] =	ssyncset.done $0x0  }
0x30: {  	s30 =	sadd.s32 $0x5220, s26;
	[sflag:s21] =	ssyncadd.s32 $0xFFFFC000  }
0x31: {  	[tilespmem:s16], [sflag:$0x5] =	stream.linear.gather [hbm4b:s30+s2], $0x80, $0x38;
	[tilespmem:$0x1BD00] =	vst v63  }
0x32: {  	_ =	swait.ge [sflag:s15], $0x80  }
0x33: {  	[sflag:s15] =	ssyncset.done $0x0  }
0x34: {  	s31 =	sadd.s32 $0x10000, s12;
	s28 =	simm.s32 $0x800;
	[sflag:s15] =	ssyncadd.s32 $0xFFFFFF80  }
0x35: {  	[tilespmem:s2], [sflag:$0x1] =	stream.linear.gather [hbm4b:s31+s2], $0x4000, $0x38;
	[tilespmem:$0x1BD00] =	vst v63  }
0x36: {  	s29 =	sadd.s32 $0x40, s13;
	s26 =	simm.s32 $0x400;
	_ =	swait.ge [sflag:s22], $0x4000  }
0x37: {  	p3 =	sgt.u32 s29, $0x4E1;
	s25 =	sadd.s32 $0x20000, s12;
	[sflag:s22] =	ssyncset.done $0x0  }
.LBB2_2:
0x38: {  	s30 =	simm.s32 @!p3 $0x4  }
0x39: {  	[sflag:s22] =	ssyncadd.s32 $0xFFFFC000;
	s31 =	smov.u32 s28;
	s28 =	sadd.s32 $0x400, s28  }
0x3a: {  	[spmem:s1] =	stream.indirect.scatter.add.f32 [tilespmem:s18], [sflag:$0x4], $0x80, s17, s20, $0xb8;
	[tilespmem:$0x1BD00] =	vst v63  }
0x3b: {  	p2 =	sne.s32 s28, $0x4C00;
	_ =	swait.ge @!p3 [sflag:s30], $0x4000  }
0x3c: {  	s0 =	sadd.s32 s26, s11;
	s26 =	smov.u32 s31;
	[sflag:s30] =	ssyncset.done @!p3 $0x0  }
0x3d: {  	[sflag:s30] =	ssyncadd.s32 @!p3 $0xFFFFC000;
	s30 =	sadd.s32 $0x5020, s0  }
0x3e: {  	[tilespmem:s17], [sflag:$0x5] =	stream.linear.gather [hbm4b:s30+s2], $0x80, $0x38;
	[tilespmem:$0x1BD00] =	vst v63  }
0x3f: {  	_ =	swait.ge [sflag:s15], $0x80  }
0x40: {  	[sflag:s15] =	ssyncset.done $0x0  }
0x41: {  	[sflag:s15] =	ssyncadd.s32 $0xFFFFFF80  }
0x42: {  	[tilespmem:s18], [sflag:$0x2] =	stream.linear.gather [hbm4b:s25+s2], $0x4000, $0x38;
	[tilespmem:$0x1BD00] =	vst v63  }
0x43: {  	_ =	swait.ge [sflag:s19], $0x4000  }
0x44: {  	[sflag:s19] =	ssyncset.done $0x0  }
0x45: {  	[sflag:s19] =	ssyncadd.s32 $0xFFFFC000  }
0x46: {  	[spmem:s1] =	stream.indirect.scatter.add.f32 [tilespmem:s2], [sflag:$0x3], $0x80, s16, s20, $0xb8;
	[tilespmem:$0x1BD00] =	vst v63  }
0x47: {  	_ =	swait.ge [sflag:s21], $0x4000  }
0x48: {  	[sflag:s21] =	ssyncset.done $0x0  }
0x49: {  	s0 =	sadd.s32 $0x5220, s0;
	[sflag:s21] =	ssyncadd.s32 $0xFFFFC000  }
0x4a: {  	[tilespmem:s16], [sflag:$0x5] =	stream.linear.gather [hbm4b:s0+s2], $0x80, $0x38;
	[tilespmem:$0x1BD00] =	vst v63  }
0x4b: {  	_ =	swait.ge [sflag:s15], $0x80  }
.Ltmp0:
0x4c: {  	[sflag:s15] =	ssyncset.done $0x0;
	(pc) =	sbr.rel @p2 .LBB2_2-.Ltmp0, $4  }
0x4d: {  	s0 =	sadd.s32 $0x10000, s25;
	[sflag:s15] =	ssyncadd.s32 $0xFFFFFF80  }
0x4e: {  	[tilespmem:s2], [sflag:$0x1] =	stream.linear.gather [hbm4b:s0+s2], $0x4000, $0x38;
	[tilespmem:$0x1BD00] =	vst v63  }
0x4f: {  	s29 =	sadd.s32 $0x40, s29;
	_ =	swait.ge [sflag:s22], $0x4000  }
0x50: {  	p3 =	sgt.u32 s29, $0x4E1;
	s25 =	sadd.s32 $0x20000, s25;
	[sflag:s22] =	ssyncset.done $0x0  }
0x51: {  	s0 =	simm.s32 @!p3 $0x4;
	[sflag:s22] =	ssyncadd.s32 $0xFFFFC000  }
0x52: {  	[spmem:s1] =	stream.indirect.scatter.add.f32 [tilespmem:s18], [sflag:$0x4], $0x80, s17, s20, $0xb8;
	[tilespmem:$0x1BD00] =	vst v63  }
0x53: {  	_ =	swait.ge @!p3 [sflag:s0], $0x4000  }
0x54: {  	s26 =	sadd.s32 s26, s11;
	[sflag:s0] =	ssyncset.done @!p3 $0x0  }
0x55: {  	s29 =	sadd.s32 $0x5020, s26;
	[sflag:s0] =	ssyncadd.s32 @!p3 $0xFFFFC000  }
0x56: {  	[tilespmem:s17], [sflag:$0x5] =	stream.linear.gather [hbm4b:s29+s2], $0x80, $0x38;
	[tilespmem:$0x1BD00] =	vst v63  }
0x57: {  	_ =	swait.ge [sflag:s15], $0x80  }
0x58: {  	[sflag:s15] =	ssyncset.done $0x0  }
0x59: {  	[sflag:s15] =	ssyncadd.s32 $0xFFFFFF80  }
0x5a: {  	[tilespmem:s18], [sflag:$0x2] =	stream.linear.gather [hbm4b:s25+s2], $0x4000, $0x38;
	[tilespmem:$0x1BD00] =	vst v63  }
0x5b: {  	_ =	swait.ge [sflag:s19], $0x4000  }
0x5c: {  	[sflag:s19] =	ssyncset.done $0x0  }
0x5d: {  	[sflag:s19] =	ssyncadd.s32 $0xFFFFC000  }
0x5e: {  	[spmem:s1] =	stream.indirect.scatter.add.f32 [tilespmem:s2], [sflag:$0x3], $0x80, s16, s20, $0xb8;
	[tilespmem:$0x1BD00] =	vst v63  }
0x5f: {  	_ =	swait.ge [sflag:s21], $0x4000  }
0x60: {  	[sflag:s21] =	ssyncset.done $0x0  }
0x61: {  	s30 =	sadd.s32 $0x5220, s26;
	[sflag:s21] =	ssyncadd.s32 $0xFFFFC000  }
0x62: {  	[tilespmem:s16], [sflag:$0x5] =	stream.linear.gather [hbm4b:s30+s2], $0x80, $0x38;
	[tilespmem:$0x1BD00] =	vst v63  }
0x63: {  	_ =	swait.ge [sflag:s15], $0x80  }
0x64: {  	[sflag:s15] =	ssyncset.done $0x0  }
0x65: {  	s31 =	sadd.s32 $0x10000, s25;
	[sflag:s15] =	ssyncadd.s32 $0xFFFFFF80  }
0x66: {  	[tilespmem:s2], [sflag:$0x1] =	stream.linear.gather [hbm4b:s31+s2], $0x4000, $0x38;
	[tilespmem:$0x1BD00] =	vst v63  }
0x67: {  	_ =	swait.ge [sflag:s22], $0x4000  }
0x68: {  	[sflag:s22] =	ssyncset.done $0x0  }
0x69: {  	[sflag:s22] =	ssyncadd.s32 $0xFFFFC000  }
0x6a: {  	[spmem:s1] =	stream.indirect.scatter.add.f32 [tilespmem:s18], [sflag:$0x4], $0x80, s17, s20, $0xb8;
	[tilespmem:$0x1BD00] =	vst v63  }
0x6b: {  	_ =	swait.ge [sflag:s23], $0x4000  }
0x6c: {  	[sflag:s23] =	ssyncset.done $0x0  }
0x6d: {  	s0 =	simm.s32 @p1 $0x1;
	[sflag:s23] =	ssyncadd.s32 $0xFFFFC000  }
0x6e: {  	_ =	swait.ge @p1 [sflag:s0], $0x4000  }
0x6f: {  	s26 =	simm.s32 @p1 $0x0;
	[sflag:s0] =	ssyncset.done @p1 $0x0  }
0x70: {  	s25 =	simm.s32 @p1 $0x8000;
	[sflag:s0] =	ssyncadd.s32 @p1 $0xFFFFC000;
	s0 =	simm.s32 @p1 $0x80  }
0x71: {  	[spmem:s1] =	stream.indirect.scatter.add.f32 @p1 [tilespmem:s26], [sflag:$0x3], $0x80, s25, s0, $0xb8;
	[tilespmem:$0x1BD00] =	vst v63  }
0x72: {  	s0 =	simm.s32 @p1 $0x3  }
0x73: {  	_ =	swait.ge @p1 [sflag:s0], $0x4000  }
0x74: {  	s25 =	simm.s32 @!p1 $0x8080;
	[sflag:s0] =	ssyncset.done @p1 $0x0  }
0x75: {  	s26 =	simm.s32 @!p1 $0x5;
	[sflag:s0] =	ssyncadd.s32 @p1 $0xFFFFC000;
	s0 =	simm.s32 @!p1 $0x0  }
0x76: {  	[tilespmem:s25], [sflag:$0x5] =	stream.linear.gather @!p1 [hbm4b:s9+s0], $0x80, $0x38;
	[tilespmem:$0x1BD00] =	vst v63  }
0x77: {  	_ =	swait.ge @!p1 [sflag:s26], $0x80  }
0x78: {  	[sflag:s26] =	ssyncset.done @!p1 $0x0  }
0x79: {  	s28 =	simm.s32 @!p1 $0x1;
	[sflag:s26] =	ssyncadd.s32 @!p1 $0xFFFFFF80;
	s26 =	simm.s32 @!p1 $0x4000  }
0x7a: {  	[tilespmem:s26], [sflag:$0x2] =	stream.linear.gather @!p1 [hbm4b:s10+s0], $0x4000, $0x38;
	[tilespmem:$0x1BD00] =	vst v63  }
0x7b: {  	_ =	swait.ge @!p1 [sflag:s28], $0x4000  }
0x7c: {  	[sflag:s28] =	ssyncset.done @!p1 $0x0  }
0x7d: {  	s29 =	simm.s32 @!p1 $0x8000;
	[sflag:s28] =	ssyncadd.s32 @!p1 $0xFFFFC000;
	s28 =	simm.s32 @!p1 $0x80  }
0x7e: {  	[spmem:s1] =	stream.indirect.scatter.add.f32 @!p1 [tilespmem:s0], [sflag:$0x3], $0x80, s29, s28, $0xb8;
	[tilespmem:$0x1BD00] =	vst v63  }
0x7f: {  	s0 =	simm.s32 @!p1 $0x3  }
0x80: {  	_ =	swait.ge @!p1 [sflag:s0], $0x4000  }
0x81: {  	[sflag:s0] =	ssyncset.done @!p1 $0x0  }
0x82: {  	[sflag:s0] =	ssyncadd.s32 @!p1 $0xFFFFC000;
	s0 =	simm.s32 @!p1 $0x2  }
0x83: {  	_ =	swait.ge @!p1 [sflag:s0], $0x4000  }
0x84: {  	[sflag:s0] =	ssyncset.done @!p1 $0x0  }
0x85: {  	[sflag:s0] =	ssyncadd.s32 @!p1 $0xFFFFC000;
	s0 =	simm.s32 @!p0 $0x4  }
0x86: {  	[spmem:s1] =	stream.indirect.scatter.add.f32 @!p1 [tilespmem:s26], [sflag:$0x4], $0x80, s25, s28, $0xb8;
	[tilespmem:$0x1BD00] =	vst v63  }
0x87: {  	_ =	swait.ge @!p0 [sflag:s0], $0x4000  }
0x88: {  	s24 =	sadd.s32 $0x1, s24;
	[sflag:s0] =	ssyncset.done @!p0 $0x0  }
0x89: {  	p2 =	sne.s32 s24, s8;
	[sflag:s0] =	ssyncadd.s32 @!p0 $0xFFFFC000  }
.Ltmp1:
0x8a: {  	[bflag:$0x0] =	sbarrier.arrive $0xFFFF;
	(pc) =	sbr.rel @p2 .LBB2_1-.Ltmp1, $4  }
0x8b: {  	[hbm:s7], [sflag:s4] =	dma.local [spmem:s14], $0x2780  }
0x8c: {  	_ =	swait.ge [sflag:s15], $0x2780  }
0x8d: {  	[sflag:s15] =	ssyncset.done $0x0  }
0x8e: {  	[sflag:s15] =	ssyncadd.s32 $0xFFFFD880  }
0x8f: {  	_ =	sfence.sel $0x180000  }
0x90: {  	[bflag:$0x0] =	sbarrier.arrive $0xFFFF  }
0x91: {  	_ =	strace $0x90000050  }
0x92: {  	[bflag:$0x2] =	sbarrier.arrive $0xFFFF  }
0x93: {  	s0 =	rddreg [dreg:$0x3]  }
0x94: {  	s0 =	sadd.s32 @!p0 $0x100000, s0  }
0x95: {  	[sflag:s0] =	ssyncadd.tile.s32 @!p0 $0x1;
	_ =	shalt  }
.Lfunc_end2:
_tile_overlayer_lowered:
.L_overlay_start_2:
0x96: {  	(tag) =	ssettag $0x2  }
0x97: {  	s0 =	rddreg [dreg:$0x0];
	s2 =	stileid.u32  }
0x98: {  	s1 =	rddreg [dreg:$0x1];
	p0 =	sne.s32 s2, $0x0  }
0x99: {  	s3 =	rddreg [dreg:$0x2];
	[bflag:$0x3] =	sbarrier.arrive $0xFFFF;
	s2 =	simm.s32 @!p0 $0x1C05  }
0x9a: {  	[timem:s3], [sflag:s2] =	dma.local @!p0 [hbm:s0], s1  }
0x9b: {  	s0 =	simm.s32 @!p0 $0x5  }
0x9c: {  	_ =	swait.ge @!p0 [sflag:s0], s1  }
0x9d: {  	s1 =	ssub.s32 @!p0 $0x0, s1;
	[sflag:s0] =	ssyncset.done @!p0 $0x0  }
0x9e: {  	[sflag:s0] =	ssyncadd.s32 @!p0 s1  }
0x9f: {  	[bflag:$0x3] =	sbarrier.arrive $0xFFFF  }
0xa0: {  	_ =	shalt  }

</sc_bundles>
